<compile_context>
chip_gen: v7x
topology: tpu7x:2x2x1
jax: 0.10.2.dev20260603
libtpu: 0.0.44.dev20260713+nightly
codegen_flags: <defaults>
</compile_context>

<pallas_src>
import functools

import jax
import jax.numpy as jnp
from jax import lax
from jax.experimental import pallas as pl
from jax.experimental.pallas import tpu as pltpu
from jax.experimental.pallas import tpu_sc as plsc

DIM = 512
H = 16
K = 32
HD = DIM // H
BIG = 3.0e38


def _qkv_body(x_ref, wq_ref, bq_ref, wk_ref, bk_ref, wv_ref, bv_ref,
              q_ref, k_ref, v_ref):
    xb = x_ref[...]
    q_ref[...] = jnp.dot(xb, wq_ref[...],
                         preferred_element_type=jnp.float32) + bq_ref[...]
    k_ref[...] = jnp.dot(xb, wk_ref[...],
                         preferred_element_type=jnp.float32) + bk_ref[...]
    v_ref[...] = jnp.dot(xb, wv_ref[...],
                         preferred_element_type=jnp.float32) + bv_ref[...]


def _qkv_proj(x2d, wq, bq, wk, bk, wv, bv, blk):
    n = x2d.shape[0]
    bs_w = pl.BlockSpec((DIM, DIM), lambda i: (0, 0))
    bs_b = pl.BlockSpec((1, DIM), lambda i: (0, 0))
    bs_x = pl.BlockSpec((blk, DIM), lambda i: (i, 0))
    out_sd = jax.ShapeDtypeStruct((n, DIM), jnp.float32)
    return pl.pallas_call(
        _qkv_body,
        grid=(n // blk,),
        in_specs=[bs_x, bs_w, bs_b, bs_w, bs_b, bs_w, bs_b],
        out_specs=[bs_x, bs_x, bs_x],
        out_shape=[out_sd, out_sd, out_sd],
    )(x2d, wq, bq.reshape(1, DIM), wk, bk.reshape(1, DIM),
      wv, bv.reshape(1, DIM))


def _sc_knn_rel(xyzx, xyzy, xyzz, xbx, xby, xbz, rows, n):
    nw = 32
    per_w = rows // nw
    qchunk = 64
    ngrp = n // 16
    cap = n + 16
    mesh = plsc.VectorSubcoreMesh(core_axis_name="c", subcore_axis_name="s")

    @functools.partial(
        pl.kernel,
        mesh=mesh,
        compiler_params=pltpu.CompilerParams(needs_layout_passes=False),
        out_type=[
            jax.ShapeDtypeStruct((rows * K,), jnp.int32),
            jax.ShapeDtypeStruct((rows * K * 16,), jnp.float32),
        ],
        scratch_types=[
            pltpu.VMEM((rows,), jnp.float32),
            pltpu.VMEM((rows,), jnp.float32),
            pltpu.VMEM((rows,), jnp.float32),
            pltpu.VMEM((rows,), jnp.float32),
            pltpu.VMEM((rows,), jnp.float32),
            pltpu.VMEM((rows,), jnp.float32),
            pltpu.VMEM((rows,), jnp.float32),
            pltpu.VMEM((n,), jnp.float32),
            pltpu.VMEM((cap,), jnp.float32),
            pltpu.VMEM((cap,), jnp.int32),
            pltpu.VMEM((qchunk * K,), jnp.int32),
            pltpu.VMEM((qchunk * K * 16,), jnp.float32),
        ],
    )
    def k(xx_hbm, xy_hbm, xz_hbm, bx_hbm, by_hbm, bz_hbm, idx_hbm, rel_hbm,
          xx, xy, xz, bx, by, bz, n2, d2r, cval, cidx, idx_v, nb_v):
        cid = lax.axis_index("c")
        sid = lax.axis_index("s")
        wid = sid * 2 + cid
        base = pl.multiple_of(wid * per_w, 8)
        boff = pl.multiple_of((wid // 16) * n, 8)
        pltpu.sync_copy(xx_hbm, xx)
        pltpu.sync_copy(xy_hbm, xy)
        pltpu.sync_copy(xz_hbm, xz)
        pltpu.sync_copy(bx_hbm, bx)
        pltpu.sync_copy(by_hbm, by)
        pltpu.sync_copy(bz_hbm, bz)
        iota16 = lax.iota(jnp.int32, 16)
        zeros16 = jnp.zeros((16,), jnp.float32)
        bigv = jnp.full((16,), BIG, jnp.float32)
        ibig = jnp.full((16,), jnp.int32(2**31 - 1), jnp.int32)

        def n2_body(g, _):
            vx = xx[pl.ds(g * 16, 16)]
            vy = xy[pl.ds(g * 16, 16)]
            vz = xz[pl.ds(g * 16, 16)]
            n2[pl.ds(g * 16, 16)] = vx * vx + vy * vy + vz * vz
            return 0

        lax.fori_loop(0, rows // 16, n2_body, 0)

        def z_body(z, _):
            nb_v[pl.ds(z * 16, 16)] = zeros16
            return 0

        lax.fori_loop(0, qchunk * K, z_body, 0)

        def q_body(qi2, _):
            ci = qi2 // qchunk
            qi = qi2 - ci * qchunk
            r = base + qi2
            rsp = jnp.full((16,), r, jnp.int32)
            qxv = plsc.load_gather(xx, [rsp])
            qyv = plsc.load_gather(xy, [rsp])
            qzv = plsc.load_gather(xz, [rsp])
            qbx = plsc.load_gather(bx, [rsp])
            qby = plsc.load_gather(by, [rsp])
            qbz = plsc.load_gather(bz, [rsp])
            qnv = plsc.load_gather(n2, [rsp])

            def p1(c4, carry):
                m1, m2 = carry
                for u in range(8):
                    c = c4 * 8 + u
                    o = pl.multiple_of(boff + c * 16, 8)
                    s = (bx[pl.ds(o, 16)] * qbx + by[pl.ds(o, 16)] * qby
                         + bz[pl.ds(o, 16)] * qbz)
                    d = jnp.maximum(qnv + n2[pl.ds(o, 16)] - 2.0 * s, 0.0)
                    d2r[pl.ds(c * 16, 16)] = d
                    upd = d < m1
                    m2 = jnp.where(upd, m1, jnp.minimum(m2, d))
                    m1 = jnp.minimum(m1, d)
                return m1, m2

            _, m2 = lax.fori_loop(0, ngrp // 8, p1, (bigv, bigv))
            thr = jnp.full((16,), jnp.max(m2), jnp.float32)

            def p2(c4, off_v):
                for u in range(4):
                    c = c4 * 4 + u
                    v = d2r[pl.ds(c * 16, 16)]
                    msk = v <= thr
                    cs = plsc.cumsum(jnp.where(msk, 1, 0).astype(jnp.int32))
                    pos = off_v + cs - 1
                    plsc.store_scatter(cval, [pos], v, mask=msk)
                    plsc.store_scatter(cidx, [pos], boff + c * 16 + iota16,
                                       mask=msk)
                    pc = plsc.all_reduce_population_count(msk)
                    off_v = off_v + pc
                return off_v

            off_v = lax.fori_loop(0, ngrp // 4, p2,
                                  jnp.zeros((16,), jnp.int32))
            cnt = off_v[0]
            cval[pl.ds(cnt, 16)] = bigv
            nv = (cnt + 15) // 16

            def ext(c2, carry):
                ak, av, bk, bv = carry
                ck = cval[pl.ds(c2 * 16, 16)]
                cv = cidx[pl.ds(c2 * 16, 16)]
                ck, cv = plsc.sort_key_val(ck, cv)
                rk = lax.rev(ck, (0,))
                rv = lax.rev(cv, (0,))
                mm = bk <= rk
                lk = jnp.where(mm, bk, rk)
                lv = jnp.where(mm, bv, rv)
                lk, lv = plsc.sort_key_val(lk, lv)
                rk2 = lax.rev(lk, (0,))
                rv2 = lax.rev(lv, (0,))
                m2 = ak <= rk2
                nak = jnp.where(m2, ak, rk2)
                nav = jnp.where(m2, av, rv2)
                hbk = jnp.where(m2, rk2, ak)
                hbv = jnp.where(m2, rv2, av)
                ak, av = plsc.sort_key_val(nak, nav)
                bk, bv = plsc.sort_key_val(hbk, hbv)
                return ak, av, bk, bv

            zi = jnp.zeros((16,), jnp.int32)
            _, sel_lo, _, sel_hi = lax.fori_loop(
                0, nv, ext, (bigv, zi, bigv, zi))
            idx_v[pl.ds(qi * K, 16)] = sel_lo
            idx_v[pl.ds(qi * K + 16, 16)] = sel_hi

            for half, sel in ((0, sel_lo), (1, sel_hi)):
                offs = qi * K * 16 + half * 256 + iota16 * 16
                plsc.store_scatter(nb_v, [offs],
                                   qxv - plsc.load_gather(xx, [sel]))
                plsc.store_scatter(nb_v, [offs + 1],
                                   qyv - plsc.load_gather(xy, [sel]))
                plsc.store_scatter(nb_v, [offs + 2],
                                   qzv - plsc.load_gather(xz, [sel]))

            @pl.when(qi == qchunk - 1)
            def _flush():
                row0 = pl.multiple_of(base + ci * qchunk, 8)
                pltpu.sync_copy(
                    idx_v, idx_hbm.at[pl.ds(row0 * K, qchunk * K)])
                pltpu.sync_copy(
                    nb_v, rel_hbm.at[pl.ds(row0 * K * 16, qchunk * K * 16)])

            return 0

        lax.fori_loop(0, per_w, q_body, 0)

    return k(xyzx, xyzy, xyzz, xbx, xby, xbz)


def _bias_body(rel_ref, w1_ref, b1_ref, w2_ref, b2_ref, out_ref):
    h1 = jnp.dot(rel_ref[...], w1_ref[...],
                 preferred_element_type=jnp.float32) + b1_ref[...]
    h1 = jnp.maximum(h1, 0.0)
    out_ref[...] = jnp.dot(h1, w2_ref[...],
                           preferred_element_type=jnp.float32) + b2_ref[...]


def _bias_mlp(rel16, w1p, b1, w2t, b2, blk):
    rows = rel16.shape[0]
    return pl.pallas_call(
        _bias_body,
        grid=(rows // blk,),
        in_specs=[
            pl.BlockSpec((blk, 16), lambda i: (i, 0)),
            pl.BlockSpec((16, 32), lambda i: (0, 0)),
            pl.BlockSpec((1, 32), lambda i: (0, 0)),
            pl.BlockSpec((32, 16), lambda i: (0, 0)),
            pl.BlockSpec((1, 16), lambda i: (0, 0)),
        ],
        out_specs=pl.BlockSpec((blk, 16), lambda i: (i, 0)),
        out_shape=jax.ShapeDtypeStruct((rows, 16), jnp.float32),
    )(rel16, w1p, b1.reshape(1, 32), w2t, b2.reshape(1, 16))


def _sc_attend(qT, kT, vT, bias3, idx2d, rows):
    nw = 32
    per_w = rows // nw
    scale = float(1.0 / (HD ** 0.5))
    mesh = plsc.VectorSubcoreMesh(core_axis_name="c", subcore_axis_name="s")

    @functools.partial(
        pl.kernel,
        mesh=mesh,
        compiler_params=pltpu.CompilerParams(needs_layout_passes=False),
        out_type=jax.ShapeDtypeStruct((rows, DIM), jnp.float32),
        scratch_types=[
            pltpu.VMEM((per_w * K,), jnp.int32),
            pltpu.VMEM((K, DIM), jnp.float32),
            pltpu.VMEM((K, DIM), jnp.float32),
            pltpu.VMEM((DIM,), jnp.float32),
            pltpu.VMEM((K * H,), jnp.float32),
            pltpu.VMEM((DIM,), jnp.float32),
            pltpu.SemaphoreType.DMA,
            pltpu.SemaphoreType.DMA,
        ],
    )
    def k(q_hbm, k_hbm, v_hbm, bias_hbm, idx_hbm, out_hbm,
          idx_v, kb, vb, qb, sb, ob, semk, semv):
        cid = lax.axis_index("c")
        sid = lax.axis_index("s")
        wid = sid * 2 + cid
        base = pl.multiple_of(wid * per_w, 8)
        pltpu.sync_copy(idx_hbm.at[pl.ds(base * K, per_w * K)], idx_v)

        def attend_one(r, ck, cv):
            pltpu.sync_copy(q_hbm.at[r], qb)
            pltpu.sync_copy(bias_hbm.at[r], sb)
            ck.wait()

            def sc_body(d, accs):
                qv = qb[pl.ds(d * H, H)]
                return tuple(accs[j] + qv * kb[j, pl.ds(d * H, H)]
                             for j in range(K))

            accs = lax.fori_loop(
                0, HD, sc_body,
                tuple(jnp.zeros((H,), jnp.float32) for _ in range(K)))
            s = [accs[j] * scale + sb[pl.ds(j * H, H)] for j in range(K)]

            t = list(s)
            while len(t) > 1:
                t = [jnp.maximum(t[2 * i], t[2 * i + 1])
                     for i in range(len(t) // 2)]
            m = t[0]
            den = jnp.zeros((H,), jnp.float32)
            for j in range(K):
                e = jnp.exp(s[j] - m)
                sb[pl.ds(j * H, H)] = e
                den = den + e
            rden = 1.0 / den

            cv.wait()

            def out_body(j, oaccs):
                a = sb[pl.ds(j * H, H)]
                return tuple(oaccs[d] + a * vb[j, pl.ds(d * H, H)]
                             for d in range(HD))

            oaccs = lax.fori_loop(
                0, K, out_body,
                tuple(jnp.zeros((H,), jnp.float32) for _ in range(HD)))
            for d in range(HD):
                ob[pl.ds(d * H, H)] = oaccs[d] * rden
            pltpu.sync_copy(ob, out_hbm.at[r])

        def q_body(qi, _):
            i0 = pl.multiple_of(qi * K, 8)
            ck = pltpu.async_copy(k_hbm.at[idx_v.at[pl.ds(i0, K)]], kb, semk)
            cv = pltpu.async_copy(v_hbm.at[idx_v.at[pl.ds(i0, K)]], vb, semv)
            attend_one(base + qi, ck, cv)
            return 0

        lax.fori_loop(0, per_w, q_body, 0)

    return k(qT, kT, vT, bias3, idx2d)


def _proj_body(x_ref, w_ref, b_ref, o_ref):
    o_ref[...] = jnp.dot(x_ref[...], w_ref[...],
                         preferred_element_type=jnp.float32) + b_ref[...]


def _out_proj(x2d, w, b, blk):
    n = x2d.shape[0]
    return pl.pallas_call(
        _proj_body,
        grid=(n // blk,),
        in_specs=[
            pl.BlockSpec((blk, DIM), lambda i: (i, 0)),
            pl.BlockSpec((DIM, DIM), lambda i: (0, 0)),
            pl.BlockSpec((1, DIM), lambda i: (0, 0)),
        ],
        out_specs=pl.BlockSpec((blk, DIM), lambda i: (i, 0)),
        out_shape=jax.ShapeDtypeStruct((n, DIM), jnp.float32),
    )(x2d, w, b.reshape(1, DIM))


def kernel(x, xyz, Wq, bq, Wk, bk, Wv, bv, Wo, bo, Wb1, bb1, Wb2, bb2):
    B, N, C = x.shape
    rows = B * N

    a = jnp.arange(DIM)
    p = (a % H) * HD + a // H

    wq_t = Wq[p, :].T
    wk_t = Wk[p, :].T
    wv_t = Wv[p, :].T
    wo_t = Wo[:, p].T

    x2d = x.reshape(rows, DIM)
    qT, kT, vT = _qkv_proj(x2d, wq_t, bq[p], wk_t, bk[p], wv_t, bv[p],
                           blk=256)

    xyz2d = xyz.reshape(rows, 3)
    u = lax.bitcast_convert_type(xyz2d, jnp.uint32)
    u = (u + jnp.uint32(0x7FFF) + ((u >> 16) & jnp.uint32(1))) \
        & jnp.uint32(0xFFFF0000)
    xyzb = lax.bitcast_convert_type(u, jnp.float32)
    idx_flat, rel1 = _sc_knn_rel(xyz2d[:, 0], xyz2d[:, 1], xyz2d[:, 2],
                                 xyzb[:, 0], xyzb[:, 1], xyzb[:, 2],
                                 rows, N)
    rel2 = rel1.reshape(rows * K, 16)

    w1p = jnp.concatenate(
        [Wb1, jnp.zeros((32, 13), jnp.float32)], axis=1).T
    bias2 = _bias_mlp(rel2, w1p, bb1, Wb2.T, bb2, blk=4096)

    outT = _sc_attend(qT, kT, vT, bias2.reshape(rows, K * H),
                      idx_flat, rows)

    y = _out_proj(outT, wo_t, bo, blk=256)
    return y.reshape(B, N, C)

# --- scband reference (transcript-rebuilt; emitter-appended) ---
"""Pipeline reference for scband-local-sphere-attention-25125558681855 (READ-ONLY COPY).

The authoritative reference and input builder live on the scoring server;
editing this copy changes nothing except your own understanding.
"""

import jax, jax.numpy as jnp
import numpy as np

DIM = 512
H = 16
K = 32
HD = DIM // H


def _linear(x, W, b):
    return x @ W.T + b


def _knn(xyz, k):
    # squared euclidean distances (monotone in torch.cdist p=2, same topk order)
    x2 = jnp.sum(xyz * xyz, axis=-1)
    d2 = x2[:, :, None] + x2[:, None, :] - 2.0 * jnp.einsum('bnd,bmd->bnm', xyz, xyz)
    d2 = jnp.maximum(d2, 0.0)
    _, idx = jax.lax.top_k(-d2, k)  # k smallest distances
    return idx


def setup_inputs(seed: int = 0) -> dict:
    key = jax.random.key(seed)
    ks = jax.random.split(key, 10)
    B, N = 2, 4096
    x = jax.random.normal(ks[0], (B, N, DIM), jnp.float32)
    xyz = jax.random.normal(ks[1], (B, N, 3), jnp.float32)
    def w(k_, shape):
        return jax.random.normal(k_, shape, jnp.float32) * 0.02
    return {
        'x': x,
        'xyz': xyz,
        'Wq': w(ks[2], (DIM, DIM)), 'bq': jnp.zeros((DIM,), jnp.float32),
        'Wk': w(ks[3], (DIM, DIM)), 'bk': jnp.zeros((DIM,), jnp.float32),
        'Wv': w(ks[4], (DIM, DIM)), 'bv': jnp.zeros((DIM,), jnp.float32),
        'Wo': w(ks[5], (DIM, DIM)), 'bo': jnp.zeros((DIM,), jnp.float32),
        'Wb1': w(ks[6], (32, 3)), 'bb1': jnp.zeros((32,), jnp.float32),
        'Wb2': w(ks[7], (H, 32)), 'bb2': jnp.zeros((H,), jnp.float32),
    }


def reference(x, xyz, Wq, bq, Wk, bk, Wv, bv, Wo, bo, Wb1, bb1, Wb2, bb2):
    B, N, C = x.shape
    idx = _knn(xyz, K)  # [B, N, K]
    q = _linear(x, Wq, bq).reshape(B, N, H, HD)
    kf = _linear(x, Wk, bk).reshape(B, N, H, HD)
    vf = _linear(x, Wv, bv).reshape(B, N, H, HD)
    gather = jax.vmap(lambda f, i: f[i])
    k_nb = gather(kf, idx)   # [B, N, K, H, HD]
    v_nb = gather(vf, idx)   # [B, N, K, H, HD]
    nb_xyz = gather(xyz, idx)  # [B, N, K, 3]
    rel = xyz[:, :, None, :] - nb_xyz  # [B, N, K, 3]
    h1 = jax.nn.relu(_linear(rel, Wb1, bb1))
    bias = _linear(h1, Wb2, bb2)  # [B, N, K, H]
    bias = jnp.transpose(bias, (0, 3, 1, 2))  # [B, H, N, K]
    qt = jnp.transpose(q, (0, 2, 1, 3))        # [B, H, N, HD]
    knt = jnp.transpose(k_nb, (0, 3, 1, 2, 4))  # [B, H, N, K, HD]
    vnt = jnp.transpose(v_nb, (0, 3, 1, 2, 4))  # [B, H, N, K, HD]
    scores = jnp.einsum('bhid,bhikd->bhik', qt, knt) / jnp.sqrt(jnp.float32(HD))
    scores = scores + bias
    attn = jax.nn.softmax(scores, axis=-1)
    out = jnp.einsum('bhik,bhikd->bhid', attn, vnt)
    out = jnp.transpose(out, (0, 2, 1, 3)).reshape(B, N, C)
    return _linear(out, Wo, bo)

if __name__ == "__main__":
    import jax
    _d = setup_inputs()
    print(jax.jit(kernel)(*tuple(_d.values())))

</pallas_src>

<mosaic_0001>
#map = affine_map<(d0, d1) -> (0, 0)>
#map1 = affine_map<(d0, d1) -> (0)>
module attributes {stable_mosaic.version = 14 : i64} {
  func.func @k(%arg0: i32, %arg1: i32, %arg2: memref<8192x512xf32, #tpu.memory_space<hbm>>, %arg3: memref<8192x512xf32, #tpu.memory_space<hbm>>, %arg4: memref<8192x512xf32, #tpu.memory_space<hbm>>, %arg5: memref<8192x512xf32, #tpu.memory_space<hbm>>, %arg6: memref<262144xi32, #tpu.memory_space<hbm>>, %arg7: memref<8192x512xf32, #tpu.memory_space<hbm>>, %arg8: memref<8192xi32, #tpu.memory_space<vmem>>, %arg9: memref<32x512xf32, #tpu.memory_space<vmem>>, %arg10: memref<32x512xf32, #tpu.memory_space<vmem>>, %arg11: memref<512xf32, #tpu.memory_space<vmem>>, %arg12: memref<512xf32, #tpu.memory_space<vmem>>, %arg13: memref<512xf32, #tpu.memory_space<vmem>>, %arg14: memref<!tpu.dma_semaphore, #tpu.memory_space<semaphore_mem>>, %arg15: memref<!tpu.dma_semaphore, #tpu.memory_space<semaphore_mem>>) attributes {dimension_semantics = [#tpu.dimension_semantics<core_parallel>, #tpu.dimension_semantics<subcore_parallel>], iteration_bounds = array<i64: 2, 16>, scalar_prefetch = 0 : i64, scratch_operands = 8 : i64, tpu.core_type = #tpu.core_type<sc_vector_subcore>, window_params = [{transform_indices = #map}, {transform_indices = #map}, {transform_indices = #map}, {transform_indices = #map}, {transform_indices = #map1}, {transform_indices = #map}]} {
    %mul3A = arith.constant 2 : i32
    %mul3A_0 = arith.muli %arg1, %mul3A : i32
    %add3A = arith.addi %mul3A_0, %arg0 : i32
    %mul3A_1 = arith.constant 256 : i32
    %mul3A_2 = arith.muli %add3A, %mul3A_1 : i32
    %multiple_of3A = tpu.assume_multiple %mul3A_2, 8 : i32
    %mul3A_3 = arith.constant 32 : i32
    %mul3A_4 = arith.muli %multiple_of3A, %mul3A_3 : i32
    "tpu.region"() ({
      %run_scoped3A = tpu.sem_alloc : memref<!tpu.dma_semaphore, #tpu.memory_space<semaphore_mem>>
      %dma_start3A = tpu.memref_slice %arg6[%mul3A_4] : memref<262144xi32, #tpu.memory_space<hbm>> -> memref<8192xi32, #tpu.memory_space<hbm>>
      %dma_start3A_11 = tpu.memref_slice %arg6[%mul3A_4] : memref<262144xi32, #tpu.memory_space<hbm>> -> memref<8192xi32, #tpu.memory_space<hbm>>
      tpu.enqueue_dma source(%dma_start3A_11 : memref<8192xi32, #tpu.memory_space<hbm>>) target(%arg8 : memref<8192xi32, #tpu.memory_space<vmem>>) target_semaphore(%run_scoped3A : memref<!tpu.dma_semaphore, #tpu.memory_space<semaphore_mem>>)
      %dma_wait3A = tpu.memref_slice %arg6[%mul3A_4] : memref<262144xi32, #tpu.memory_space<hbm>> -> memref<8192xi32, #tpu.memory_space<hbm>>
      %dma_wait3A_12 = tpu.memref_slice %arg6[%mul3A_4] : memref<262144xi32, #tpu.memory_space<hbm>> -> memref<8192xi32, #tpu.memory_space<hbm>>
      tpu.wait_dma2 semaphore(%run_scoped3A : memref<!tpu.dma_semaphore, #tpu.memory_space<semaphore_mem>>) src(%dma_wait3A_12 : memref<8192xi32, #tpu.memory_space<hbm>>) dst(%arg8 : memref<8192xi32, #tpu.memory_space<vmem>>)
      tpu.yield
    }) : () -> ()
    %scan3A = arith.constant 0 : i32
    %scan3A_5 = arith.constant 0 : i32
    %scan3A_6 = arith.constant 256 : i32
    %scan3A_7 = arith.addi %scan3A_5, %scan3A_6 : i32
    %scan3A_8 = arith.constant 1 : i32
    %scan3A_9 = scf.for %scan3A_11 = %scan3A_5 to %scan3A_7 step %scan3A_8 iter_args(%scan3A_12 = %scan3A) -> (i32)  : i32 {
      %mul3A_13 = arith.constant 32 : i32
      %mul3A_14 = arith.muli %scan3A_11, %mul3A_13 : i32
      %multiple_of3A_15 = tpu.assume_multiple %mul3A_14, 8 : i32
      %dma_start3A = tpu.memref_slice %arg8[%multiple_of3A_15] : memref<8192xi32, #tpu.memory_space<vmem>> -> memref<32xi32, #tpu.memory_space<vmem>>
      %dma_start3A_16 = arith.constant 0 : i32
      %dma_start3A_17 = arith.constant 0 : i32
      %dma_start3A_18 = tpu.memref_slice %arg3[%dma_start3A_16, %dma_start3A_17] : memref<8192x512xf32, #tpu.memory_space<hbm>> -> memref<8192x512xf32, #tpu.memory_space<hbm>>
      tpu.enqueue_indirect_dma source(%dma_start3A_18 : memref<8192x512xf32, #tpu.memory_space<hbm>>) target(%arg9 : memref<32x512xf32, #tpu.memory_space<vmem>>) offsets(%dma_start3A : memref<32xi32, #tpu.memory_space<vmem>>) semaphore(%arg14 : memref<!tpu.dma_semaphore, #tpu.memory_space<semaphore_mem>>)
      %dma_start3A_19 = tpu.memref_slice %arg8[%multiple_of3A_15] : memref<8192xi32, #tpu.memory_space<vmem>> -> memref<32xi32, #tpu.memory_space<vmem>>
      %dma_start3A_20 = arith.constant 0 : i32
      %dma_start3A_21 = arith.constant 0 : i32
      %dma_start3A_22 = tpu.memref_slice %arg4[%dma_start3A_20, %dma_start3A_21] : memref<8192x512xf32, #tpu.memory_space<hbm>> -> memref<8192x512xf32, #tpu.memory_space<hbm>>
      tpu.enqueue_indirect_dma source(%dma_start3A_22 : memref<8192x512xf32, #tpu.memory_space<hbm>>) target(%arg10 : memref<32x512xf32, #tpu.memory_space<vmem>>) offsets(%dma_start3A_19 : memref<32xi32, #tpu.memory_space<vmem>>) semaphore(%arg15 : memref<!tpu.dma_semaphore, #tpu.memory_space<semaphore_mem>>)
      %add3A_23 = arith.addi %multiple_of3A, %scan3A_11 : i32
      "tpu.region"() ({
        %run_scoped3A = tpu.sem_alloc : memref<!tpu.dma_semaphore, #tpu.memory_space<semaphore_mem>>
        %dma_start3A_649 = arith.constant 0 : i32
        %dma_start3A_650 = tpu.memref_slice %arg2[%add3A_23, %dma_start3A_649] : memref<8192x512xf32, #tpu.memory_space<hbm>> -> memref<1x512xf32, #tpu.memory_space<hbm>>
        %dma_start3A_651 = tpu.memref_squeeze %dma_start3A_650 : memref<1x512xf32, #tpu.memory_space<hbm>> -> memref<512xf32, #tpu.memory_space<hbm>>
        %dma_start3A_652 = arith.constant 0 : i32
        %dma_start3A_653 = tpu.memref_slice %arg2[%add3A_23, %dma_start3A_652] : memref<8192x512xf32, #tpu.memory_space<hbm>> -> memref<1x512xf32, #tpu.memory_space<hbm>>
        %dma_start3A_654 = tpu.memref_squeeze %dma_start3A_653 : memref<1x512xf32, #tpu.memory_space<hbm>> -> memref<512xf32, #tpu.memory_space<hbm>>
        tpu.enqueue_dma source(%dma_start3A_654 : memref<512xf32, #tpu.memory_space<hbm>>) target(%arg11 : memref<512xf32, #tpu.memory_space<vmem>>) target_semaphore(%run_scoped3A : memref<!tpu.dma_semaphore, #tpu.memory_space<semaphore_mem>>)
        %dma_wait3A_655 = arith.constant 0 : i32
        %dma_wait3A_656 = tpu.memref_slice %arg2[%add3A_23, %dma_wait3A_655] : memref<8192x512xf32, #tpu.memory_space<hbm>> -> memref<1x512xf32, #tpu.memory_space<hbm>>
        %dma_wait3A_657 = tpu.memref_squeeze %dma_wait3A_656 : memref<1x512xf32, #tpu.memory_space<hbm>> -> memref<512xf32, #tpu.memory_space<hbm>>
        %dma_wait3A_658 = arith.constant 0 : i32
        %dma_wait3A_659 = tpu.memref_slice %arg2[%add3A_23, %dma_wait3A_658] : memref<8192x512xf32, #tpu.memory_space<hbm>> -> memref<1x512xf32, #tpu.memory_space<hbm>>
        %dma_wait3A_660 = tpu.memref_squeeze %dma_wait3A_659 : memref<1x512xf32, #tpu.memory_space<hbm>> -> memref<512xf32, #tpu.memory_space<hbm>>
        tpu.wait_dma2 semaphore(%run_scoped3A : memref<!tpu.dma_semaphore, #tpu.memory_space<semaphore_mem>>) src(%dma_wait3A_660 : memref<512xf32, #tpu.memory_space<hbm>>) dst(%arg11 : memref<512xf32, #tpu.memory_space<vmem>>)
        tpu.yield
      }) : () -> ()
      "tpu.region"() ({
        %run_scoped3A = tpu.sem_alloc : memref<!tpu.dma_semaphore, #tpu.memory_space<semaphore_mem>>
        %dma_start3A_649 = arith.constant 0 : i32
        %dma_start3A_650 = tpu.memref_slice %arg5[%add3A_23, %dma_start3A_649] : memref<8192x512xf32, #tpu.memory_space<hbm>> -> memref<1x512xf32, #tpu.memory_space<hbm>>
        %dma_start3A_651 = tpu.memref_squeeze %dma_start3A_650 : memref<1x512xf32, #tpu.memory_space<hbm>> -> memref<512xf32, #tpu.memory_space<hbm>>
        %dma_start3A_652 = arith.constant 0 : i32
        %dma_start3A_653 = tpu.memref_slice %arg5[%add3A_23, %dma_start3A_652] : memref<8192x512xf32, #tpu.memory_space<hbm>> -> memref<1x512xf32, #tpu.memory_space<hbm>>
        %dma_start3A_654 = tpu.memref_squeeze %dma_start3A_653 : memref<1x512xf32, #tpu.memory_space<hbm>> -> memref<512xf32, #tpu.memory_space<hbm>>
        tpu.enqueue_dma source(%dma_start3A_654 : memref<512xf32, #tpu.memory_space<hbm>>) target(%arg12 : memref<512xf32, #tpu.memory_space<vmem>>) target_semaphore(%run_scoped3A : memref<!tpu.dma_semaphore, #tpu.memory_space<semaphore_mem>>)
        %dma_wait3A_655 = arith.constant 0 : i32
        %dma_wait3A_656 = tpu.memref_slice %arg5[%add3A_23, %dma_wait3A_655] : memref<8192x512xf32, #tpu.memory_space<hbm>> -> memref<1x512xf32, #tpu.memory_space<hbm>>
        %dma_wait3A_657 = tpu.memref_squeeze %dma_wait3A_656 : memref<1x512xf32, #tpu.memory_space<hbm>> -> memref<512xf32, #tpu.memory_space<hbm>>
        %dma_wait3A_658 = arith.constant 0 : i32
        %dma_wait3A_659 = tpu.memref_slice %arg5[%add3A_23, %dma_wait3A_658] : memref<8192x512xf32, #tpu.memory_space<hbm>> -> memref<1x512xf32, #tpu.memory_space<hbm>>
        %dma_wait3A_660 = tpu.memref_squeeze %dma_wait3A_659 : memref<1x512xf32, #tpu.memory_space<hbm>> -> memref<512xf32, #tpu.memory_space<hbm>>
        tpu.wait_dma2 semaphore(%run_scoped3A : memref<!tpu.dma_semaphore, #tpu.memory_space<semaphore_mem>>) src(%dma_wait3A_660 : memref<512xf32, #tpu.memory_space<hbm>>) dst(%arg12 : memref<512xf32, #tpu.memory_space<vmem>>)
        tpu.yield
      }) : () -> ()
      %dma_wait3A = tpu.memref_slice %arg8[%multiple_of3A_15] : memref<8192xi32, #tpu.memory_space<vmem>> -> memref<32xi32, #tpu.memory_space<vmem>>
      %dma_wait3A_24 = arith.constant 0 : i32
      %dma_wait3A_25 = arith.constant 0 : i32
      %dma_wait3A_26 = tpu.memref_slice %arg3[%dma_wait3A_24, %dma_wait3A_25] : memref<8192x512xf32, #tpu.memory_space<hbm>> -> memref<8192x512xf32, #tpu.memory_space<hbm>>
      tpu.wait_indirect_dma semaphore(%arg14 : memref<!tpu.dma_semaphore, #tpu.memory_space<semaphore_mem>>) src(%dma_wait3A_26 : memref<8192x512xf32, #tpu.memory_space<hbm>>) dst(%arg9 : memref<32x512xf32, #tpu.memory_space<vmem>>)
      %broadcast_in_dim3A = arith.constant 0.000000e+00 : f32
      %broadcast_in_dim3A_27 = vector.broadcast %broadcast_in_dim3A : f32 to vector<16xf32>
      %broadcast_in_dim3A_28 = arith.constant 0.000000e+00 : f32
      %broadcast_in_dim3A_29 = vector.broadcast %broadcast_in_dim3A_28 : f32 to vector<16xf32>
      %broadcast_in_dim3A_30 = arith.constant 0.000000e+00 : f32
      %broadcast_in_dim3A_31 = vector.broadcast %broadcast_in_dim3A_30 : f32 to vector<16xf32>
      %broadcast_in_dim3A_32 = arith.constant 0.000000e+00 : f32
      %broadcast_in_dim3A_33 = vector.broadcast %broadcast_in_dim3A_32 : f32 to vector<16xf32>
      %broadcast_in_dim3A_34 = arith.constant 0.000000e+00 : f32
      %broadcast_in_dim3A_35 = vector.broadcast %broadcast_in_dim3A_34 : f32 to vector<16xf32>
      %broadcast_in_dim3A_36 = arith.constant 0.000000e+00 : f32
      %broadcast_in_dim3A_37 = vector.broadcast %broadcast_in_dim3A_36 : f32 to vector<16xf32>
      %broadcast_in_dim3A_38 = arith.constant 0.000000e+00 : f32
      %broadcast_in_dim3A_39 = vector.broadcast %broadcast_in_dim3A_38 : f32 to vector<16xf32>
      %broadcast_in_dim3A_40 = arith.constant 0.000000e+00 : f32
      %broadcast_in_dim3A_41 = vector.broadcast %broadcast_in_dim3A_40 : f32 to vector<16xf32>
      %broadcast_in_dim3A_42 = arith.constant 0.000000e+00 : f32
      %broadcast_in_dim3A_43 = vector.broadcast %broadcast_in_dim3A_42 : f32 to vector<16xf32>
      %broadcast_in_dim3A_44 = arith.constant 0.000000e+00 : f32
      %broadcast_in_dim3A_45 = vector.broadcast %broadcast_in_dim3A_44 : f32 to vector<16xf32>
      %broadcast_in_dim3A_46 = arith.constant 0.000000e+00 : f32
      %broadcast_in_dim3A_47 = vector.broadcast %broadcast_in_dim3A_46 : f32 to vector<16xf32>
      %broadcast_in_dim3A_48 = arith.constant 0.000000e+00 : f32
      %broadcast_in_dim3A_49 = vector.broadcast %broadcast_in_dim3A_48 : f32 to vector<16xf32>
      %broadcast_in_dim3A_50 = arith.constant 0.000000e+00 : f32
      %broadcast_in_dim3A_51 = vector.broadcast %broadcast_in_dim3A_50 : f32 to vector<16xf32>
      %broadcast_in_dim3A_52 = arith.constant 0.000000e+00 : f32
      %broadcast_in_dim3A_53 = vector.broadcast %broadcast_in_dim3A_52 : f32 to vector<16xf32>
      %broadcast_in_dim3A_54 = arith.constant 0.000000e+00 : f32
      %broadcast_in_dim3A_55 = vector.broadcast %broadcast_in_dim3A_54 : f32 to vector<16xf32>
      %broadcast_in_dim3A_56 = arith.constant 0.000000e+00 : f32
      %broadcast_in_dim3A_57 = vector.broadcast %broadcast_in_dim3A_56 : f32 to vector<16xf32>
      %broadcast_in_dim3A_58 = arith.constant 0.000000e+00 : f32
      %broadcast_in_dim3A_59 = vector.broadcast %broadcast_in_dim3A_58 : f32 to vector<16xf32>
      %broadcast_in_dim3A_60 = arith.constant 0.000000e+00 : f32
      %broadcast_in_dim3A_61 = vector.broadcast %broadcast_in_dim3A_60 : f32 to vector<16xf32>
      %broadcast_in_dim3A_62 = arith.constant 0.000000e+00 : f32
      %broadcast_in_dim3A_63 = vector.broadcast %broadcast_in_dim3A_62 : f32 to vector<16xf32>
      %broadcast_in_dim3A_64 = arith.constant 0.000000e+00 : f32
      %broadcast_in_dim3A_65 = vector.broadcast %broadcast_in_dim3A_64 : f32 to vector<16xf32>
      %broadcast_in_dim3A_66 = arith.constant 0.000000e+00 : f32
      %broadcast_in_dim3A_67 = vector.broadcast %broadcast_in_dim3A_66 : f32 to vector<16xf32>
      %broadcast_in_dim3A_68 = arith.constant 0.000000e+00 : f32
      %broadcast_in_dim3A_69 = vector.broadcast %broadcast_in_dim3A_68 : f32 to vector<16xf32>
      %broadcast_in_dim3A_70 = arith.constant 0.000000e+00 : f32
      %broadcast_in_dim3A_71 = vector.broadcast %broadcast_in_dim3A_70 : f32 to vector<16xf32>
      %broadcast_in_dim3A_72 = arith.constant 0.000000e+00 : f32
      %broadcast_in_dim3A_73 = vector.broadcast %broadcast_in_dim3A_72 : f32 to vector<16xf32>
      %broadcast_in_dim3A_74 = arith.constant 0.000000e+00 : f32
      %broadcast_in_dim3A_75 = vector.broadcast %broadcast_in_dim3A_74 : f32 to vector<16xf32>
      %broadcast_in_dim3A_76 = arith.constant 0.000000e+00 : f32
      %broadcast_in_dim3A_77 = vector.broadcast %broadcast_in_dim3A_76 : f32 to vector<16xf32>
      %broadcast_in_dim3A_78 = arith.constant 0.000000e+00 : f32
      %broadcast_in_dim3A_79 = vector.broadcast %broadcast_in_dim3A_78 : f32 to vector<16xf32>
      %broadcast_in_dim3A_80 = arith.constant 0.000000e+00 : f32
      %broadcast_in_dim3A_81 = vector.broadcast %broadcast_in_dim3A_80 : f32 to vector<16xf32>
      %broadcast_in_dim3A_82 = arith.constant 0.000000e+00 : f32
      %broadcast_in_dim3A_83 = vector.broadcast %broadcast_in_dim3A_82 : f32 to vector<16xf32>
      %broadcast_in_dim3A_84 = arith.constant 0.000000e+00 : f32
      %broadcast_in_dim3A_85 = vector.broadcast %broadcast_in_dim3A_84 : f32 to vector<16xf32>
      %broadcast_in_dim3A_86 = arith.constant 0.000000e+00 : f32
      %broadcast_in_dim3A_87 = vector.broadcast %broadcast_in_dim3A_86 : f32 to vector<16xf32>
      %broadcast_in_dim3A_88 = arith.constant 0.000000e+00 : f32
      %broadcast_in_dim3A_89 = vector.broadcast %broadcast_in_dim3A_88 : f32 to vector<16xf32>
      %scan3A_90 = arith.constant 0 : i32
      %scan3A_91 = arith.constant 32 : i32
      %scan3A_92 = arith.addi %scan3A_90, %scan3A_91 : i32
      %scan3A_93 = arith.constant 1 : i32
      %scan3A_94:32 = scf.for %scan3A_649 = %scan3A_90 to %scan3A_92 step %scan3A_93 iter_args(%scan3A_650 = %broadcast_in_dim3A_27, %scan3A_651 = %broadcast_in_dim3A_29, %scan3A_652 = %broadcast_in_dim3A_31, %scan3A_653 = %broadcast_in_dim3A_33, %scan3A_654 = %broadcast_in_dim3A_35, %scan3A_655 = %broadcast_in_dim3A_37, %scan3A_656 = %broadcast_in_dim3A_39, %scan3A_657 = %broadcast_in_dim3A_41, %scan3A_658 = %broadcast_in_dim3A_43, %scan3A_659 = %broadcast_in_dim3A_45, %scan3A_660 = %broadcast_in_dim3A_47, %scan3A_661 = %broadcast_in_dim3A_49, %scan3A_662 = %broadcast_in_dim3A_51, %scan3A_663 = %broadcast_in_dim3A_53, %scan3A_664 = %broadcast_in_dim3A_55, %scan3A_665 = %broadcast_in_dim3A_57, %scan3A_666 = %broadcast_in_dim3A_59, %scan3A_667 = %broadcast_in_dim3A_61, %scan3A_668 = %broadcast_in_dim3A_63, %scan3A_669 = %broadcast_in_dim3A_65, %scan3A_670 = %broadcast_in_dim3A_67, %scan3A_671 = %broadcast_in_dim3A_69, %scan3A_672 = %broadcast_in_dim3A_71, %scan3A_673 = %broadcast_in_dim3A_73, %scan3A_674 = %broadcast_in_dim3A_75, %scan3A_675 = %broadcast_in_dim3A_77, %scan3A_676 = %broadcast_in_dim3A_79, %scan3A_677 = %broadcast_in_dim3A_81, %scan3A_678 = %broadcast_in_dim3A_83, %scan3A_679 = %broadcast_in_dim3A_85, %scan3A_680 = %broadcast_in_dim3A_87, %scan3A_681 = %broadcast_in_dim3A_89) -> (vector<16xf32>, vector<16xf32>, vector<16xf32>, vector<16xf32>, vector<16xf32>, vector<16xf32>, vector<16xf32>, vector<16xf32>, vector<16xf32>, vector<16xf32>, vector<16xf32>, vector<16xf32>, vector<16xf32>, vector<16xf32>, vector<16xf32>, vector<16xf32>, vector<16xf32>, vector<16xf32>, vector<16xf32>, vector<16xf32>, vector<16xf32>, vector<16xf32>, vector<16xf32>, vector<16xf32>, vector<16xf32>, vector<16xf32>, vector<16xf32>, vector<16xf32>, vector<16xf32>, vector<16xf32>, vector<16xf32>, vector<16xf32>)  : i32 {
        %mul3A_682 = arith.constant 16 : i32
        %mul3A_683 = arith.muli %scan3A_649, %mul3A_682 : i32
        %get3A_684 = arith.index_cast %mul3A_683 : i32 to index
        %get3A_685 = tpu.vector_load %arg11[%get3A_684] {strides = array<i32>} : memref<512xf32, #tpu.memory_space<vmem>>, vector<16xf32>,
        %mul3A_686 = arith.constant 16 : i32
        %mul3A_687 = arith.muli %scan3A_649, %mul3A_686 : i32
        %get3A_688 = arith.constant 0 : i32
        %get3A_689 = arith.index_cast %get3A_688 : i32 to index
        %get3A_690 = arith.index_cast %mul3A_687 : i32 to index
        %get3A_691 = tpu.vector_load %arg9[%get3A_689, %get3A_690] {strides = array<i32>} : memref<32x512xf32, #tpu.memory_space<vmem>>, vector<16xf32>,
        %mul3A_692 = arith.mulf %get3A_685, %get3A_691 : vector<16xf32>
        %add3A_693 = arith.addf %scan3A_650, %mul3A_692 : vector<16xf32>
        %mul3A_694 = arith.constant 16 : i32
        %mul3A_695 = arith.muli %scan3A_649, %mul3A_694 : i32
        %get3A_696 = arith.constant 1 : i32
        %get3A_697 = arith.index_cast %get3A_696 : i32 to index
        %get3A_698 = arith.index_cast %mul3A_695 : i32 to index
        %get3A_699 = tpu.vector_load %arg9[%get3A_697, %get3A_698] {strides = array<i32>} : memref<32x512xf32, #tpu.memory_space<vmem>>, vector<16xf32>,
        %mul3A_700 = arith.mulf %get3A_685, %get3A_699 : vector<16xf32>
        %add3A_701 = arith.addf %scan3A_651, %mul3A_700 : vector<16xf32>
        %mul3A_702 = arith.constant 16 : i32
        %mul3A_703 = arith.muli %scan3A_649, %mul3A_702 : i32
        %get3A_704 = arith.constant 2 : i32
        %get3A_705 = arith.index_cast %get3A_704 : i32 to index
        %get3A_706 = arith.index_cast %mul3A_703 : i32 to index
        %get3A_707 = tpu.vector_load %arg9[%get3A_705, %get3A_706] {strides = array<i32>} : memref<32x512xf32, #tpu.memory_space<vmem>>, vector<16xf32>,
        %mul3A_708 = arith.mulf %get3A_685, %get3A_707 : vector<16xf32>
        %add3A_709 = arith.addf %scan3A_652, %mul3A_708 : vector<16xf32>
        %mul3A_710 = arith.constant 16 : i32
        %mul3A_711 = arith.muli %scan3A_649, %mul3A_710 : i32
        %get3A_712 = arith.constant 3 : i32
        %get3A_713 = arith.index_cast %get3A_712 : i32 to index
        %get3A_714 = arith.index_cast %mul3A_711 : i32 to index
        %get3A_715 = tpu.vector_load %arg9[%get3A_713, %get3A_714] {strides = array<i32>} : memref<32x512xf32, #tpu.memory_space<vmem>>, vector<16xf32>,
        %mul3A_716 = arith.mulf %get3A_685, %get3A_715 : vector<16xf32>
        %add3A_717 = arith.addf %scan3A_653, %mul3A_716 : vector<16xf32>
        %mul3A_718 = arith.constant 16 : i32
        %mul3A_719 = arith.muli %scan3A_649, %mul3A_718 : i32
        %get3A_720 = arith.constant 4 : i32
        %get3A_721 = arith.index_cast %get3A_720 : i32 to index
        %get3A_722 = arith.index_cast %mul3A_719 : i32 to index
        %get3A_723 = tpu.vector_load %arg9[%get3A_721, %get3A_722] {strides = array<i32>} : memref<32x512xf32, #tpu.memory_space<vmem>>, vector<16xf32>,
        %mul3A_724 = arith.mulf %get3A_685, %get3A_723 : vector<16xf32>
        %add3A_725 = arith.addf %scan3A_654, %mul3A_724 : vector<16xf32>
        %mul3A_726 = arith.constant 16 : i32
        %mul3A_727 = arith.muli %scan3A_649, %mul3A_726 : i32
        %get3A_728 = arith.constant 5 : i32
        %get3A_729 = arith.index_cast %get3A_728 : i32 to index
        %get3A_730 = arith.index_cast %mul3A_727 : i32 to index
        %get3A_731 = tpu.vector_load %arg9[%get3A_729, %get3A_730] {strides = array<i32>} : memref<32x512xf32, #tpu.memory_space<vmem>>, vector<16xf32>,
        %mul3A_732 = arith.mulf %get3A_685, %get3A_731 : vector<16xf32>
        %add3A_733 = arith.addf %scan3A_655, %mul3A_732 : vector<16xf32>
        %mul3A_734 = arith.constant 16 : i32
        %mul3A_735 = arith.muli %scan3A_649, %mul3A_734 : i32
        %get3A_736 = arith.constant 6 : i32
        %get3A_737 = arith.index_cast %get3A_736 : i32 to index
        %get3A_738 = arith.index_cast %mul3A_735 : i32 to index
        %get3A_739 = tpu.vector_load %arg9[%get3A_737, %get3A_738] {strides = array<i32>} : memref<32x512xf32, #tpu.memory_space<vmem>>, vector<16xf32>,
        %mul3A_740 = arith.mulf %get3A_685, %get3A_739 : vector<16xf32>
        %add3A_741 = arith.addf %scan3A_656, %mul3A_740 : vector<16xf32>
        %mul3A_742 = arith.constant 16 : i32
        %mul3A_743 = arith.muli %scan3A_649, %mul3A_742 : i32
        %get3A_744 = arith.constant 7 : i32
        %get3A_745 = arith.index_cast %get3A_744 : i32 to index
        %get3A_746 = arith.index_cast %mul3A_743 : i32 to index
        %get3A_747 = tpu.vector_load %arg9[%get3A_745, %get3A_746] {strides = array<i32>} : memref<32x512xf32, #tpu.memory_space<vmem>>, vector<16xf32>,
        %mul3A_748 = arith.mulf %get3A_685, %get3A_747 : vector<16xf32>
        %add3A_749 = arith.addf %scan3A_657, %mul3A_748 : vector<16xf32>
        %mul3A_750 = arith.constant 16 : i32
        %mul3A_751 = arith.muli %scan3A_649, %mul3A_750 : i32
        %get3A_752 = arith.constant 8 : i32
        %get3A_753 = arith.index_cast %get3A_752 : i32 to index
        %get3A_754 = arith.index_cast %mul3A_751 : i32 to index
        %get3A_755 = tpu.vector_load %arg9[%get3A_753, %get3A_754] {strides = array<i32>} : memref<32x512xf32, #tpu.memory_space<vmem>>, vector<16xf32>,
        %mul3A_756 = arith.mulf %get3A_685, %get3A_755 : vector<16xf32>
        %add3A_757 = arith.addf %scan3A_658, %mul3A_756 : vector<16xf32>
        %mul3A_758 = arith.constant 16 : i32
        %mul3A_759 = arith.muli %scan3A_649, %mul3A_758 : i32
        %get3A_760 = arith.constant 9 : i32
        %get3A_761 = arith.index_cast %get3A_760 : i32 to index
        %get3A_762 = arith.index_cast %mul3A_759 : i32 to index
        %get3A_763 = tpu.vector_load %arg9[%get3A_761, %get3A_762] {strides = array<i32>} : memref<32x512xf32, #tpu.memory_space<vmem>>, vector<16xf32>,
        %mul3A_764 = arith.mulf %get3A_685, %get3A_763 : vector<16xf32>
        %add3A_765 = arith.addf %scan3A_659, %mul3A_764 : vector<16xf32>
        %mul3A_766 = arith.constant 16 : i32
        %mul3A_767 = arith.muli %scan3A_649, %mul3A_766 : i32
        %get3A_768 = arith.constant 10 : i32
        %get3A_769 = arith.index_cast %get3A_768 : i32 to index
        %get3A_770 = arith.index_cast %mul3A_767 : i32 to index
        %get3A_771 = tpu.vector_load %arg9[%get3A_769, %get3A_770] {strides = array<i32>} : memref<32x512xf32, #tpu.memory_space<vmem>>, vector<16xf32>,
        %mul3A_772 = arith.mulf %get3A_685, %get3A_771 : vector<16xf32>
        %add3A_773 = arith.addf %scan3A_660, %mul3A_772 : vector<16xf32>
        %mul3A_774 = arith.constant 16 : i32
        %mul3A_775 = arith.muli %scan3A_649, %mul3A_774 : i32
        %get3A_776 = arith.constant 11 : i32
        %get3A_777 = arith.index_cast %get3A_776 : i32 to index
        %get3A_778 = arith.index_cast %mul3A_775 : i32 to index
        %get3A_779 = tpu.vector_load %arg9[%get3A_777, %get3A_778] {strides = array<i32>} : memref<32x512xf32, #tpu.memory_space<vmem>>, vector<16xf32>,
        %mul3A_780 = arith.mulf %get3A_685, %get3A_779 : vector<16xf32>
        %add3A_781 = arith.addf %scan3A_661, %mul3A_780 : vector<16xf32>
        %mul3A_782 = arith.constant 16 : i32
        %mul3A_783 = arith.muli %scan3A_649, %mul3A_782 : i32
        %get3A_784 = arith.constant 12 : i32
        %get3A_785 = arith.index_cast %get3A_784 : i32 to index
        %get3A_786 = arith.index_cast %mul3A_783 : i32 to index
        %get3A_787 = tpu.vector_load %arg9[%get3A_785, %get3A_786] {strides = array<i32>} : memref<32x512xf32, #tpu.memory_space<vmem>>, vector<16xf32>,
        %mul3A_788 = arith.mulf %get3A_685, %get3A_787 : vector<16xf32>
        %add3A_789 = arith.addf %scan3A_662, %mul3A_788 : vector<16xf32>
        %mul3A_790 = arith.constant 16 : i32
        %mul3A_791 = arith.muli %scan3A_649, %mul3A_790 : i32
        %get3A_792 = arith.constant 13 : i32
        %get3A_793 = arith.index_cast %get3A_792 : i32 to index
        %get3A_794 = arith.index_cast %mul3A_791 : i32 to index
        %get3A_795 = tpu.vector_load %arg9[%get3A_793, %get3A_794] {strides = array<i32>} : memref<32x512xf32, #tpu.memory_space<vmem>>, vector<16xf32>,
        %mul3A_796 = arith.mulf %get3A_685, %get3A_795 : vector<16xf32>
        %add3A_797 = arith.addf %scan3A_663, %mul3A_796 : vector<16xf32>
        %mul3A_798 = arith.constant 16 : i32
        %mul3A_799 = arith.muli %scan3A_649, %mul3A_798 : i32
        %get3A_800 = arith.constant 14 : i32
        %get3A_801 = arith.index_cast %get3A_800 : i32 to index
        %get3A_802 = arith.index_cast %mul3A_799 : i32 to index
        %get3A_803 = tpu.vector_load %arg9[%get3A_801, %get3A_802] {strides = array<i32>} : memref<32x512xf32, #tpu.memory_space<vmem>>, vector<16xf32>,
        %mul3A_804 = arith.mulf %get3A_685, %get3A_803 : vector<16xf32>
        %add3A_805 = arith.addf %scan3A_664, %mul3A_804 : vector<16xf32>
        %mul3A_806 = arith.constant 16 : i32
        %mul3A_807 = arith.muli %scan3A_649, %mul3A_806 : i32
        %get3A_808 = arith.constant 15 : i32
        %get3A_809 = arith.index_cast %get3A_808 : i32 to index
        %get3A_810 = arith.index_cast %mul3A_807 : i32 to index
        %get3A_811 = tpu.vector_load %arg9[%get3A_809, %get3A_810] {strides = array<i32>} : memref<32x512xf32, #tpu.memory_space<vmem>>, vector<16xf32>,
        %mul3A_812 = arith.mulf %get3A_685, %get3A_811 : vector<16xf32>
        %add3A_813 = arith.addf %scan3A_665, %mul3A_812 : vector<16xf32>
        %mul3A_814 = arith.constant 16 : i32
        %mul3A_815 = arith.muli %scan3A_649, %mul3A_814 : i32
        %get3A_816 = arith.constant 16 : i32
        %get3A_817 = arith.index_cast %get3A_816 : i32 to index
        %get3A_818 = arith.index_cast %mul3A_815 : i32 to index
        %get3A_819 = tpu.vector_load %arg9[%get3A_817, %get3A_818] {strides = array<i32>} : memref<32x512xf32, #tpu.memory_space<vmem>>, vector<16xf32>,
        %mul3A_820 = arith.mulf %get3A_685, %get3A_819 : vector<16xf32>
        %add3A_821 = arith.addf %scan3A_666, %mul3A_820 : vector<16xf32>
        %mul3A_822 = arith.constant 16 : i32
        %mul3A_823 = arith.muli %scan3A_649, %mul3A_822 : i32
        %get3A_824 = arith.constant 17 : i32
        %get3A_825 = arith.index_cast %get3A_824 : i32 to index
        %get3A_826 = arith.index_cast %mul3A_823 : i32 to index
        %get3A_827 = tpu.vector_load %arg9[%get3A_825, %get3A_826] {strides = array<i32>} : memref<32x512xf32, #tpu.memory_space<vmem>>, vector<16xf32>,
        %mul3A_828 = arith.mulf %get3A_685, %get3A_827 : vector<16xf32>
        %add3A_829 = arith.addf %scan3A_667, %mul3A_828 : vector<16xf32>
        %mul3A_830 = arith.constant 16 : i32
        %mul3A_831 = arith.muli %scan3A_649, %mul3A_830 : i32
        %get3A_832 = arith.constant 18 : i32
        %get3A_833 = arith.index_cast %get3A_832 : i32 to index
        %get3A_834 = arith.index_cast %mul3A_831 : i32 to index
        %get3A_835 = tpu.vector_load %arg9[%get3A_833, %get3A_834] {strides = array<i32>} : memref<32x512xf32, #tpu.memory_space<vmem>>, vector<16xf32>,
        %mul3A_836 = arith.mulf %get3A_685, %get3A_835 : vector<16xf32>
        %add3A_837 = arith.addf %scan3A_668, %mul3A_836 : vector<16xf32>
        %mul3A_838 = arith.constant 16 : i32
        %mul3A_839 = arith.muli %scan3A_649, %mul3A_838 : i32
        %get3A_840 = arith.constant 19 : i32
        %get3A_841 = arith.index_cast %get3A_840 : i32 to index
        %get3A_842 = arith.index_cast %mul3A_839 : i32 to index
        %get3A_843 = tpu.vector_load %arg9[%get3A_841, %get3A_842] {strides = array<i32>} : memref<32x512xf32, #tpu.memory_space<vmem>>, vector<16xf32>,
        %mul3A_844 = arith.mulf %get3A_685, %get3A_843 : vector<16xf32>
        %add3A_845 = arith.addf %scan3A_669, %mul3A_844 : vector<16xf32>
        %mul3A_846 = arith.constant 16 : i32
        %mul3A_847 = arith.muli %scan3A_649, %mul3A_846 : i32
        %get3A_848 = arith.constant 20 : i32
        %get3A_849 = arith.index_cast %get3A_848 : i32 to index
        %get3A_850 = arith.index_cast %mul3A_847 : i32 to index
        %get3A_851 = tpu.vector_load %arg9[%get3A_849, %get3A_850] {strides = array<i32>} : memref<32x512xf32, #tpu.memory_space<vmem>>, vector<16xf32>,
        %mul3A_852 = arith.mulf %get3A_685, %get3A_851 : vector<16xf32>
        %add3A_853 = arith.addf %scan3A_670, %mul3A_852 : vector<16xf32>
        %mul3A_854 = arith.constant 16 : i32
        %mul3A_855 = arith.muli %scan3A_649, %mul3A_854 : i32
        %get3A_856 = arith.constant 21 : i32
        %get3A_857 = arith.index_cast %get3A_856 : i32 to index
        %get3A_858 = arith.index_cast %mul3A_855 : i32 to index
        %get3A_859 = tpu.vector_load %arg9[%get3A_857, %get3A_858] {strides = array<i32>} : memref<32x512xf32, #tpu.memory_space<vmem>>, vector<16xf32>,
        %mul3A_860 = arith.mulf %get3A_685, %get3A_859 : vector<16xf32>
        %add3A_861 = arith.addf %scan3A_671, %mul3A_860 : vector<16xf32>
        %mul3A_862 = arith.constant 16 : i32
        %mul3A_863 = arith.muli %scan3A_649, %mul3A_862 : i32
        %get3A_864 = arith.constant 22 : i32
        %get3A_865 = arith.index_cast %get3A_864 : i32 to index
        %get3A_866 = arith.index_cast %mul3A_863 : i32 to index
        %get3A_867 = tpu.vector_load %arg9[%get3A_865, %get3A_866] {strides = array<i32>} : memref<32x512xf32, #tpu.memory_space<vmem>>, vector<16xf32>,
        %mul3A_868 = arith.mulf %get3A_685, %get3A_867 : vector<16xf32>
        %add3A_869 = arith.addf %scan3A_672, %mul3A_868 : vector<16xf32>
        %mul3A_870 = arith.constant 16 : i32
        %mul3A_871 = arith.muli %scan3A_649, %mul3A_870 : i32
        %get3A_872 = arith.constant 23 : i32
        %get3A_873 = arith.index_cast %get3A_872 : i32 to index
        %get3A_874 = arith.index_cast %mul3A_871 : i32 to index
        %get3A_875 = tpu.vector_load %arg9[%get3A_873, %get3A_874] {strides = array<i32>} : memref<32x512xf32, #tpu.memory_space<vmem>>, vector<16xf32>,
        %mul3A_876 = arith.mulf %get3A_685, %get3A_875 : vector<16xf32>
        %add3A_877 = arith.addf %scan3A_673, %mul3A_876 : vector<16xf32>
        %mul3A_878 = arith.constant 16 : i32
        %mul3A_879 = arith.muli %scan3A_649, %mul3A_878 : i32
        %get3A_880 = arith.constant 24 : i32
        %get3A_881 = arith.index_cast %get3A_880 : i32 to index
        %get3A_882 = arith.index_cast %mul3A_879 : i32 to index
        %get3A_883 = tpu.vector_load %arg9[%get3A_881, %get3A_882] {strides = array<i32>} : memref<32x512xf32, #tpu.memory_space<vmem>>, vector<16xf32>,
        %mul3A_884 = arith.mulf %get3A_685, %get3A_883 : vector<16xf32>
        %add3A_885 = arith.addf %scan3A_674, %mul3A_884 : vector<16xf32>
        %mul3A_886 = arith.constant 16 : i32
        %mul3A_887 = arith.muli %scan3A_649, %mul3A_886 : i32
        %get3A_888 = arith.constant 25 : i32
        %get3A_889 = arith.index_cast %get3A_888 : i32 to index
        %get3A_890 = arith.index_cast %mul3A_887 : i32 to index
        %get3A_891 = tpu.vector_load %arg9[%get3A_889, %get3A_890] {strides = array<i32>} : memref<32x512xf32, #tpu.memory_space<vmem>>, vector<16xf32>,
        %mul3A_892 = arith.mulf %get3A_685, %get3A_891 : vector<16xf32>
        %add3A_893 = arith.addf %scan3A_675, %mul3A_892 : vector<16xf32>
        %mul3A_894 = arith.constant 16 : i32
        %mul3A_895 = arith.muli %scan3A_649, %mul3A_894 : i32
        %get3A_896 = arith.constant 26 : i32
        %get3A_897 = arith.index_cast %get3A_896 : i32 to index
        %get3A_898 = arith.index_cast %mul3A_895 : i32 to index
        %get3A_899 = tpu.vector_load %arg9[%get3A_897, %get3A_898] {strides = array<i32>} : memref<32x512xf32, #tpu.memory_space<vmem>>, vector<16xf32>,
        %mul3A_900 = arith.mulf %get3A_685, %get3A_899 : vector<16xf32>
        %add3A_901 = arith.addf %scan3A_676, %mul3A_900 : vector<16xf32>
        %mul3A_902 = arith.constant 16 : i32
        %mul3A_903 = arith.muli %scan3A_649, %mul3A_902 : i32
        %get3A_904 = arith.constant 27 : i32
        %get3A_905 = arith.index_cast %get3A_904 : i32 to index
        %get3A_906 = arith.index_cast %mul3A_903 : i32 to index
        %get3A_907 = tpu.vector_load %arg9[%get3A_905, %get3A_906] {strides = array<i32>} : memref<32x512xf32, #tpu.memory_space<vmem>>, vector<16xf32>,
        %mul3A_908 = arith.mulf %get3A_685, %get3A_907 : vector<16xf32>
        %add3A_909 = arith.addf %scan3A_677, %mul3A_908 : vector<16xf32>
        %mul3A_910 = arith.constant 16 : i32
        %mul3A_911 = arith.muli %scan3A_649, %mul3A_910 : i32
        %get3A_912 = arith.constant 28 : i32
        %get3A_913 = arith.index_cast %get3A_912 : i32 to index
        %get3A_914 = arith.index_cast %mul3A_911 : i32 to index
        %get3A_915 = tpu.vector_load %arg9[%get3A_913, %get3A_914] {strides = array<i32>} : memref<32x512xf32, #tpu.memory_space<vmem>>, vector<16xf32>,
        %mul3A_916 = arith.mulf %get3A_685, %get3A_915 : vector<16xf32>
        %add3A_917 = arith.addf %scan3A_678, %mul3A_916 : vector<16xf32>
        %mul3A_918 = arith.constant 16 : i32
        %mul3A_919 = arith.muli %scan3A_649, %mul3A_918 : i32
        %get3A_920 = arith.constant 29 : i32
        %get3A_921 = arith.index_cast %get3A_920 : i32 to index
        %get3A_922 = arith.index_cast %mul3A_919 : i32 to index
        %get3A_923 = tpu.vector_load %arg9[%get3A_921, %get3A_922] {strides = array<i32>} : memref<32x512xf32, #tpu.memory_space<vmem>>, vector<16xf32>,
        %mul3A_924 = arith.mulf %get3A_685, %get3A_923 : vector<16xf32>
        %add3A_925 = arith.addf %scan3A_679, %mul3A_924 : vector<16xf32>
        %mul3A_926 = arith.constant 16 : i32
        %mul3A_927 = arith.muli %scan3A_649, %mul3A_926 : i32
        %get3A_928 = arith.constant 30 : i32
        %get3A_929 = arith.index_cast %get3A_928 : i32 to index
        %get3A_930 = arith.index_cast %mul3A_927 : i32 to index
        %get3A_931 = tpu.vector_load %arg9[%get3A_929, %get3A_930] {strides = array<i32>} : memref<32x512xf32, #tpu.memory_space<vmem>>, vector<16xf32>,
        %mul3A_932 = arith.mulf %get3A_685, %get3A_931 : vector<16xf32>
        %add3A_933 = arith.addf %scan3A_680, %mul3A_932 : vector<16xf32>
        %mul3A_934 = arith.constant 16 : i32
        %mul3A_935 = arith.muli %scan3A_649, %mul3A_934 : i32
        %get3A_936 = arith.constant 31 : i32
        %get3A_937 = arith.index_cast %get3A_936 : i32 to index
        %get3A_938 = arith.index_cast %mul3A_935 : i32 to index
        %get3A_939 = tpu.vector_load %arg9[%get3A_937, %get3A_938] {strides = array<i32>} : memref<32x512xf32, #tpu.memory_space<vmem>>, vector<16xf32>,
        %mul3A_940 = arith.mulf %get3A_685, %get3A_939 : vector<16xf32>
        %add3A_941 = arith.addf %scan3A_681, %mul3A_940 : vector<16xf32>
        scf.yield %add3A_693, %add3A_701, %add3A_709, %add3A_717, %add3A_725, %add3A_733, %add3A_741, %add3A_749, %add3A_757, %add3A_765, %add3A_773, %add3A_781, %add3A_789, %add3A_797, %add3A_805, %add3A_813, %add3A_821, %add3A_829, %add3A_837, %add3A_845, %add3A_853, %add3A_861, %add3A_869, %add3A_877, %add3A_885, %add3A_893, %add3A_901, %add3A_909, %add3A_917, %add3A_925, %add3A_933, %add3A_941 : vector<16xf32>, vector<16xf32>, vector<16xf32>, vector<16xf32>, vector<16xf32>, vector<16xf32>, vector<16xf32>, vector<16xf32>, vector<16xf32>, vector<16xf32>, vector<16xf32>, vector<16xf32>, vector<16xf32>, vector<16xf32>, vector<16xf32>, vector<16xf32>, vector<16xf32>, vector<16xf32>, vector<16xf32>, vector<16xf32>, vector<16xf32>, vector<16xf32>, vector<16xf32>, vector<16xf32>, vector<16xf32>, vector<16xf32>, vector<16xf32>, vector<16xf32>, vector<16xf32>, vector<16xf32>, vector<16xf32>, vector<16xf32>
      }
      %scan3A_95 = arith.constant 32 : i32
      %mul3A_96 = arith.constant 0.176776692 : f32
      %mul3A_97 = vector.broadcast %mul3A_96 : f32 to vector<16xf32>
      %mul3A_98 = arith.mulf %scan3A_94#0, %mul3A_97 : vector<16xf32>
      %get3A = arith.constant 0 : index
      %get3A_99 = tpu.vector_load %arg12[%get3A] {strides = array<i32>} : memref<512xf32, #tpu.memory_space<vmem>>, vector<16xf32>,
      %add3A_100 = arith.addf %mul3A_98, %get3A_99 : vector<16xf32>
      %mul3A_101 = arith.constant 0.176776692 : f32
      %mul3A_102 = vector.broadcast %mul3A_101 : f32 to vector<16xf32>
      %mul3A_103 = arith.mulf %scan3A_94#1, %mul3A_102 : vector<16xf32>
      %get3A_104 = arith.constant 16 : index
      %get3A_105 = tpu.vector_load %arg12[%get3A_104] {strides = array<i32>} : memref<512xf32, #tpu.memory_space<vmem>>, vector<16xf32>,
      %add3A_106 = arith.addf %mul3A_103, %get3A_105 : vector<16xf32>
      %mul3A_107 = arith.constant 0.176776692 : f32
      %mul3A_108 = vector.broadcast %mul3A_107 : f32 to vector<16xf32>
      %mul3A_109 = arith.mulf %scan3A_94#2, %mul3A_108 : vector<16xf32>
      %get3A_110 = arith.constant 32 : index
      %get3A_111 = tpu.vector_load %arg12[%get3A_110] {strides = array<i32>} : memref<512xf32, #tpu.memory_space<vmem>>, vector<16xf32>,
      %add3A_112 = arith.addf %mul3A_109, %get3A_111 : vector<16xf32>
      %mul3A_113 = arith.constant 0.176776692 : f32
      %mul3A_114 = vector.broadcast %mul3A_113 : f32 to vector<16xf32>
      %mul3A_115 = arith.mulf %scan3A_94#3, %mul3A_114 : vector<16xf32>
      %get3A_116 = arith.constant 48 : index
      %get3A_117 = tpu.vector_load %arg12[%get3A_116] {strides = array<i32>} : memref<512xf32, #tpu.memory_space<vmem>>, vector<16xf32>,
      %add3A_118 = arith.addf %mul3A_115, %get3A_117 : vector<16xf32>
      %mul3A_119 = arith.constant 0.176776692 : f32
      %mul3A_120 = vector.broadcast %mul3A_119 : f32 to vector<16xf32>
      %mul3A_121 = arith.mulf %scan3A_94#4, %mul3A_120 : vector<16xf32>
      %get3A_122 = arith.constant 64 : index
      %get3A_123 = tpu.vector_load %arg12[%get3A_122] {strides = array<i32>} : memref<512xf32, #tpu.memory_space<vmem>>, vector<16xf32>,
      %add3A_124 = arith.addf %mul3A_121, %get3A_123 : vector<16xf32>
      %mul3A_125 = arith.constant 0.176776692 : f32
      %mul3A_126 = vector.broadcast %mul3A_125 : f32 to vector<16xf32>
      %mul3A_127 = arith.mulf %scan3A_94#5, %mul3A_126 : vector<16xf32>
      %get3A_128 = arith.constant 80 : index
      %get3A_129 = tpu.vector_load %arg12[%get3A_128] {strides = array<i32>} : memref<512xf32, #tpu.memory_space<vmem>>, vector<16xf32>,
      %add3A_130 = arith.addf %mul3A_127, %get3A_129 : vector<16xf32>
      %mul3A_131 = arith.constant 0.176776692 : f32
      %mul3A_132 = vector.broadcast %mul3A_131 : f32 to vector<16xf32>
      %mul3A_133 = arith.mulf %scan3A_94#6, %mul3A_132 : vector<16xf32>
      %get3A_134 = arith.constant 96 : index
      %get3A_135 = tpu.vector_load %arg12[%get3A_134] {strides = array<i32>} : memref<512xf32, #tpu.memory_space<vmem>>, vector<16xf32>,
      %add3A_136 = arith.addf %mul3A_133, %get3A_135 : vector<16xf32>
      %mul3A_137 = arith.constant 0.176776692 : f32
      %mul3A_138 = vector.broadcast %mul3A_137 : f32 to vector<16xf32>
      %mul3A_139 = arith.mulf %scan3A_94#7, %mul3A_138 : vector<16xf32>
      %get3A_140 = arith.constant 112 : index
      %get3A_141 = tpu.vector_load %arg12[%get3A_140] {strides = array<i32>} : memref<512xf32, #tpu.memory_space<vmem>>, vector<16xf32>,
      %add3A_142 = arith.addf %mul3A_139, %get3A_141 : vector<16xf32>
      %mul3A_143 = arith.constant 0.176776692 : f32
      %mul3A_144 = vector.broadcast %mul3A_143 : f32 to vector<16xf32>
      %mul3A_145 = arith.mulf %scan3A_94#8, %mul3A_144 : vector<16xf32>
      %get3A_146 = arith.constant 128 : index
      %get3A_147 = tpu.vector_load %arg12[%get3A_146] {strides = array<i32>} : memref<512xf32, #tpu.memory_space<vmem>>, vector<16xf32>,
      %add3A_148 = arith.addf %mul3A_145, %get3A_147 : vector<16xf32>
      %mul3A_149 = arith.constant 0.176776692 : f32
      %mul3A_150 = vector.broadcast %mul3A_149 : f32 to vector<16xf32>
      %mul3A_151 = arith.mulf %scan3A_94#9, %mul3A_150 : vector<16xf32>
      %get3A_152 = arith.constant 144 : index
      %get3A_153 = tpu.vector_load %arg12[%get3A_152] {strides = array<i32>} : memref<512xf32, #tpu.memory_space<vmem>>, vector<16xf32>,
      %add3A_154 = arith.addf %mul3A_151, %get3A_153 : vector<16xf32>
      %mul3A_155 = arith.constant 0.176776692 : f32
      %mul3A_156 = vector.broadcast %mul3A_155 : f32 to vector<16xf32>
      %mul3A_157 = arith.mulf %scan3A_94#10, %mul3A_156 : vector<16xf32>
      %get3A_158 = arith.constant 160 : index
      %get3A_159 = tpu.vector_load %arg12[%get3A_158] {strides = array<i32>} : memref<512xf32, #tpu.memory_space<vmem>>, vector<16xf32>,
      %add3A_160 = arith.addf %mul3A_157, %get3A_159 : vector<16xf32>
      %mul3A_161 = arith.constant 0.176776692 : f32
      %mul3A_162 = vector.broadcast %mul3A_161 : f32 to vector<16xf32>
      %mul3A_163 = arith.mulf %scan3A_94#11, %mul3A_162 : vector<16xf32>
      %get3A_164 = arith.constant 176 : index
      %get3A_165 = tpu.vector_load %arg12[%get3A_164] {strides = array<i32>} : memref<512xf32, #tpu.memory_space<vmem>>, vector<16xf32>,
      %add3A_166 = arith.addf %mul3A_163, %get3A_165 : vector<16xf32>
      %mul3A_167 = arith.constant 0.176776692 : f32
      %mul3A_168 = vector.broadcast %mul3A_167 : f32 to vector<16xf32>
      %mul3A_169 = arith.mulf %scan3A_94#12, %mul3A_168 : vector<16xf32>
      %get3A_170 = arith.constant 192 : index
      %get3A_171 = tpu.vector_load %arg12[%get3A_170] {strides = array<i32>} : memref<512xf32, #tpu.memory_space<vmem>>, vector<16xf32>,
      %add3A_172 = arith.addf %mul3A_169, %get3A_171 : vector<16xf32>
      %mul3A_173 = arith.constant 0.176776692 : f32
      %mul3A_174 = vector.broadcast %mul3A_173 : f32 to vector<16xf32>
      %mul3A_175 = arith.mulf %scan3A_94#13, %mul3A_174 : vector<16xf32>
      %get3A_176 = arith.constant 208 : index
      %get3A_177 = tpu.vector_load %arg12[%get3A_176] {strides = array<i32>} : memref<512xf32, #tpu.memory_space<vmem>>, vector<16xf32>,
      %add3A_178 = arith.addf %mul3A_175, %get3A_177 : vector<16xf32>
      %mul3A_179 = arith.constant 0.176776692 : f32
      %mul3A_180 = vector.broadcast %mul3A_179 : f32 to vector<16xf32>
      %mul3A_181 = arith.mulf %scan3A_94#14, %mul3A_180 : vector<16xf32>
      %get3A_182 = arith.constant 224 : index
      %get3A_183 = tpu.vector_load %arg12[%get3A_182] {strides = array<i32>} : memref<512xf32, #tpu.memory_space<vmem>>, vector<16xf32>,
      %add3A_184 = arith.addf %mul3A_181, %get3A_183 : vector<16xf32>
      %mul3A_185 = arith.constant 0.176776692 : f32
      %mul3A_186 = vector.broadcast %mul3A_185 : f32 to vector<16xf32>
      %mul3A_187 = arith.mulf %scan3A_94#15, %mul3A_186 : vector<16xf32>
      %get3A_188 = arith.constant 240 : index
      %get3A_189 = tpu.vector_load %arg12[%get3A_188] {strides = array<i32>} : memref<512xf32, #tpu.memory_space<vmem>>, vector<16xf32>,
      %add3A_190 = arith.addf %mul3A_187, %get3A_189 : vector<16xf32>
      %mul3A_191 = arith.constant 0.176776692 : f32
      %mul3A_192 = vector.broadcast %mul3A_191 : f32 to vector<16xf32>
      %mul3A_193 = arith.mulf %scan3A_94#16, %mul3A_192 : vector<16xf32>
      %get3A_194 = arith.constant 256 : index
      %get3A_195 = tpu.vector_load %arg12[%get3A_194] {strides = array<i32>} : memref<512xf32, #tpu.memory_space<vmem>>, vector<16xf32>,
      %add3A_196 = arith.addf %mul3A_193, %get3A_195 : vector<16xf32>
      %mul3A_197 = arith.constant 0.176776692 : f32
      %mul3A_198 = vector.broadcast %mul3A_197 : f32 to vector<16xf32>
      %mul3A_199 = arith.mulf %scan3A_94#17, %mul3A_198 : vector<16xf32>
      %get3A_200 = arith.constant 272 : index
      %get3A_201 = tpu.vector_load %arg12[%get3A_200] {strides = array<i32>} : memref<512xf32, #tpu.memory_space<vmem>>, vector<16xf32>,
      %add3A_202 = arith.addf %mul3A_199, %get3A_201 : vector<16xf32>
      %mul3A_203 = arith.constant 0.176776692 : f32
      %mul3A_204 = vector.broadcast %mul3A_203 : f32 to vector<16xf32>
      %mul3A_205 = arith.mulf %scan3A_94#18, %mul3A_204 : vector<16xf32>
      %get3A_206 = arith.constant 288 : index
      %get3A_207 = tpu.vector_load %arg12[%get3A_206] {strides = array<i32>} : memref<512xf32, #tpu.memory_space<vmem>>, vector<16xf32>,
      %add3A_208 = arith.addf %mul3A_205, %get3A_207 : vector<16xf32>
      %mul3A_209 = arith.constant 0.176776692 : f32
      %mul3A_210 = vector.broadcast %mul3A_209 : f32 to vector<16xf32>
      %mul3A_211 = arith.mulf %scan3A_94#19, %mul3A_210 : vector<16xf32>
      %get3A_212 = arith.constant 304 : index
      %get3A_213 = tpu.vector_load %arg12[%get3A_212] {strides = array<i32>} : memref<512xf32, #tpu.memory_space<vmem>>, vector<16xf32>,
      %add3A_214 = arith.addf %mul3A_211, %get3A_213 : vector<16xf32>
      %mul3A_215 = arith.constant 0.176776692 : f32
      %mul3A_216 = vector.broadcast %mul3A_215 : f32 to vector<16xf32>
      %mul3A_217 = arith.mulf %scan3A_94#20, %mul3A_216 : vector<16xf32>
      %get3A_218 = arith.constant 320 : index
      %get3A_219 = tpu.vector_load %arg12[%get3A_218] {strides = array<i32>} : memref<512xf32, #tpu.memory_space<vmem>>, vector<16xf32>,
      %add3A_220 = arith.addf %mul3A_217, %get3A_219 : vector<16xf32>
      %mul3A_221 = arith.constant 0.176776692 : f32
      %mul3A_222 = vector.broadcast %mul3A_221 : f32 to vector<16xf32>
      %mul3A_223 = arith.mulf %scan3A_94#21, %mul3A_222 : vector<16xf32>
      %get3A_224 = arith.constant 336 : index
      %get3A_225 = tpu.vector_load %arg12[%get3A_224] {strides = array<i32>} : memref<512xf32, #tpu.memory_space<vmem>>, vector<16xf32>,
      %add3A_226 = arith.addf %mul3A_223, %get3A_225 : vector<16xf32>
      %mul3A_227 = arith.constant 0.176776692 : f32
      %mul3A_228 = vector.broadcast %mul3A_227 : f32 to vector<16xf32>
      %mul3A_229 = arith.mulf %scan3A_94#22, %mul3A_228 : vector<16xf32>
      %get3A_230 = arith.constant 352 : index
      %get3A_231 = tpu.vector_load %arg12[%get3A_230] {strides = array<i32>} : memref<512xf32, #tpu.memory_space<vmem>>, vector<16xf32>,
      %add3A_232 = arith.addf %mul3A_229, %get3A_231 : vector<16xf32>
      %mul3A_233 = arith.constant 0.176776692 : f32
      %mul3A_234 = vector.broadcast %mul3A_233 : f32 to vector<16xf32>
      %mul3A_235 = arith.mulf %scan3A_94#23, %mul3A_234 : vector<16xf32>
      %get3A_236 = arith.constant 368 : index
      %get3A_237 = tpu.vector_load %arg12[%get3A_236] {strides = array<i32>} : memref<512xf32, #tpu.memory_space<vmem>>, vector<16xf32>,
      %add3A_238 = arith.addf %mul3A_235, %get3A_237 : vector<16xf32>
      %mul3A_239 = arith.constant 0.176776692 : f32
      %mul3A_240 = vector.broadcast %mul3A_239 : f32 to vector<16xf32>
      %mul3A_241 = arith.mulf %scan3A_94#24, %mul3A_240 : vector<16xf32>
      %get3A_242 = arith.constant 384 : index
      %get3A_243 = tpu.vector_load %arg12[%get3A_242] {strides = array<i32>} : memref<512xf32, #tpu.memory_space<vmem>>, vector<16xf32>,
      %add3A_244 = arith.addf %mul3A_241, %get3A_243 : vector<16xf32>
      %mul3A_245 = arith.constant 0.176776692 : f32
      %mul3A_246 = vector.broadcast %mul3A_245 : f32 to vector<16xf32>
      %mul3A_247 = arith.mulf %scan3A_94#25, %mul3A_246 : vector<16xf32>
      %get3A_248 = arith.constant 400 : index
      %get3A_249 = tpu.vector_load %arg12[%get3A_248] {strides = array<i32>} : memref<512xf32, #tpu.memory_space<vmem>>, vector<16xf32>,
      %add3A_250 = arith.addf %mul3A_247, %get3A_249 : vector<16xf32>
      %mul3A_251 = arith.constant 0.176776692 : f32
      %mul3A_252 = vector.broadcast %mul3A_251 : f32 to vector<16xf32>
      %mul3A_253 = arith.mulf %scan3A_94#26, %mul3A_252 : vector<16xf32>
      %get3A_254 = arith.constant 416 : index
      %get3A_255 = tpu.vector_load %arg12[%get3A_254] {strides = array<i32>} : memref<512xf32, #tpu.memory_space<vmem>>, vector<16xf32>,
      %add3A_256 = arith.addf %mul3A_253, %get3A_255 : vector<16xf32>
      %mul3A_257 = arith.constant 0.176776692 : f32
      %mul3A_258 = vector.broadcast %mul3A_257 : f32 to vector<16xf32>
      %mul3A_259 = arith.mulf %scan3A_94#27, %mul3A_258 : vector<16xf32>
      %get3A_260 = arith.constant 432 : index
      %get3A_261 = tpu.vector_load %arg12[%get3A_260] {strides = array<i32>} : memref<512xf32, #tpu.memory_space<vmem>>, vector<16xf32>,
      %add3A_262 = arith.addf %mul3A_259, %get3A_261 : vector<16xf32>
      %mul3A_263 = arith.constant 0.176776692 : f32
      %mul3A_264 = vector.broadcast %mul3A_263 : f32 to vector<16xf32>
      %mul3A_265 = arith.mulf %scan3A_94#28, %mul3A_264 : vector<16xf32>
      %get3A_266 = arith.constant 448 : index
      %get3A_267 = tpu.vector_load %arg12[%get3A_266] {strides = array<i32>} : memref<512xf32, #tpu.memory_space<vmem>>, vector<16xf32>,
      %add3A_268 = arith.addf %mul3A_265, %get3A_267 : vector<16xf32>
      %mul3A_269 = arith.constant 0.176776692 : f32
      %mul3A_270 = vector.broadcast %mul3A_269 : f32 to vector<16xf32>
      %mul3A_271 = arith.mulf %scan3A_94#29, %mul3A_270 : vector<16xf32>
      %get3A_272 = arith.constant 464 : index
      %get3A_273 = tpu.vector_load %arg12[%get3A_272] {strides = array<i32>} : memref<512xf32, #tpu.memory_space<vmem>>, vector<16xf32>,
      %add3A_274 = arith.addf %mul3A_271, %get3A_273 : vector<16xf32>
      %mul3A_275 = arith.constant 0.176776692 : f32
      %mul3A_276 = vector.broadcast %mul3A_275 : f32 to vector<16xf32>
      %mul3A_277 = arith.mulf %scan3A_94#30, %mul3A_276 : vector<16xf32>
      %get3A_278 = arith.constant 480 : index
      %get3A_279 = tpu.vector_load %arg12[%get3A_278] {strides = array<i32>} : memref<512xf32, #tpu.memory_space<vmem>>, vector<16xf32>,
      %add3A_280 = arith.addf %mul3A_277, %get3A_279 : vector<16xf32>
      %mul3A_281 = arith.constant 0.176776692 : f32
      %mul3A_282 = vector.broadcast %mul3A_281 : f32 to vector<16xf32>
      %mul3A_283 = arith.mulf %scan3A_94#31, %mul3A_282 : vector<16xf32>
      %get3A_284 = arith.constant 496 : index
      %get3A_285 = tpu.vector_load %arg12[%get3A_284] {strides = array<i32>} : memref<512xf32, #tpu.memory_space<vmem>>, vector<16xf32>,
      %add3A_286 = arith.addf %mul3A_283, %get3A_285 : vector<16xf32>
      %max3A = arith.maximumf %add3A_100, %add3A_106 : vector<16xf32>
      %max3A_287 = arith.maximumf %add3A_112, %add3A_118 : vector<16xf32>
      %max3A_288 = arith.maximumf %add3A_124, %add3A_130 : vector<16xf32>
      %max3A_289 = arith.maximumf %add3A_136, %add3A_142 : vector<16xf32>
      %max3A_290 = arith.maximumf %add3A_148, %add3A_154 : vector<16xf32>
      %max3A_291 = arith.maximumf %add3A_160, %add3A_166 : vector<16xf32>
      %max3A_292 = arith.maximumf %add3A_172, %add3A_178 : vector<16xf32>
      %max3A_293 = arith.maximumf %add3A_184, %add3A_190 : vector<16xf32>
      %max3A_294 = arith.maximumf %add3A_196, %add3A_202 : vector<16xf32>
      %max3A_295 = arith.maximumf %add3A_208, %add3A_214 : vector<16xf32>
      %max3A_296 = arith.maximumf %add3A_220, %add3A_226 : vector<16xf32>
      %max3A_297 = arith.maximumf %add3A_232, %add3A_238 : vector<16xf32>
      %max3A_298 = arith.maximumf %add3A_244, %add3A_250 : vector<16xf32>
      %max3A_299 = arith.maximumf %add3A_256, %add3A_262 : vector<16xf32>
      %max3A_300 = arith.maximumf %add3A_268, %add3A_274 : vector<16xf32>
      %max3A_301 = arith.maximumf %add3A_280, %add3A_286 : vector<16xf32>
      %max3A_302 = arith.maximumf %max3A, %max3A_287 : vector<16xf32>
      %max3A_303 = arith.maximumf %max3A_288, %max3A_289 : vector<16xf32>
      %max3A_304 = arith.maximumf %max3A_290, %max3A_291 : vector<16xf32>
      %max3A_305 = arith.maximumf %max3A_292, %max3A_293 : vector<16xf32>
      %max3A_306 = arith.maximumf %max3A_294, %max3A_295 : vector<16xf32>
      %max3A_307 = arith.maximumf %max3A_296, %max3A_297 : vector<16xf32>
      %max3A_308 = arith.maximumf %max3A_298, %max3A_299 : vector<16xf32>
      %max3A_309 = arith.maximumf %max3A_300, %max3A_301 : vector<16xf32>
      %max3A_310 = arith.maximumf %max3A_302, %max3A_303 : vector<16xf32>
      %max3A_311 = arith.maximumf %max3A_304, %max3A_305 : vector<16xf32>
      %max3A_312 = arith.maximumf %max3A_306, %max3A_307 : vector<16xf32>
      %max3A_313 = arith.maximumf %max3A_308, %max3A_309 : vector<16xf32>
      %max3A_314 = arith.maximumf %max3A_310, %max3A_311 : vector<16xf32>
      %max3A_315 = arith.maximumf %max3A_312, %max3A_313 : vector<16xf32>
      %max3A_316 = arith.maximumf %max3A_314, %max3A_315 : vector<16xf32>
      %broadcast_in_dim3A_317 = arith.constant 0.000000e+00 : f32
      %broadcast_in_dim3A_318 = vector.broadcast %broadcast_in_dim3A_317 : f32 to vector<16xf32>
      %sub3A = arith.subf %add3A_100, %max3A_316 : vector<16xf32>
      %exp3A = math.exp %sub3A : vector<16xf32>
      %swap3A = arith.constant 0 : index
      %swap3A_319 = tpu.vector_load %arg12[%swap3A] {strides = array<i32>} : memref<512xf32, #tpu.memory_space<vmem>>, vector<16xf32>,
      tpu.vector_store %arg12[%swap3A], %exp3A {strides = array<i32>} : memref<512xf32, #tpu.memory_space<vmem>>, vector<16xf32>,
      %add3A_320 = arith.addf %broadcast_in_dim3A_318, %exp3A : vector<16xf32>
      %sub3A_321 = arith.subf %add3A_106, %max3A_316 : vector<16xf32>
      %exp3A_322 = math.exp %sub3A_321 : vector<16xf32>
      %swap3A_323 = arith.constant 16 : index
      %swap3A_324 = tpu.vector_load %arg12[%swap3A_323] {strides = array<i32>} : memref<512xf32, #tpu.memory_space<vmem>>, vector<16xf32>,
      tpu.vector_store %arg12[%swap3A_323], %exp3A_322 {strides = array<i32>} : memref<512xf32, #tpu.memory_space<vmem>>, vector<16xf32>,
      %add3A_325 = arith.addf %add3A_320, %exp3A_322 : vector<16xf32>
      %sub3A_326 = arith.subf %add3A_112, %max3A_316 : vector<16xf32>
      %exp3A_327 = math.exp %sub3A_326 : vector<16xf32>
      %swap3A_328 = arith.constant 32 : index
      %swap3A_329 = tpu.vector_load %arg12[%swap3A_328] {strides = array<i32>} : memref<512xf32, #tpu.memory_space<vmem>>, vector<16xf32>,
      tpu.vector_store %arg12[%swap3A_328], %exp3A_327 {strides = array<i32>} : memref<512xf32, #tpu.memory_space<vmem>>, vector<16xf32>,
      %add3A_330 = arith.addf %add3A_325, %exp3A_327 : vector<16xf32>
      %sub3A_331 = arith.subf %add3A_118, %max3A_316 : vector<16xf32>
      %exp3A_332 = math.exp %sub3A_331 : vector<16xf32>
      %swap3A_333 = arith.constant 48 : index
      %swap3A_334 = tpu.vector_load %arg12[%swap3A_333] {strides = array<i32>} : memref<512xf32, #tpu.memory_space<vmem>>, vector<16xf32>,
      tpu.vector_store %arg12[%swap3A_333], %exp3A_332 {strides = array<i32>} : memref<512xf32, #tpu.memory_space<vmem>>, vector<16xf32>,
      %add3A_335 = arith.addf %add3A_330, %exp3A_332 : vector<16xf32>
      %sub3A_336 = arith.subf %add3A_124, %max3A_316 : vector<16xf32>
      %exp3A_337 = math.exp %sub3A_336 : vector<16xf32>
      %swap3A_338 = arith.constant 64 : index
      %swap3A_339 = tpu.vector_load %arg12[%swap3A_338] {strides = array<i32>} : memref<512xf32, #tpu.memory_space<vmem>>, vector<16xf32>,
      tpu.vector_store %arg12[%swap3A_338], %exp3A_337 {strides = array<i32>} : memref<512xf32, #tpu.memory_space<vmem>>, vector<16xf32>,
      %add3A_340 = arith.addf %add3A_335, %exp3A_337 : vector<16xf32>
      %sub3A_341 = arith.subf %add3A_130, %max3A_316 : vector<16xf32>
      %exp3A_342 = math.exp %sub3A_341 : vector<16xf32>
      %swap3A_343 = arith.constant 80 : index
      %swap3A_344 = tpu.vector_load %arg12[%swap3A_343] {strides = array<i32>} : memref<512xf32, #tpu.memory_space<vmem>>, vector<16xf32>,
      tpu.vector_store %arg12[%swap3A_343], %exp3A_342 {strides = array<i32>} : memref<512xf32, #tpu.memory_space<vmem>>, vector<16xf32>,
      %add3A_345 = arith.addf %add3A_340, %exp3A_342 : vector<16xf32>
      %sub3A_346 = arith.subf %add3A_136, %max3A_316 : vector<16xf32>
      %exp3A_347 = math.exp %sub3A_346 : vector<16xf32>
      %swap3A_348 = arith.constant 96 : index
      %swap3A_349 = tpu.vector_load %arg12[%swap3A_348] {strides = array<i32>} : memref<512xf32, #tpu.memory_space<vmem>>, vector<16xf32>,
      tpu.vector_store %arg12[%swap3A_348], %exp3A_347 {strides = array<i32>} : memref<512xf32, #tpu.memory_space<vmem>>, vector<16xf32>,
      %add3A_350 = arith.addf %add3A_345, %exp3A_347 : vector<16xf32>
      %sub3A_351 = arith.subf %add3A_142, %max3A_316 : vector<16xf32>
      %exp3A_352 = math.exp %sub3A_351 : vector<16xf32>
      %swap3A_353 = arith.constant 112 : index
      %swap3A_354 = tpu.vector_load %arg12[%swap3A_353] {strides = array<i32>} : memref<512xf32, #tpu.memory_space<vmem>>, vector<16xf32>,
      tpu.vector_store %arg12[%swap3A_353], %exp3A_352 {strides = array<i32>} : memref<512xf32, #tpu.memory_space<vmem>>, vector<16xf32>,
      %add3A_355 = arith.addf %add3A_350, %exp3A_352 : vector<16xf32>
      %sub3A_356 = arith.subf %add3A_148, %max3A_316 : vector<16xf32>
      %exp3A_357 = math.exp %sub3A_356 : vector<16xf32>
      %swap3A_358 = arith.constant 128 : index
      %swap3A_359 = tpu.vector_load %arg12[%swap3A_358] {strides = array<i32>} : memref<512xf32, #tpu.memory_space<vmem>>, vector<16xf32>,
      tpu.vector_store %arg12[%swap3A_358], %exp3A_357 {strides = array<i32>} : memref<512xf32, #tpu.memory_space<vmem>>, vector<16xf32>,
      %add3A_360 = arith.addf %add3A_355, %exp3A_357 : vector<16xf32>
      %sub3A_361 = arith.subf %add3A_154, %max3A_316 : vector<16xf32>
      %exp3A_362 = math.exp %sub3A_361 : vector<16xf32>
      %swap3A_363 = arith.constant 144 : index
      %swap3A_364 = tpu.vector_load %arg12[%swap3A_363] {strides = array<i32>} : memref<512xf32, #tpu.memory_space<vmem>>, vector<16xf32>,
      tpu.vector_store %arg12[%swap3A_363], %exp3A_362 {strides = array<i32>} : memref<512xf32, #tpu.memory_space<vmem>>, vector<16xf32>,
      %add3A_365 = arith.addf %add3A_360, %exp3A_362 : vector<16xf32>
      %sub3A_366 = arith.subf %add3A_160, %max3A_316 : vector<16xf32>
      %exp3A_367 = math.exp %sub3A_366 : vector<16xf32>
      %swap3A_368 = arith.constant 160 : index
      %swap3A_369 = tpu.vector_load %arg12[%swap3A_368] {strides = array<i32>} : memref<512xf32, #tpu.memory_space<vmem>>, vector<16xf32>,
      tpu.vector_store %arg12[%swap3A_368], %exp3A_367 {strides = array<i32>} : memref<512xf32, #tpu.memory_space<vmem>>, vector<16xf32>,
      %add3A_370 = arith.addf %add3A_365, %exp3A_367 : vector<16xf32>
      %sub3A_371 = arith.subf %add3A_166, %max3A_316 : vector<16xf32>
      %exp3A_372 = math.exp %sub3A_371 : vector<16xf32>
      %swap3A_373 = arith.constant 176 : index
      %swap3A_374 = tpu.vector_load %arg12[%swap3A_373] {strides = array<i32>} : memref<512xf32, #tpu.memory_space<vmem>>, vector<16xf32>,
      tpu.vector_store %arg12[%swap3A_373], %exp3A_372 {strides = array<i32>} : memref<512xf32, #tpu.memory_space<vmem>>, vector<16xf32>,
      %add3A_375 = arith.addf %add3A_370, %exp3A_372 : vector<16xf32>
      %sub3A_376 = arith.subf %add3A_172, %max3A_316 : vector<16xf32>
      %exp3A_377 = math.exp %sub3A_376 : vector<16xf32>
      %swap3A_378 = arith.constant 192 : index
      %swap3A_379 = tpu.vector_load %arg12[%swap3A_378] {strides = array<i32>} : memref<512xf32, #tpu.memory_space<vmem>>, vector<16xf32>,
      tpu.vector_store %arg12[%swap3A_378], %exp3A_377 {strides = array<i32>} : memref<512xf32, #tpu.memory_space<vmem>>, vector<16xf32>,
      %add3A_380 = arith.addf %add3A_375, %exp3A_377 : vector<16xf32>
      %sub3A_381 = arith.subf %add3A_178, %max3A_316 : vector<16xf32>
      %exp3A_382 = math.exp %sub3A_381 : vector<16xf32>
      %swap3A_383 = arith.constant 208 : index
      %swap3A_384 = tpu.vector_load %arg12[%swap3A_383] {strides = array<i32>} : memref<512xf32, #tpu.memory_space<vmem>>, vector<16xf32>,
      tpu.vector_store %arg12[%swap3A_383], %exp3A_382 {strides = array<i32>} : memref<512xf32, #tpu.memory_space<vmem>>, vector<16xf32>,
      %add3A_385 = arith.addf %add3A_380, %exp3A_382 : vector<16xf32>
      %sub3A_386 = arith.subf %add3A_184, %max3A_316 : vector<16xf32>
      %exp3A_387 = math.exp %sub3A_386 : vector<16xf32>
      %swap3A_388 = arith.constant 224 : index
      %swap3A_389 = tpu.vector_load %arg12[%swap3A_388] {strides = array<i32>} : memref<512xf32, #tpu.memory_space<vmem>>, vector<16xf32>,
      tpu.vector_store %arg12[%swap3A_388], %exp3A_387 {strides = array<i32>} : memref<512xf32, #tpu.memory_space<vmem>>, vector<16xf32>,
      %add3A_390 = arith.addf %add3A_385, %exp3A_387 : vector<16xf32>
      %sub3A_391 = arith.subf %add3A_190, %max3A_316 : vector<16xf32>
      %exp3A_392 = math.exp %sub3A_391 : vector<16xf32>
      %swap3A_393 = arith.constant 240 : index
      %swap3A_394 = tpu.vector_load %arg12[%swap3A_393] {strides = array<i32>} : memref<512xf32, #tpu.memory_space<vmem>>, vector<16xf32>,
      tpu.vector_store %arg12[%swap3A_393], %exp3A_392 {strides = array<i32>} : memref<512xf32, #tpu.memory_space<vmem>>, vector<16xf32>,
      %add3A_395 = arith.addf %add3A_390, %exp3A_392 : vector<16xf32>
      %sub3A_396 = arith.subf %add3A_196, %max3A_316 : vector<16xf32>
      %exp3A_397 = math.exp %sub3A_396 : vector<16xf32>
      %swap3A_398 = arith.constant 256 : index
      %swap3A_399 = tpu.vector_load %arg12[%swap3A_398] {strides = array<i32>} : memref<512xf32, #tpu.memory_space<vmem>>, vector<16xf32>,
      tpu.vector_store %arg12[%swap3A_398], %exp3A_397 {strides = array<i32>} : memref<512xf32, #tpu.memory_space<vmem>>, vector<16xf32>,
      %add3A_400 = arith.addf %add3A_395, %exp3A_397 : vector<16xf32>
      %sub3A_401 = arith.subf %add3A_202, %max3A_316 : vector<16xf32>
      %exp3A_402 = math.exp %sub3A_401 : vector<16xf32>
      %swap3A_403 = arith.constant 272 : index
      %swap3A_404 = tpu.vector_load %arg12[%swap3A_403] {strides = array<i32>} : memref<512xf32, #tpu.memory_space<vmem>>, vector<16xf32>,
      tpu.vector_store %arg12[%swap3A_403], %exp3A_402 {strides = array<i32>} : memref<512xf32, #tpu.memory_space<vmem>>, vector<16xf32>,
      %add3A_405 = arith.addf %add3A_400, %exp3A_402 : vector<16xf32>
      %sub3A_406 = arith.subf %add3A_208, %max3A_316 : vector<16xf32>
      %exp3A_407 = math.exp %sub3A_406 : vector<16xf32>
      %swap3A_408 = arith.constant 288 : index
      %swap3A_409 = tpu.vector_load %arg12[%swap3A_408] {strides = array<i32>} : memref<512xf32, #tpu.memory_space<vmem>>, vector<16xf32>,
      tpu.vector_store %arg12[%swap3A_408], %exp3A_407 {strides = array<i32>} : memref<512xf32, #tpu.memory_space<vmem>>, vector<16xf32>,
      %add3A_410 = arith.addf %add3A_405, %exp3A_407 : vector<16xf32>
      %sub3A_411 = arith.subf %add3A_214, %max3A_316 : vector<16xf32>
      %exp3A_412 = math.exp %sub3A_411 : vector<16xf32>
      %swap3A_413 = arith.constant 304 : index
      %swap3A_414 = tpu.vector_load %arg12[%swap3A_413] {strides = array<i32>} : memref<512xf32, #tpu.memory_space<vmem>>, vector<16xf32>,
      tpu.vector_store %arg12[%swap3A_413], %exp3A_412 {strides = array<i32>} : memref<512xf32, #tpu.memory_space<vmem>>, vector<16xf32>,
      %add3A_415 = arith.addf %add3A_410, %exp3A_412 : vector<16xf32>
      %sub3A_416 = arith.subf %add3A_220, %max3A_316 : vector<16xf32>
      %exp3A_417 = math.exp %sub3A_416 : vector<16xf32>
      %swap3A_418 = arith.constant 320 : index
      %swap3A_419 = tpu.vector_load %arg12[%swap3A_418] {strides = array<i32>} : memref<512xf32, #tpu.memory_space<vmem>>, vector<16xf32>,
      tpu.vector_store %arg12[%swap3A_418], %exp3A_417 {strides = array<i32>} : memref<512xf32, #tpu.memory_space<vmem>>, vector<16xf32>,
      %add3A_420 = arith.addf %add3A_415, %exp3A_417 : vector<16xf32>
      %sub3A_421 = arith.subf %add3A_226, %max3A_316 : vector<16xf32>
      %exp3A_422 = math.exp %sub3A_421 : vector<16xf32>
      %swap3A_423 = arith.constant 336 : index
      %swap3A_424 = tpu.vector_load %arg12[%swap3A_423] {strides = array<i32>} : memref<512xf32, #tpu.memory_space<vmem>>, vector<16xf32>,
      tpu.vector_store %arg12[%swap3A_423], %exp3A_422 {strides = array<i32>} : memref<512xf32, #tpu.memory_space<vmem>>, vector<16xf32>,
      %add3A_425 = arith.addf %add3A_420, %exp3A_422 : vector<16xf32>
      %sub3A_426 = arith.subf %add3A_232, %max3A_316 : vector<16xf32>
      %exp3A_427 = math.exp %sub3A_426 : vector<16xf32>
      %swap3A_428 = arith.constant 352 : index
      %swap3A_429 = tpu.vector_load %arg12[%swap3A_428] {strides = array<i32>} : memref<512xf32, #tpu.memory_space<vmem>>, vector<16xf32>,
      tpu.vector_store %arg12[%swap3A_428], %exp3A_427 {strides = array<i32>} : memref<512xf32, #tpu.memory_space<vmem>>, vector<16xf32>,
      %add3A_430 = arith.addf %add3A_425, %exp3A_427 : vector<16xf32>
      %sub3A_431 = arith.subf %add3A_238, %max3A_316 : vector<16xf32>
      %exp3A_432 = math.exp %sub3A_431 : vector<16xf32>
      %swap3A_433 = arith.constant 368 : index
      %swap3A_434 = tpu.vector_load %arg12[%swap3A_433] {strides = array<i32>} : memref<512xf32, #tpu.memory_space<vmem>>, vector<16xf32>,
      tpu.vector_store %arg12[%swap3A_433], %exp3A_432 {strides = array<i32>} : memref<512xf32, #tpu.memory_space<vmem>>, vector<16xf32>,
      %add3A_435 = arith.addf %add3A_430, %exp3A_432 : vector<16xf32>
      %sub3A_436 = arith.subf %add3A_244, %max3A_316 : vector<16xf32>
      %exp3A_437 = math.exp %sub3A_436 : vector<16xf32>
      %swap3A_438 = arith.constant 384 : index
      %swap3A_439 = tpu.vector_load %arg12[%swap3A_438] {strides = array<i32>} : memref<512xf32, #tpu.memory_space<vmem>>, vector<16xf32>,
      tpu.vector_store %arg12[%swap3A_438], %exp3A_437 {strides = array<i32>} : memref<512xf32, #tpu.memory_space<vmem>>, vector<16xf32>,
      %add3A_440 = arith.addf %add3A_435, %exp3A_437 : vector<16xf32>
      %sub3A_441 = arith.subf %add3A_250, %max3A_316 : vector<16xf32>
      %exp3A_442 = math.exp %sub3A_441 : vector<16xf32>
      %swap3A_443 = arith.constant 400 : index
      %swap3A_444 = tpu.vector_load %arg12[%swap3A_443] {strides = array<i32>} : memref<512xf32, #tpu.memory_space<vmem>>, vector<16xf32>,
      tpu.vector_store %arg12[%swap3A_443], %exp3A_442 {strides = array<i32>} : memref<512xf32, #tpu.memory_space<vmem>>, vector<16xf32>,
      %add3A_445 = arith.addf %add3A_440, %exp3A_442 : vector<16xf32>
      %sub3A_446 = arith.subf %add3A_256, %max3A_316 : vector<16xf32>
      %exp3A_447 = math.exp %sub3A_446 : vector<16xf32>
      %swap3A_448 = arith.constant 416 : index
      %swap3A_449 = tpu.vector_load %arg12[%swap3A_448] {strides = array<i32>} : memref<512xf32, #tpu.memory_space<vmem>>, vector<16xf32>,
      tpu.vector_store %arg12[%swap3A_448], %exp3A_447 {strides = array<i32>} : memref<512xf32, #tpu.memory_space<vmem>>, vector<16xf32>,
      %add3A_450 = arith.addf %add3A_445, %exp3A_447 : vector<16xf32>
      %sub3A_451 = arith.subf %add3A_262, %max3A_316 : vector<16xf32>
      %exp3A_452 = math.exp %sub3A_451 : vector<16xf32>
      %swap3A_453 = arith.constant 432 : index
      %swap3A_454 = tpu.vector_load %arg12[%swap3A_453] {strides = array<i32>} : memref<512xf32, #tpu.memory_space<vmem>>, vector<16xf32>,
      tpu.vector_store %arg12[%swap3A_453], %exp3A_452 {strides = array<i32>} : memref<512xf32, #tpu.memory_space<vmem>>, vector<16xf32>,
      %add3A_455 = arith.addf %add3A_450, %exp3A_452 : vector<16xf32>
      %sub3A_456 = arith.subf %add3A_268, %max3A_316 : vector<16xf32>
      %exp3A_457 = math.exp %sub3A_456 : vector<16xf32>
      %swap3A_458 = arith.constant 448 : index
      %swap3A_459 = tpu.vector_load %arg12[%swap3A_458] {strides = array<i32>} : memref<512xf32, #tpu.memory_space<vmem>>, vector<16xf32>,
      tpu.vector_store %arg12[%swap3A_458], %exp3A_457 {strides = array<i32>} : memref<512xf32, #tpu.memory_space<vmem>>, vector<16xf32>,
      %add3A_460 = arith.addf %add3A_455, %exp3A_457 : vector<16xf32>
      %sub3A_461 = arith.subf %add3A_274, %max3A_316 : vector<16xf32>
      %exp3A_462 = math.exp %sub3A_461 : vector<16xf32>
      %swap3A_463 = arith.constant 464 : index
      %swap3A_464 = tpu.vector_load %arg12[%swap3A_463] {strides = array<i32>} : memref<512xf32, #tpu.memory_space<vmem>>, vector<16xf32>,
      tpu.vector_store %arg12[%swap3A_463], %exp3A_462 {strides = array<i32>} : memref<512xf32, #tpu.memory_space<vmem>>, vector<16xf32>,
      %add3A_465 = arith.addf %add3A_460, %exp3A_462 : vector<16xf32>
      %sub3A_466 = arith.subf %add3A_280, %max3A_316 : vector<16xf32>
      %exp3A_467 = math.exp %sub3A_466 : vector<16xf32>
      %swap3A_468 = arith.constant 480 : index
      %swap3A_469 = tpu.vector_load %arg12[%swap3A_468] {strides = array<i32>} : memref<512xf32, #tpu.memory_space<vmem>>, vector<16xf32>,
      tpu.vector_store %arg12[%swap3A_468], %exp3A_467 {strides = array<i32>} : memref<512xf32, #tpu.memory_space<vmem>>, vector<16xf32>,
      %add3A_470 = arith.addf %add3A_465, %exp3A_467 : vector<16xf32>
      %sub3A_471 = arith.subf %add3A_286, %max3A_316 : vector<16xf32>
      %exp3A_472 = math.exp %sub3A_471 : vector<16xf32>
      %swap3A_473 = arith.constant 496 : index
      %swap3A_474 = tpu.vector_load %arg12[%swap3A_473] {strides = array<i32>} : memref<512xf32, #tpu.memory_space<vmem>>, vector<16xf32>,
      tpu.vector_store %arg12[%swap3A_473], %exp3A_472 {strides = array<i32>} : memref<512xf32, #tpu.memory_space<vmem>>, vector<16xf32>,
      %add3A_475 = arith.addf %add3A_470, %exp3A_472 : vector<16xf32>
      %div3A = arith.constant 1.000000e+00 : f32
      %div3A_476 = vector.broadcast %div3A : f32 to vector<16xf32>
      %div3A_477 = arith.divf %div3A_476, %add3A_475 : vector<16xf32>
      %dma_wait3A_478 = tpu.memref_slice %arg8[%multiple_of3A_15] : memref<8192xi32, #tpu.memory_space<vmem>> -> memref<32xi32, #tpu.memory_space<vmem>>
      %dma_wait3A_479 = arith.constant 0 : i32
      %dma_wait3A_480 = arith.constant 0 : i32
      %dma_wait3A_481 = tpu.memref_slice %arg4[%dma_wait3A_479, %dma_wait3A_480] : memref<8192x512xf32, #tpu.memory_space<hbm>> -> memref<8192x512xf32, #tpu.memory_space<hbm>>
      tpu.wait_indirect_dma semaphore(%arg15 : memref<!tpu.dma_semaphore, #tpu.memory_space<semaphore_mem>>) src(%dma_wait3A_481 : memref<8192x512xf32, #tpu.memory_space<hbm>>) dst(%arg10 : memref<32x512xf32, #tpu.memory_space<vmem>>)
      %broadcast_in_dim3A_482 = arith.constant 0.000000e+00 : f32
      %broadcast_in_dim3A_483 = vector.broadcast %broadcast_in_dim3A_482 : f32 to vector<16xf32>
      %broadcast_in_dim3A_484 = arith.constant 0.000000e+00 : f32
      %broadcast_in_dim3A_485 = vector.broadcast %broadcast_in_dim3A_484 : f32 to vector<16xf32>
      %broadcast_in_dim3A_486 = arith.constant 0.000000e+00 : f32
      %broadcast_in_dim3A_487 = vector.broadcast %broadcast_in_dim3A_486 : f32 to vector<16xf32>
      %broadcast_in_dim3A_488 = arith.constant 0.000000e+00 : f32
      %broadcast_in_dim3A_489 = vector.broadcast %broadcast_in_dim3A_488 : f32 to vector<16xf32>
      %broadcast_in_dim3A_490 = arith.constant 0.000000e+00 : f32
      %broadcast_in_dim3A_491 = vector.broadcast %broadcast_in_dim3A_490 : f32 to vector<16xf32>
      %broadcast_in_dim3A_492 = arith.constant 0.000000e+00 : f32
      %broadcast_in_dim3A_493 = vector.broadcast %broadcast_in_dim3A_492 : f32 to vector<16xf32>
      %broadcast_in_dim3A_494 = arith.constant 0.000000e+00 : f32
      %broadcast_in_dim3A_495 = vector.broadcast %broadcast_in_dim3A_494 : f32 to vector<16xf32>
      %broadcast_in_dim3A_496 = arith.constant 0.000000e+00 : f32
      %broadcast_in_dim3A_497 = vector.broadcast %broadcast_in_dim3A_496 : f32 to vector<16xf32>
      %broadcast_in_dim3A_498 = arith.constant 0.000000e+00 : f32
      %broadcast_in_dim3A_499 = vector.broadcast %broadcast_in_dim3A_498 : f32 to vector<16xf32>
      %broadcast_in_dim3A_500 = arith.constant 0.000000e+00 : f32
      %broadcast_in_dim3A_501 = vector.broadcast %broadcast_in_dim3A_500 : f32 to vector<16xf32>
      %broadcast_in_dim3A_502 = arith.constant 0.000000e+00 : f32
      %broadcast_in_dim3A_503 = vector.broadcast %broadcast_in_dim3A_502 : f32 to vector<16xf32>
      %broadcast_in_dim3A_504 = arith.constant 0.000000e+00 : f32
      %broadcast_in_dim3A_505 = vector.broadcast %broadcast_in_dim3A_504 : f32 to vector<16xf32>
      %broadcast_in_dim3A_506 = arith.constant 0.000000e+00 : f32
      %broadcast_in_dim3A_507 = vector.broadcast %broadcast_in_dim3A_506 : f32 to vector<16xf32>
      %broadcast_in_dim3A_508 = arith.constant 0.000000e+00 : f32
      %broadcast_in_dim3A_509 = vector.broadcast %broadcast_in_dim3A_508 : f32 to vector<16xf32>
      %broadcast_in_dim3A_510 = arith.constant 0.000000e+00 : f32
      %broadcast_in_dim3A_511 = vector.broadcast %broadcast_in_dim3A_510 : f32 to vector<16xf32>
      %broadcast_in_dim3A_512 = arith.constant 0.000000e+00 : f32
      %broadcast_in_dim3A_513 = vector.broadcast %broadcast_in_dim3A_512 : f32 to vector<16xf32>
      %broadcast_in_dim3A_514 = arith.constant 0.000000e+00 : f32
      %broadcast_in_dim3A_515 = vector.broadcast %broadcast_in_dim3A_514 : f32 to vector<16xf32>
      %broadcast_in_dim3A_516 = arith.constant 0.000000e+00 : f32
      %broadcast_in_dim3A_517 = vector.broadcast %broadcast_in_dim3A_516 : f32 to vector<16xf32>
      %broadcast_in_dim3A_518 = arith.constant 0.000000e+00 : f32
      %broadcast_in_dim3A_519 = vector.broadcast %broadcast_in_dim3A_518 : f32 to vector<16xf32>
      %broadcast_in_dim3A_520 = arith.constant 0.000000e+00 : f32
      %broadcast_in_dim3A_521 = vector.broadcast %broadcast_in_dim3A_520 : f32 to vector<16xf32>
      %broadcast_in_dim3A_522 = arith.constant 0.000000e+00 : f32
      %broadcast_in_dim3A_523 = vector.broadcast %broadcast_in_dim3A_522 : f32 to vector<16xf32>
      %broadcast_in_dim3A_524 = arith.constant 0.000000e+00 : f32
      %broadcast_in_dim3A_525 = vector.broadcast %broadcast_in_dim3A_524 : f32 to vector<16xf32>
      %broadcast_in_dim3A_526 = arith.constant 0.000000e+00 : f32
      %broadcast_in_dim3A_527 = vector.broadcast %broadcast_in_dim3A_526 : f32 to vector<16xf32>
      %broadcast_in_dim3A_528 = arith.constant 0.000000e+00 : f32
      %broadcast_in_dim3A_529 = vector.broadcast %broadcast_in_dim3A_528 : f32 to vector<16xf32>
      %broadcast_in_dim3A_530 = arith.constant 0.000000e+00 : f32
      %broadcast_in_dim3A_531 = vector.broadcast %broadcast_in_dim3A_530 : f32 to vector<16xf32>
      %broadcast_in_dim3A_532 = arith.constant 0.000000e+00 : f32
      %broadcast_in_dim3A_533 = vector.broadcast %broadcast_in_dim3A_532 : f32 to vector<16xf32>
      %broadcast_in_dim3A_534 = arith.constant 0.000000e+00 : f32
      %broadcast_in_dim3A_535 = vector.broadcast %broadcast_in_dim3A_534 : f32 to vector<16xf32>
      %broadcast_in_dim3A_536 = arith.constant 0.000000e+00 : f32
      %broadcast_in_dim3A_537 = vector.broadcast %broadcast_in_dim3A_536 : f32 to vector<16xf32>
      %broadcast_in_dim3A_538 = arith.constant 0.000000e+00 : f32
      %broadcast_in_dim3A_539 = vector.broadcast %broadcast_in_dim3A_538 : f32 to vector<16xf32>
      %broadcast_in_dim3A_540 = arith.constant 0.000000e+00 : f32
      %broadcast_in_dim3A_541 = vector.broadcast %broadcast_in_dim3A_540 : f32 to vector<16xf32>
      %broadcast_in_dim3A_542 = arith.constant 0.000000e+00 : f32
      %broadcast_in_dim3A_543 = vector.broadcast %broadcast_in_dim3A_542 : f32 to vector<16xf32>
      %broadcast_in_dim3A_544 = arith.constant 0.000000e+00 : f32
      %broadcast_in_dim3A_545 = vector.broadcast %broadcast_in_dim3A_544 : f32 to vector<16xf32>
      %scan3A_546 = arith.constant 0 : i32
      %scan3A_547 = arith.constant 32 : i32
      %scan3A_548 = arith.addi %scan3A_546, %scan3A_547 : i32
      %scan3A_549 = arith.constant 1 : i32
      %scan3A_550:32 = scf.for %scan3A_649 = %scan3A_546 to %scan3A_548 step %scan3A_549 iter_args(%scan3A_650 = %broadcast_in_dim3A_483, %scan3A_651 = %broadcast_in_dim3A_485, %scan3A_652 = %broadcast_in_dim3A_487, %scan3A_653 = %broadcast_in_dim3A_489, %scan3A_654 = %broadcast_in_dim3A_491, %scan3A_655 = %broadcast_in_dim3A_493, %scan3A_656 = %broadcast_in_dim3A_495, %scan3A_657 = %broadcast_in_dim3A_497, %scan3A_658 = %broadcast_in_dim3A_499, %scan3A_659 = %broadcast_in_dim3A_501, %scan3A_660 = %broadcast_in_dim3A_503, %scan3A_661 = %broadcast_in_dim3A_505, %scan3A_662 = %broadcast_in_dim3A_507, %scan3A_663 = %broadcast_in_dim3A_509, %scan3A_664 = %broadcast_in_dim3A_511, %scan3A_665 = %broadcast_in_dim3A_513, %scan3A_666 = %broadcast_in_dim3A_515, %scan3A_667 = %broadcast_in_dim3A_517, %scan3A_668 = %broadcast_in_dim3A_519, %scan3A_669 = %broadcast_in_dim3A_521, %scan3A_670 = %broadcast_in_dim3A_523, %scan3A_671 = %broadcast_in_dim3A_525, %scan3A_672 = %broadcast_in_dim3A_527, %scan3A_673 = %broadcast_in_dim3A_529, %scan3A_674 = %broadcast_in_dim3A_531, %scan3A_675 = %broadcast_in_dim3A_533, %scan3A_676 = %broadcast_in_dim3A_535, %scan3A_677 = %broadcast_in_dim3A_537, %scan3A_678 = %broadcast_in_dim3A_539, %scan3A_679 = %broadcast_in_dim3A_541, %scan3A_680 = %broadcast_in_dim3A_543, %scan3A_681 = %broadcast_in_dim3A_545) -> (vector<16xf32>, vector<16xf32>, vector<16xf32>, vector<16xf32>, vector<16xf32>, vector<16xf32>, vector<16xf32>, vector<16xf32>, vector<16xf32>, vector<16xf32>, vector<16xf32>, vector<16xf32>, vector<16xf32>, vector<16xf32>, vector<16xf32>, vector<16xf32>, vector<16xf32>, vector<16xf32>, vector<16xf32>, vector<16xf32>, vector<16xf32>, vector<16xf32>, vector<16xf32>, vector<16xf32>, vector<16xf32>, vector<16xf32>, vector<16xf32>, vector<16xf32>, vector<16xf32>, vector<16xf32>, vector<16xf32>, vector<16xf32>)  : i32 {
        %mul3A_682 = arith.constant 16 : i32
        %mul3A_683 = arith.muli %scan3A_649, %mul3A_682 : i32
        %get3A_684 = arith.index_cast %mul3A_683 : i32 to index
        %get3A_685 = tpu.vector_load %arg12[%get3A_684] {strides = array<i32>} : memref<512xf32, #tpu.memory_space<vmem>>, vector<16xf32>,
        %get3A_686 = arith.index_cast %scan3A_649 : i32 to index
        %get3A_687 = arith.constant 0 : index
        %get3A_688 = tpu.vector_load %arg10[%get3A_686, %get3A_687] {strides = array<i32>} : memref<32x512xf32, #tpu.memory_space<vmem>>, vector<16xf32>,
        %mul3A_689 = arith.mulf %get3A_685, %get3A_688 : vector<16xf32>
        %add3A_690 = arith.addf %scan3A_650, %mul3A_689 : vector<16xf32>
        %get3A_691 = arith.index_cast %scan3A_649 : i32 to index
        %get3A_692 = arith.constant 16 : index
        %get3A_693 = tpu.vector_load %arg10[%get3A_691, %get3A_692] {strides = array<i32>} : memref<32x512xf32, #tpu.memory_space<vmem>>, vector<16xf32>,
        %mul3A_694 = arith.mulf %get3A_685, %get3A_693 : vector<16xf32>
        %add3A_695 = arith.addf %scan3A_651, %mul3A_694 : vector<16xf32>
        %get3A_696 = arith.index_cast %scan3A_649 : i32 to index
        %get3A_697 = arith.constant 32 : index
        %get3A_698 = tpu.vector_load %arg10[%get3A_696, %get3A_697] {strides = array<i32>} : memref<32x512xf32, #tpu.memory_space<vmem>>, vector<16xf32>,
        %mul3A_699 = arith.mulf %get3A_685, %get3A_698 : vector<16xf32>
        %add3A_700 = arith.addf %scan3A_652, %mul3A_699 : vector<16xf32>
        %get3A_701 = arith.index_cast %scan3A_649 : i32 to index
        %get3A_702 = arith.constant 48 : index
        %get3A_703 = tpu.vector_load %arg10[%get3A_701, %get3A_702] {strides = array<i32>} : memref<32x512xf32, #tpu.memory_space<vmem>>, vector<16xf32>,
        %mul3A_704 = arith.mulf %get3A_685, %get3A_703 : vector<16xf32>
        %add3A_705 = arith.addf %scan3A_653, %mul3A_704 : vector<16xf32>
        %get3A_706 = arith.index_cast %scan3A_649 : i32 to index
        %get3A_707 = arith.constant 64 : index
        %get3A_708 = tpu.vector_load %arg10[%get3A_706, %get3A_707] {strides = array<i32>} : memref<32x512xf32, #tpu.memory_space<vmem>>, vector<16xf32>,
        %mul3A_709 = arith.mulf %get3A_685, %get3A_708 : vector<16xf32>
        %add3A_710 = arith.addf %scan3A_654, %mul3A_709 : vector<16xf32>
        %get3A_711 = arith.index_cast %scan3A_649 : i32 to index
        %get3A_712 = arith.constant 80 : index
        %get3A_713 = tpu.vector_load %arg10[%get3A_711, %get3A_712] {strides = array<i32>} : memref<32x512xf32, #tpu.memory_space<vmem>>, vector<16xf32>,
        %mul3A_714 = arith.mulf %get3A_685, %get3A_713 : vector<16xf32>
        %add3A_715 = arith.addf %scan3A_655, %mul3A_714 : vector<16xf32>
        %get3A_716 = arith.index_cast %scan3A_649 : i32 to index
        %get3A_717 = arith.constant 96 : index
        %get3A_718 = tpu.vector_load %arg10[%get3A_716, %get3A_717] {strides = array<i32>} : memref<32x512xf32, #tpu.memory_space<vmem>>, vector<16xf32>,
        %mul3A_719 = arith.mulf %get3A_685, %get3A_718 : vector<16xf32>
        %add3A_720 = arith.addf %scan3A_656, %mul3A_719 : vector<16xf32>
        %get3A_721 = arith.index_cast %scan3A_649 : i32 to index
        %get3A_722 = arith.constant 112 : index
        %get3A_723 = tpu.vector_load %arg10[%get3A_721, %get3A_722] {strides = array<i32>} : memref<32x512xf32, #tpu.memory_space<vmem>>, vector<16xf32>,
        %mul3A_724 = arith.mulf %get3A_685, %get3A_723 : vector<16xf32>
        %add3A_725 = arith.addf %scan3A_657, %mul3A_724 : vector<16xf32>
        %get3A_726 = arith.index_cast %scan3A_649 : i32 to index
        %get3A_727 = arith.constant 128 : index
        %get3A_728 = tpu.vector_load %arg10[%get3A_726, %get3A_727] {strides = array<i32>} : memref<32x512xf32, #tpu.memory_space<vmem>>, vector<16xf32>,
        %mul3A_729 = arith.mulf %get3A_685, %get3A_728 : vector<16xf32>
        %add3A_730 = arith.addf %scan3A_658, %mul3A_729 : vector<16xf32>
        %get3A_731 = arith.index_cast %scan3A_649 : i32 to index
        %get3A_732 = arith.constant 144 : index
        %get3A_733 = tpu.vector_load %arg10[%get3A_731, %get3A_732] {strides = array<i32>} : memref<32x512xf32, #tpu.memory_space<vmem>>, vector<16xf32>,
        %mul3A_734 = arith.mulf %get3A_685, %get3A_733 : vector<16xf32>
        %add3A_735 = arith.addf %scan3A_659, %mul3A_734 : vector<16xf32>
        %get3A_736 = arith.index_cast %scan3A_649 : i32 to index
        %get3A_737 = arith.constant 160 : index
        %get3A_738 = tpu.vector_load %arg10[%get3A_736, %get3A_737] {strides = array<i32>} : memref<32x512xf32, #tpu.memory_space<vmem>>, vector<16xf32>,
        %mul3A_739 = arith.mulf %get3A_685, %get3A_738 : vector<16xf32>
        %add3A_740 = arith.addf %scan3A_660, %mul3A_739 : vector<16xf32>
        %get3A_741 = arith.index_cast %scan3A_649 : i32 to index
        %get3A_742 = arith.constant 176 : index
        %get3A_743 = tpu.vector_load %arg10[%get3A_741, %get3A_742] {strides = array<i32>} : memref<32x512xf32, #tpu.memory_space<vmem>>, vector<16xf32>,
        %mul3A_744 = arith.mulf %get3A_685, %get3A_743 : vector<16xf32>
        %add3A_745 = arith.addf %scan3A_661, %mul3A_744 : vector<16xf32>
        %get3A_746 = arith.index_cast %scan3A_649 : i32 to index
        %get3A_747 = arith.constant 192 : index
        %get3A_748 = tpu.vector_load %arg10[%get3A_746, %get3A_747] {strides = array<i32>} : memref<32x512xf32, #tpu.memory_space<vmem>>, vector<16xf32>,
        %mul3A_749 = arith.mulf %get3A_685, %get3A_748 : vector<16xf32>
        %add3A_750 = arith.addf %scan3A_662, %mul3A_749 : vector<16xf32>
        %get3A_751 = arith.index_cast %scan3A_649 : i32 to index
        %get3A_752 = arith.constant 208 : index
        %get3A_753 = tpu.vector_load %arg10[%get3A_751, %get3A_752] {strides = array<i32>} : memref<32x512xf32, #tpu.memory_space<vmem>>, vector<16xf32>,
        %mul3A_754 = arith.mulf %get3A_685, %get3A_753 : vector<16xf32>
        %add3A_755 = arith.addf %scan3A_663, %mul3A_754 : vector<16xf32>
        %get3A_756 = arith.index_cast %scan3A_649 : i32 to index
        %get3A_757 = arith.constant 224 : index
        %get3A_758 = tpu.vector_load %arg10[%get3A_756, %get3A_757] {strides = array<i32>} : memref<32x512xf32, #tpu.memory_space<vmem>>, vector<16xf32>,
        %mul3A_759 = arith.mulf %get3A_685, %get3A_758 : vector<16xf32>
        %add3A_760 = arith.addf %scan3A_664, %mul3A_759 : vector<16xf32>
        %get3A_761 = arith.index_cast %scan3A_649 : i32 to index
        %get3A_762 = arith.constant 240 : index
        %get3A_763 = tpu.vector_load %arg10[%get3A_761, %get3A_762] {strides = array<i32>} : memref<32x512xf32, #tpu.memory_space<vmem>>, vector<16xf32>,
        %mul3A_764 = arith.mulf %get3A_685, %get3A_763 : vector<16xf32>
        %add3A_765 = arith.addf %scan3A_665, %mul3A_764 : vector<16xf32>
        %get3A_766 = arith.index_cast %scan3A_649 : i32 to index
        %get3A_767 = arith.constant 256 : index
        %get3A_768 = tpu.vector_load %arg10[%get3A_766, %get3A_767] {strides = array<i32>} : memref<32x512xf32, #tpu.memory_space<vmem>>, vector<16xf32>,
        %mul3A_769 = arith.mulf %get3A_685, %get3A_768 : vector<16xf32>
        %add3A_770 = arith.addf %scan3A_666, %mul3A_769 : vector<16xf32>
        %get3A_771 = arith.index_cast %scan3A_649 : i32 to index
        %get3A_772 = arith.constant 272 : index
        %get3A_773 = tpu.vector_load %arg10[%get3A_771, %get3A_772] {strides = array<i32>} : memref<32x512xf32, #tpu.memory_space<vmem>>, vector<16xf32>,
        %mul3A_774 = arith.mulf %get3A_685, %get3A_773 : vector<16xf32>
        %add3A_775 = arith.addf %scan3A_667, %mul3A_774 : vector<16xf32>
        %get3A_776 = arith.index_cast %scan3A_649 : i32 to index
        %get3A_777 = arith.constant 288 : index
        %get3A_778 = tpu.vector_load %arg10[%get3A_776, %get3A_777] {strides = array<i32>} : memref<32x512xf32, #tpu.memory_space<vmem>>, vector<16xf32>,
        %mul3A_779 = arith.mulf %get3A_685, %get3A_778 : vector<16xf32>
        %add3A_780 = arith.addf %scan3A_668, %mul3A_779 : vector<16xf32>
        %get3A_781 = arith.index_cast %scan3A_649 : i32 to index
        %get3A_782 = arith.constant 304 : index
        %get3A_783 = tpu.vector_load %arg10[%get3A_781, %get3A_782] {strides = array<i32>} : memref<32x512xf32, #tpu.memory_space<vmem>>, vector<16xf32>,
        %mul3A_784 = arith.mulf %get3A_685, %get3A_783 : vector<16xf32>
        %add3A_785 = arith.addf %scan3A_669, %mul3A_784 : vector<16xf32>
        %get3A_786 = arith.index_cast %scan3A_649 : i32 to index
        %get3A_787 = arith.constant 320 : index
        %get3A_788 = tpu.vector_load %arg10[%get3A_786, %get3A_787] {strides = array<i32>} : memref<32x512xf32, #tpu.memory_space<vmem>>, vector<16xf32>,
        %mul3A_789 = arith.mulf %get3A_685, %get3A_788 : vector<16xf32>
        %add3A_790 = arith.addf %scan3A_670, %mul3A_789 : vector<16xf32>
        %get3A_791 = arith.index_cast %scan3A_649 : i32 to index
        %get3A_792 = arith.constant 336 : index
        %get3A_793 = tpu.vector_load %arg10[%get3A_791, %get3A_792] {strides = array<i32>} : memref<32x512xf32, #tpu.memory_space<vmem>>, vector<16xf32>,
        %mul3A_794 = arith.mulf %get3A_685, %get3A_793 : vector<16xf32>
        %add3A_795 = arith.addf %scan3A_671, %mul3A_794 : vector<16xf32>
        %get3A_796 = arith.index_cast %scan3A_649 : i32 to index
        %get3A_797 = arith.constant 352 : index
        %get3A_798 = tpu.vector_load %arg10[%get3A_796, %get3A_797] {strides = array<i32>} : memref<32x512xf32, #tpu.memory_space<vmem>>, vector<16xf32>,
        %mul3A_799 = arith.mulf %get3A_685, %get3A_798 : vector<16xf32>
        %add3A_800 = arith.addf %scan3A_672, %mul3A_799 : vector<16xf32>
        %get3A_801 = arith.index_cast %scan3A_649 : i32 to index
        %get3A_802 = arith.constant 368 : index
        %get3A_803 = tpu.vector_load %arg10[%get3A_801, %get3A_802] {strides = array<i32>} : memref<32x512xf32, #tpu.memory_space<vmem>>, vector<16xf32>,
        %mul3A_804 = arith.mulf %get3A_685, %get3A_803 : vector<16xf32>
        %add3A_805 = arith.addf %scan3A_673, %mul3A_804 : vector<16xf32>
        %get3A_806 = arith.index_cast %scan3A_649 : i32 to index
        %get3A_807 = arith.constant 384 : index
        %get3A_808 = tpu.vector_load %arg10[%get3A_806, %get3A_807] {strides = array<i32>} : memref<32x512xf32, #tpu.memory_space<vmem>>, vector<16xf32>,
        %mul3A_809 = arith.mulf %get3A_685, %get3A_808 : vector<16xf32>
        %add3A_810 = arith.addf %scan3A_674, %mul3A_809 : vector<16xf32>
        %get3A_811 = arith.index_cast %scan3A_649 : i32 to index
        %get3A_812 = arith.constant 400 : index
        %get3A_813 = tpu.vector_load %arg10[%get3A_811, %get3A_812] {strides = array<i32>} : memref<32x512xf32, #tpu.memory_space<vmem>>, vector<16xf32>,
        %mul3A_814 = arith.mulf %get3A_685, %get3A_813 : vector<16xf32>
        %add3A_815 = arith.addf %scan3A_675, %mul3A_814 : vector<16xf32>
        %get3A_816 = arith.index_cast %scan3A_649 : i32 to index
        %get3A_817 = arith.constant 416 : index
        %get3A_818 = tpu.vector_load %arg10[%get3A_816, %get3A_817] {strides = array<i32>} : memref<32x512xf32, #tpu.memory_space<vmem>>, vector<16xf32>,
        %mul3A_819 = arith.mulf %get3A_685, %get3A_818 : vector<16xf32>
        %add3A_820 = arith.addf %scan3A_676, %mul3A_819 : vector<16xf32>
        %get3A_821 = arith.index_cast %scan3A_649 : i32 to index
        %get3A_822 = arith.constant 432 : index
        %get3A_823 = tpu.vector_load %arg10[%get3A_821, %get3A_822] {strides = array<i32>} : memref<32x512xf32, #tpu.memory_space<vmem>>, vector<16xf32>,
        %mul3A_824 = arith.mulf %get3A_685, %get3A_823 : vector<16xf32>
        %add3A_825 = arith.addf %scan3A_677, %mul3A_824 : vector<16xf32>
        %get3A_826 = arith.index_cast %scan3A_649 : i32 to index
        %get3A_827 = arith.constant 448 : index
        %get3A_828 = tpu.vector_load %arg10[%get3A_826, %get3A_827] {strides = array<i32>} : memref<32x512xf32, #tpu.memory_space<vmem>>, vector<16xf32>,
        %mul3A_829 = arith.mulf %get3A_685, %get3A_828 : vector<16xf32>
        %add3A_830 = arith.addf %scan3A_678, %mul3A_829 : vector<16xf32>
        %get3A_831 = arith.index_cast %scan3A_649 : i32 to index
        %get3A_832 = arith.constant 464 : index
        %get3A_833 = tpu.vector_load %arg10[%get3A_831, %get3A_832] {strides = array<i32>} : memref<32x512xf32, #tpu.memory_space<vmem>>, vector<16xf32>,
        %mul3A_834 = arith.mulf %get3A_685, %get3A_833 : vector<16xf32>
        %add3A_835 = arith.addf %scan3A_679, %mul3A_834 : vector<16xf32>
        %get3A_836 = arith.index_cast %scan3A_649 : i32 to index
        %get3A_837 = arith.constant 480 : index
        %get3A_838 = tpu.vector_load %arg10[%get3A_836, %get3A_837] {strides = array<i32>} : memref<32x512xf32, #tpu.memory_space<vmem>>, vector<16xf32>,
        %mul3A_839 = arith.mulf %get3A_685, %get3A_838 : vector<16xf32>
        %add3A_840 = arith.addf %scan3A_680, %mul3A_839 : vector<16xf32>
        %get3A_841 = arith.index_cast %scan3A_649 : i32 to index
        %get3A_842 = arith.constant 496 : index
        %get3A_843 = tpu.vector_load %arg10[%get3A_841, %get3A_842] {strides = array<i32>} : memref<32x512xf32, #tpu.memory_space<vmem>>, vector<16xf32>,
        %mul3A_844 = arith.mulf %get3A_685, %get3A_843 : vector<16xf32>
        %add3A_845 = arith.addf %scan3A_681, %mul3A_844 : vector<16xf32>
        scf.yield %add3A_690, %add3A_695, %add3A_700, %add3A_705, %add3A_710, %add3A_715, %add3A_720, %add3A_725, %add3A_730, %add3A_735, %add3A_740, %add3A_745, %add3A_750, %add3A_755, %add3A_760, %add3A_765, %add3A_770, %add3A_775, %add3A_780, %add3A_785, %add3A_790, %add3A_795, %add3A_800, %add3A_805, %add3A_810, %add3A_815, %add3A_820, %add3A_825, %add3A_830, %add3A_835, %add3A_840, %add3A_845 : vector<16xf32>, vector<16xf32>, vector<16xf32>, vector<16xf32>, vector<16xf32>, vector<16xf32>, vector<16xf32>, vector<16xf32>, vector<16xf32>, vector<16xf32>, vector<16xf32>, vector<16xf32>, vector<16xf32>, vector<16xf32>, vector<16xf32>, vector<16xf32>, vector<16xf32>, vector<16xf32>, vector<16xf32>, vector<16xf32>, vector<16xf32>, vector<16xf32>, vector<16xf32>, vector<16xf32>, vector<16xf32>, vector<16xf32>, vector<16xf32>, vector<16xf32>, vector<16xf32>, vector<16xf32>, vector<16xf32>, vector<16xf32>
      }
      %scan3A_551 = arith.constant 32 : i32
      %mul3A_552 = arith.mulf %scan3A_550#0, %div3A_477 : vector<16xf32>
      %swap3A_553 = arith.constant 0 : index
      %swap3A_554 = tpu.vector_load %arg13[%swap3A_553] {strides = array<i32>} : memref<512xf32, #tpu.memory_space<vmem>>, vector<16xf32>,
      tpu.vector_store %arg13[%swap3A_553], %mul3A_552 {strides = array<i32>} : memref<512xf32, #tpu.memory_space<vmem>>, vector<16xf32>,
      %mul3A_555 = arith.mulf %scan3A_550#1, %div3A_477 : vector<16xf32>
      %swap3A_556 = arith.constant 16 : index
      %swap3A_557 = tpu.vector_load %arg13[%swap3A_556] {strides = array<i32>} : memref<512xf32, #tpu.memory_space<vmem>>, vector<16xf32>,
      tpu.vector_store %arg13[%swap3A_556], %mul3A_555 {strides = array<i32>} : memref<512xf32, #tpu.memory_space<vmem>>, vector<16xf32>,
      %mul3A_558 = arith.mulf %scan3A_550#2, %div3A_477 : vector<16xf32>
      %swap3A_559 = arith.constant 32 : index
      %swap3A_560 = tpu.vector_load %arg13[%swap3A_559] {strides = array<i32>} : memref<512xf32, #tpu.memory_space<vmem>>, vector<16xf32>,
      tpu.vector_store %arg13[%swap3A_559], %mul3A_558 {strides = array<i32>} : memref<512xf32, #tpu.memory_space<vmem>>, vector<16xf32>,
      %mul3A_561 = arith.mulf %scan3A_550#3, %div3A_477 : vector<16xf32>
      %swap3A_562 = arith.constant 48 : index
      %swap3A_563 = tpu.vector_load %arg13[%swap3A_562] {strides = array<i32>} : memref<512xf32, #tpu.memory_space<vmem>>, vector<16xf32>,
      tpu.vector_store %arg13[%swap3A_562], %mul3A_561 {strides = array<i32>} : memref<512xf32, #tpu.memory_space<vmem>>, vector<16xf32>,
      %mul3A_564 = arith.mulf %scan3A_550#4, %div3A_477 : vector<16xf32>
      %swap3A_565 = arith.constant 64 : index
      %swap3A_566 = tpu.vector_load %arg13[%swap3A_565] {strides = array<i32>} : memref<512xf32, #tpu.memory_space<vmem>>, vector<16xf32>,
      tpu.vector_store %arg13[%swap3A_565], %mul3A_564 {strides = array<i32>} : memref<512xf32, #tpu.memory_space<vmem>>, vector<16xf32>,
      %mul3A_567 = arith.mulf %scan3A_550#5, %div3A_477 : vector<16xf32>
      %swap3A_568 = arith.constant 80 : index
      %swap3A_569 = tpu.vector_load %arg13[%swap3A_568] {strides = array<i32>} : memref<512xf32, #tpu.memory_space<vmem>>, vector<16xf32>,
      tpu.vector_store %arg13[%swap3A_568], %mul3A_567 {strides = array<i32>} : memref<512xf32, #tpu.memory_space<vmem>>, vector<16xf32>,
      %mul3A_570 = arith.mulf %scan3A_550#6, %div3A_477 : vector<16xf32>
      %swap3A_571 = arith.constant 96 : index
      %swap3A_572 = tpu.vector_load %arg13[%swap3A_571] {strides = array<i32>} : memref<512xf32, #tpu.memory_space<vmem>>, vector<16xf32>,
      tpu.vector_store %arg13[%swap3A_571], %mul3A_570 {strides = array<i32>} : memref<512xf32, #tpu.memory_space<vmem>>, vector<16xf32>,
      %mul3A_573 = arith.mulf %scan3A_550#7, %div3A_477 : vector<16xf32>
      %swap3A_574 = arith.constant 112 : index
      %swap3A_575 = tpu.vector_load %arg13[%swap3A_574] {strides = array<i32>} : memref<512xf32, #tpu.memory_space<vmem>>, vector<16xf32>,
      tpu.vector_store %arg13[%swap3A_574], %mul3A_573 {strides = array<i32>} : memref<512xf32, #tpu.memory_space<vmem>>, vector<16xf32>,
      %mul3A_576 = arith.mulf %scan3A_550#8, %div3A_477 : vector<16xf32>
      %swap3A_577 = arith.constant 128 : index
      %swap3A_578 = tpu.vector_load %arg13[%swap3A_577] {strides = array<i32>} : memref<512xf32, #tpu.memory_space<vmem>>, vector<16xf32>,
      tpu.vector_store %arg13[%swap3A_577], %mul3A_576 {strides = array<i32>} : memref<512xf32, #tpu.memory_space<vmem>>, vector<16xf32>,
      %mul3A_579 = arith.mulf %scan3A_550#9, %div3A_477 : vector<16xf32>
      %swap3A_580 = arith.constant 144 : index
      %swap3A_581 = tpu.vector_load %arg13[%swap3A_580] {strides = array<i32>} : memref<512xf32, #tpu.memory_space<vmem>>, vector<16xf32>,
      tpu.vector_store %arg13[%swap3A_580], %mul3A_579 {strides = array<i32>} : memref<512xf32, #tpu.memory_space<vmem>>, vector<16xf32>,
      %mul3A_582 = arith.mulf %scan3A_550#10, %div3A_477 : vector<16xf32>
      %swap3A_583 = arith.constant 160 : index
      %swap3A_584 = tpu.vector_load %arg13[%swap3A_583] {strides = array<i32>} : memref<512xf32, #tpu.memory_space<vmem>>, vector<16xf32>,
      tpu.vector_store %arg13[%swap3A_583], %mul3A_582 {strides = array<i32>} : memref<512xf32, #tpu.memory_space<vmem>>, vector<16xf32>,
      %mul3A_585 = arith.mulf %scan3A_550#11, %div3A_477 : vector<16xf32>
      %swap3A_586 = arith.constant 176 : index
      %swap3A_587 = tpu.vector_load %arg13[%swap3A_586] {strides = array<i32>} : memref<512xf32, #tpu.memory_space<vmem>>, vector<16xf32>,
      tpu.vector_store %arg13[%swap3A_586], %mul3A_585 {strides = array<i32>} : memref<512xf32, #tpu.memory_space<vmem>>, vector<16xf32>,
      %mul3A_588 = arith.mulf %scan3A_550#12, %div3A_477 : vector<16xf32>
      %swap3A_589 = arith.constant 192 : index
      %swap3A_590 = tpu.vector_load %arg13[%swap3A_589] {strides = array<i32>} : memref<512xf32, #tpu.memory_space<vmem>>, vector<16xf32>,
      tpu.vector_store %arg13[%swap3A_589], %mul3A_588 {strides = array<i32>} : memref<512xf32, #tpu.memory_space<vmem>>, vector<16xf32>,
      %mul3A_591 = arith.mulf %scan3A_550#13, %div3A_477 : vector<16xf32>
      %swap3A_592 = arith.constant 208 : index
      %swap3A_593 = tpu.vector_load %arg13[%swap3A_592] {strides = array<i32>} : memref<512xf32, #tpu.memory_space<vmem>>, vector<16xf32>,
      tpu.vector_store %arg13[%swap3A_592], %mul3A_591 {strides = array<i32>} : memref<512xf32, #tpu.memory_space<vmem>>, vector<16xf32>,
      %mul3A_594 = arith.mulf %scan3A_550#14, %div3A_477 : vector<16xf32>
      %swap3A_595 = arith.constant 224 : index
      %swap3A_596 = tpu.vector_load %arg13[%swap3A_595] {strides = array<i32>} : memref<512xf32, #tpu.memory_space<vmem>>, vector<16xf32>,
      tpu.vector_store %arg13[%swap3A_595], %mul3A_594 {strides = array<i32>} : memref<512xf32, #tpu.memory_space<vmem>>, vector<16xf32>,
      %mul3A_597 = arith.mulf %scan3A_550#15, %div3A_477 : vector<16xf32>
      %swap3A_598 = arith.constant 240 : index
      %swap3A_599 = tpu.vector_load %arg13[%swap3A_598] {strides = array<i32>} : memref<512xf32, #tpu.memory_space<vmem>>, vector<16xf32>,
      tpu.vector_store %arg13[%swap3A_598], %mul3A_597 {strides = array<i32>} : memref<512xf32, #tpu.memory_space<vmem>>, vector<16xf32>,
      %mul3A_600 = arith.mulf %scan3A_550#16, %div3A_477 : vector<16xf32>
      %swap3A_601 = arith.constant 256 : index
      %swap3A_602 = tpu.vector_load %arg13[%swap3A_601] {strides = array<i32>} : memref<512xf32, #tpu.memory_space<vmem>>, vector<16xf32>,
      tpu.vector_store %arg13[%swap3A_601], %mul3A_600 {strides = array<i32>} : memref<512xf32, #tpu.memory_space<vmem>>, vector<16xf32>,
      %mul3A_603 = arith.mulf %scan3A_550#17, %div3A_477 : vector<16xf32>
      %swap3A_604 = arith.constant 272 : index
      %swap3A_605 = tpu.vector_load %arg13[%swap3A_604] {strides = array<i32>} : memref<512xf32, #tpu.memory_space<vmem>>, vector<16xf32>,
      tpu.vector_store %arg13[%swap3A_604], %mul3A_603 {strides = array<i32>} : memref<512xf32, #tpu.memory_space<vmem>>, vector<16xf32>,
      %mul3A_606 = arith.mulf %scan3A_550#18, %div3A_477 : vector<16xf32>
      %swap3A_607 = arith.constant 288 : index
      %swap3A_608 = tpu.vector_load %arg13[%swap3A_607] {strides = array<i32>} : memref<512xf32, #tpu.memory_space<vmem>>, vector<16xf32>,
      tpu.vector_store %arg13[%swap3A_607], %mul3A_606 {strides = array<i32>} : memref<512xf32, #tpu.memory_space<vmem>>, vector<16xf32>,
      %mul3A_609 = arith.mulf %scan3A_550#19, %div3A_477 : vector<16xf32>
      %swap3A_610 = arith.constant 304 : index
      %swap3A_611 = tpu.vector_load %arg13[%swap3A_610] {strides = array<i32>} : memref<512xf32, #tpu.memory_space<vmem>>, vector<16xf32>,
      tpu.vector_store %arg13[%swap3A_610], %mul3A_609 {strides = array<i32>} : memref<512xf32, #tpu.memory_space<vmem>>, vector<16xf32>,
      %mul3A_612 = arith.mulf %scan3A_550#20, %div3A_477 : vector<16xf32>
      %swap3A_613 = arith.constant 320 : index
      %swap3A_614 = tpu.vector_load %arg13[%swap3A_613] {strides = array<i32>} : memref<512xf32, #tpu.memory_space<vmem>>, vector<16xf32>,
      tpu.vector_store %arg13[%swap3A_613], %mul3A_612 {strides = array<i32>} : memref<512xf32, #tpu.memory_space<vmem>>, vector<16xf32>,
      %mul3A_615 = arith.mulf %scan3A_550#21, %div3A_477 : vector<16xf32>
      %swap3A_616 = arith.constant 336 : index
      %swap3A_617 = tpu.vector_load %arg13[%swap3A_616] {strides = array<i32>} : memref<512xf32, #tpu.memory_space<vmem>>, vector<16xf32>,
      tpu.vector_store %arg13[%swap3A_616], %mul3A_615 {strides = array<i32>} : memref<512xf32, #tpu.memory_space<vmem>>, vector<16xf32>,
      %mul3A_618 = arith.mulf %scan3A_550#22, %div3A_477 : vector<16xf32>
      %swap3A_619 = arith.constant 352 : index
      %swap3A_620 = tpu.vector_load %arg13[%swap3A_619] {strides = array<i32>} : memref<512xf32, #tpu.memory_space<vmem>>, vector<16xf32>,
      tpu.vector_store %arg13[%swap3A_619], %mul3A_618 {strides = array<i32>} : memref<512xf32, #tpu.memory_space<vmem>>, vector<16xf32>,
      %mul3A_621 = arith.mulf %scan3A_550#23, %div3A_477 : vector<16xf32>
      %swap3A_622 = arith.constant 368 : index
      %swap3A_623 = tpu.vector_load %arg13[%swap3A_622] {strides = array<i32>} : memref<512xf32, #tpu.memory_space<vmem>>, vector<16xf32>,
      tpu.vector_store %arg13[%swap3A_622], %mul3A_621 {strides = array<i32>} : memref<512xf32, #tpu.memory_space<vmem>>, vector<16xf32>,
      %mul3A_624 = arith.mulf %scan3A_550#24, %div3A_477 : vector<16xf32>
      %swap3A_625 = arith.constant 384 : index
      %swap3A_626 = tpu.vector_load %arg13[%swap3A_625] {strides = array<i32>} : memref<512xf32, #tpu.memory_space<vmem>>, vector<16xf32>,
      tpu.vector_store %arg13[%swap3A_625], %mul3A_624 {strides = array<i32>} : memref<512xf32, #tpu.memory_space<vmem>>, vector<16xf32>,
      %mul3A_627 = arith.mulf %scan3A_550#25, %div3A_477 : vector<16xf32>
      %swap3A_628 = arith.constant 400 : index
      %swap3A_629 = tpu.vector_load %arg13[%swap3A_628] {strides = array<i32>} : memref<512xf32, #tpu.memory_space<vmem>>, vector<16xf32>,
      tpu.vector_store %arg13[%swap3A_628], %mul3A_627 {strides = array<i32>} : memref<512xf32, #tpu.memory_space<vmem>>, vector<16xf32>,
      %mul3A_630 = arith.mulf %scan3A_550#26, %div3A_477 : vector<16xf32>
      %swap3A_631 = arith.constant 416 : index
      %swap3A_632 = tpu.vector_load %arg13[%swap3A_631] {strides = array<i32>} : memref<512xf32, #tpu.memory_space<vmem>>, vector<16xf32>,
      tpu.vector_store %arg13[%swap3A_631], %mul3A_630 {strides = array<i32>} : memref<512xf32, #tpu.memory_space<vmem>>, vector<16xf32>,
      %mul3A_633 = arith.mulf %scan3A_550#27, %div3A_477 : vector<16xf32>
      %swap3A_634 = arith.constant 432 : index
      %swap3A_635 = tpu.vector_load %arg13[%swap3A_634] {strides = array<i32>} : memref<512xf32, #tpu.memory_space<vmem>>, vector<16xf32>,
      tpu.vector_store %arg13[%swap3A_634], %mul3A_633 {strides = array<i32>} : memref<512xf32, #tpu.memory_space<vmem>>, vector<16xf32>,
      %mul3A_636 = arith.mulf %scan3A_550#28, %div3A_477 : vector<16xf32>
      %swap3A_637 = arith.constant 448 : index
      %swap3A_638 = tpu.vector_load %arg13[%swap3A_637] {strides = array<i32>} : memref<512xf32, #tpu.memory_space<vmem>>, vector<16xf32>,
      tpu.vector_store %arg13[%swap3A_637], %mul3A_636 {strides = array<i32>} : memref<512xf32, #tpu.memory_space<vmem>>, vector<16xf32>,
      %mul3A_639 = arith.mulf %scan3A_550#29, %div3A_477 : vector<16xf32>
      %swap3A_640 = arith.constant 464 : index
      %swap3A_641 = tpu.vector_load %arg13[%swap3A_640] {strides = array<i32>} : memref<512xf32, #tpu.memory_space<vmem>>, vector<16xf32>,
      tpu.vector_store %arg13[%swap3A_640], %mul3A_639 {strides = array<i32>} : memref<512xf32, #tpu.memory_space<vmem>>, vector<16xf32>,
      %mul3A_642 = arith.mulf %scan3A_550#30, %div3A_477 : vector<16xf32>
      %swap3A_643 = arith.constant 480 : index
      %swap3A_644 = tpu.vector_load %arg13[%swap3A_643] {strides = array<i32>} : memref<512xf32, #tpu.memory_space<vmem>>, vector<16xf32>,
      tpu.vector_store %arg13[%swap3A_643], %mul3A_642 {strides = array<i32>} : memref<512xf32, #tpu.memory_space<vmem>>, vector<16xf32>,
      %mul3A_645 = arith.mulf %scan3A_550#31, %div3A_477 : vector<16xf32>
      %swap3A_646 = arith.constant 496 : index
      %swap3A_647 = tpu.vector_load %arg13[%swap3A_646] {strides = array<i32>} : memref<512xf32, #tpu.memory_space<vmem>>, vector<16xf32>,
      tpu.vector_store %arg13[%swap3A_646], %mul3A_645 {strides = array<i32>} : memref<512xf32, #tpu.memory_space<vmem>>, vector<16xf32>,
      "tpu.region"() ({
        %run_scoped3A = tpu.sem_alloc : memref<!tpu.dma_semaphore, #tpu.memory_space<semaphore_mem>>
        %dma_start3A_649 = arith.constant 0 : i32
        %dma_start3A_650 = tpu.memref_slice %arg7[%add3A_23, %dma_start3A_649] : memref<8192x512xf32, #tpu.memory_space<hbm>> -> memref<1x512xf32, #tpu.memory_space<hbm>>
        %dma_start3A_651 = tpu.memref_squeeze %dma_start3A_650 : memref<1x512xf32, #tpu.memory_space<hbm>> -> memref<512xf32, #tpu.memory_space<hbm>>
        %dma_start3A_652 = arith.constant 0 : i32
        %dma_start3A_653 = tpu.memref_slice %arg7[%add3A_23, %dma_start3A_652] : memref<8192x512xf32, #tpu.memory_space<hbm>> -> memref<1x512xf32, #tpu.memory_space<hbm>>
        %dma_start3A_654 = tpu.memref_squeeze %dma_start3A_653 : memref<1x512xf32, #tpu.memory_space<hbm>> -> memref<512xf32, #tpu.memory_space<hbm>>
        tpu.enqueue_dma source(%arg13 : memref<512xf32, #tpu.memory_space<vmem>>) target(%dma_start3A_654 : memref<512xf32, #tpu.memory_space<hbm>>) target_semaphore(%run_scoped3A : memref<!tpu.dma_semaphore, #tpu.memory_space<semaphore_mem>>)
        %dma_wait3A_655 = arith.constant 0 : i32
        %dma_wait3A_656 = tpu.memref_slice %arg7[%add3A_23, %dma_wait3A_655] : memref<8192x512xf32, #tpu.memory_space<hbm>> -> memref<1x512xf32, #tpu.memory_space<hbm>>
        %dma_wait3A_657 = tpu.memref_squeeze %dma_wait3A_656 : memref<1x512xf32, #tpu.memory_space<hbm>> -> memref<512xf32, #tpu.memory_space<hbm>>
        %dma_wait3A_658 = arith.constant 0 : i32
        %dma_wait3A_659 = tpu.memref_slice %arg7[%add3A_23, %dma_wait3A_658] : memref<8192x512xf32, #tpu.memory_space<hbm>> -> memref<1x512xf32, #tpu.memory_space<hbm>>
        %dma_wait3A_660 = tpu.memref_squeeze %dma_wait3A_659 : memref<1x512xf32, #tpu.memory_space<hbm>> -> memref<512xf32, #tpu.memory_space<hbm>>
        tpu.wait_dma2 semaphore(%run_scoped3A : memref<!tpu.dma_semaphore, #tpu.memory_space<semaphore_mem>>) src(%arg13 : memref<512xf32, #tpu.memory_space<vmem>>) dst(%dma_wait3A_660 : memref<512xf32, #tpu.memory_space<hbm>>)
        tpu.yield
      }) : () -> ()
      %scan3A_648 = arith.constant 0 : i32
      scf.yield %scan3A_648 : i32
    }
    %scan3A_10 = arith.constant 256 : i32
    return
  }
}

#map = affine_map<(d0, d1) -> (0)>
module attributes {stable_mosaic.version = 14 : i64} {
  func.func @k(%arg0: i32, %arg1: i32, %arg2: memref<8192xf32, #tpu.memory_space<hbm>>, %arg3: memref<8192xf32, #tpu.memory_space<hbm>>, %arg4: memref<8192xf32, #tpu.memory_space<hbm>>, %arg5: memref<8192xf32, #tpu.memory_space<hbm>>, %arg6: memref<8192xf32, #tpu.memory_space<hbm>>, %arg7: memref<8192xf32, #tpu.memory_space<hbm>>, %arg8: memref<262144xi32, #tpu.memory_space<hbm>>, %arg9: memref<4194304xf32, #tpu.memory_space<hbm>>, %arg10: memref<8192xf32, #tpu.memory_space<vmem>>, %arg11: memref<8192xf32, #tpu.memory_space<vmem>>, %arg12: memref<8192xf32, #tpu.memory_space<vmem>>, %arg13: memref<8192xf32, #tpu.memory_space<vmem>>, %arg14: memref<8192xf32, #tpu.memory_space<vmem>>, %arg15: memref<8192xf32, #tpu.memory_space<vmem>>, %arg16: memref<8192xf32, #tpu.memory_space<vmem>>, %arg17: memref<4096xf32, #tpu.memory_space<vmem>>, %arg18: memref<4112xf32, #tpu.memory_space<vmem>>, %arg19: memref<4112xi32, #tpu.memory_space<vmem>>, %arg20: memref<2048xi32, #tpu.memory_space<vmem>>, %arg21: memref<32768xf32, #tpu.memory_space<vmem>>) attributes {dimension_semantics = [#tpu.dimension_semantics<core_parallel>, #tpu.dimension_semantics<subcore_parallel>], iteration_bounds = array<i64: 2, 16>, scalar_prefetch = 0 : i64, scratch_operands = 12 : i64, tpu.core_type = #tpu.core_type<sc_vector_subcore>, window_params = [{transform_indices = #map}, {transform_indices = #map}, {transform_indices = #map}, {transform_indices = #map}, {transform_indices = #map}, {transform_indices = #map}, {transform_indices = #map}, {transform_indices = #map}]} {
    %mul3A = arith.constant 2 : i32
    %mul3A_0 = arith.muli %arg1, %mul3A : i32
    %add3A = arith.addi %mul3A_0, %arg0 : i32
    %mul3A_1 = arith.constant 256 : i32
    %mul3A_2 = arith.muli %add3A, %mul3A_1 : i32
    %multiple_of3A = tpu.assume_multiple %mul3A_2, 8 : i32
    %jit3A = arith.constant 16 : i32
    %div3A = arith.divsi %add3A, %jit3A : i32
    %sign3A = arith.constant 0 : i32
    %sign3A_3 = arith.cmpi sgt, %add3A, %sign3A : i32
    %sign3A_4 = arith.extui %sign3A_3 : i1 to i32
    %sign3A_5 = arith.constant 0 : i32
    %sign3A_6 = arith.cmpi slt, %add3A, %sign3A_5 : i32
    %sign3A_7 = arith.extui %sign3A_6 : i1 to i32
    %sign3A_8 = arith.subi %sign3A_4, %sign3A_7 : i32
    %sign3A_9 = arith.constant 0 : i32
    %sign3A_10 = arith.cmpi sgt, %jit3A, %sign3A_9 : i32
    %sign3A_11 = arith.extui %sign3A_10 : i1 to i32
    %sign3A_12 = arith.constant 0 : i32
    %sign3A_13 = arith.cmpi slt, %jit3A, %sign3A_12 : i32
    %sign3A_14 = arith.extui %sign3A_13 : i1 to i32
    %sign3A_15 = arith.subi %sign3A_11, %sign3A_14 : i32
    %ne3A = arith.cmpi ne, %sign3A_8, %sign3A_15 : i32
    %rem3A = arith.remsi %add3A, %jit3A : i32
    %ne3A_16 = arith.constant 0 : i32
    %ne3A_17 = arith.cmpi ne, %rem3A, %ne3A_16 : i32
    %and3A = arith.andi %ne3A, %ne3A_17 : i1
    %sub3A = arith.constant 1 : i32
    %sub3A_18 = arith.subi %div3A, %sub3A : i32
    %select_n3A = arith.select %and3A, %sub3A_18, %div3A : i32
    %mul3A_19 = arith.constant 4096 : i32
    %mul3A_20 = arith.muli %select_n3A, %mul3A_19 : i32
    %multiple_of3A_21 = tpu.assume_multiple %mul3A_20, 8 : i32
    "tpu.region"() ({
      %run_scoped3A = tpu.sem_alloc : memref<!tpu.dma_semaphore, #tpu.memory_space<semaphore_mem>>
      tpu.enqueue_dma source(%arg2 : memref<8192xf32, #tpu.memory_space<hbm>>) target(%arg10 : memref<8192xf32, #tpu.memory_space<vmem>>) target_semaphore(%run_scoped3A : memref<!tpu.dma_semaphore, #tpu.memory_space<semaphore_mem>>)
      tpu.wait_dma2 semaphore(%run_scoped3A : memref<!tpu.dma_semaphore, #tpu.memory_space<semaphore_mem>>) src(%arg2 : memref<8192xf32, #tpu.memory_space<hbm>>) dst(%arg10 : memref<8192xf32, #tpu.memory_space<vmem>>)
      tpu.yield
    }) : () -> ()
    "tpu.region"() ({
      %run_scoped3A = tpu.sem_alloc : memref<!tpu.dma_semaphore, #tpu.memory_space<semaphore_mem>>
      tpu.enqueue_dma source(%arg3 : memref<8192xf32, #tpu.memory_space<hbm>>) target(%arg11 : memref<8192xf32, #tpu.memory_space<vmem>>) target_semaphore(%run_scoped3A : memref<!tpu.dma_semaphore, #tpu.memory_space<semaphore_mem>>)
      tpu.wait_dma2 semaphore(%run_scoped3A : memref<!tpu.dma_semaphore, #tpu.memory_space<semaphore_mem>>) src(%arg3 : memref<8192xf32, #tpu.memory_space<hbm>>) dst(%arg11 : memref<8192xf32, #tpu.memory_space<vmem>>)
      tpu.yield
    }) : () -> ()
    "tpu.region"() ({
      %run_scoped3A = tpu.sem_alloc : memref<!tpu.dma_semaphore, #tpu.memory_space<semaphore_mem>>
      tpu.enqueue_dma source(%arg4 : memref<8192xf32, #tpu.memory_space<hbm>>) target(%arg12 : memref<8192xf32, #tpu.memory_space<vmem>>) target_semaphore(%run_scoped3A : memref<!tpu.dma_semaphore, #tpu.memory_space<semaphore_mem>>)
      tpu.wait_dma2 semaphore(%run_scoped3A : memref<!tpu.dma_semaphore, #tpu.memory_space<semaphore_mem>>) src(%arg4 : memref<8192xf32, #tpu.memory_space<hbm>>) dst(%arg12 : memref<8192xf32, #tpu.memory_space<vmem>>)
      tpu.yield
    }) : () -> ()
    "tpu.region"() ({
      %run_scoped3A = tpu.sem_alloc : memref<!tpu.dma_semaphore, #tpu.memory_space<semaphore_mem>>
      tpu.enqueue_dma source(%arg5 : memref<8192xf32, #tpu.memory_space<hbm>>) target(%arg13 : memref<8192xf32, #tpu.memory_space<vmem>>) target_semaphore(%run_scoped3A : memref<!tpu.dma_semaphore, #tpu.memory_space<semaphore_mem>>)
      tpu.wait_dma2 semaphore(%run_scoped3A : memref<!tpu.dma_semaphore, #tpu.memory_space<semaphore_mem>>) src(%arg5 : memref<8192xf32, #tpu.memory_space<hbm>>) dst(%arg13 : memref<8192xf32, #tpu.memory_space<vmem>>)
      tpu.yield
    }) : () -> ()
    "tpu.region"() ({
      %run_scoped3A = tpu.sem_alloc : memref<!tpu.dma_semaphore, #tpu.memory_space<semaphore_mem>>
      tpu.enqueue_dma source(%arg6 : memref<8192xf32, #tpu.memory_space<hbm>>) target(%arg14 : memref<8192xf32, #tpu.memory_space<vmem>>) target_semaphore(%run_scoped3A : memref<!tpu.dma_semaphore, #tpu.memory_space<semaphore_mem>>)
      tpu.wait_dma2 semaphore(%run_scoped3A : memref<!tpu.dma_semaphore, #tpu.memory_space<semaphore_mem>>) src(%arg6 : memref<8192xf32, #tpu.memory_space<hbm>>) dst(%arg14 : memref<8192xf32, #tpu.memory_space<vmem>>)
      tpu.yield
    }) : () -> ()
    "tpu.region"() ({
      %run_scoped3A = tpu.sem_alloc : memref<!tpu.dma_semaphore, #tpu.memory_space<semaphore_mem>>
      tpu.enqueue_dma source(%arg7 : memref<8192xf32, #tpu.memory_space<hbm>>) target(%arg15 : memref<8192xf32, #tpu.memory_space<vmem>>) target_semaphore(%run_scoped3A : memref<!tpu.dma_semaphore, #tpu.memory_space<semaphore_mem>>)
      tpu.wait_dma2 semaphore(%run_scoped3A : memref<!tpu.dma_semaphore, #tpu.memory_space<semaphore_mem>>) src(%arg7 : memref<8192xf32, #tpu.memory_space<hbm>>) dst(%arg15 : memref<8192xf32, #tpu.memory_space<vmem>>)
      tpu.yield
    }) : () -> ()
    %iota3A = tpu.iota {dimensions = array<i32: 0>} : vector<16xi32>
    %broadcast_in_dim3A = arith.constant 0.000000e+00 : f32
    %broadcast_in_dim3A_22 = vector.broadcast %broadcast_in_dim3A : f32 to vector<16xf32>
    %broadcast_in_dim3A_23 = arith.constant 3.000000e+38 : f32
    %broadcast_in_dim3A_24 = vector.broadcast %broadcast_in_dim3A_23 : f32 to vector<16xf32>
    %broadcast_in_dim3A_25 = arith.constant 2147483647 : i32
    %broadcast_in_dim3A_26 = vector.broadcast %broadcast_in_dim3A_25 : i32 to vector<16xi32>
    %scan3A = arith.constant 0 : i32
    %scan3A_27 = arith.constant 0 : i32
    %scan3A_28 = arith.constant 512 : i32
    %scan3A_29 = arith.addi %scan3A_27, %scan3A_28 : i32
    %scan3A_30 = arith.constant 1 : i32
    %scan3A_31 = scf.for %scan3A_47 = %scan3A_27 to %scan3A_29 step %scan3A_30 iter_args(%scan3A_48 = %scan3A) -> (i32)  : i32 {
      %mul3A_49 = arith.constant 16 : i32
      %mul3A_50 = arith.muli %scan3A_47, %mul3A_49 : i32
      %get3A = arith.index_cast %mul3A_50 : i32 to index
      %get3A_51 = tpu.vector_load %arg10[%get3A] {strides = array<i32>} : memref<8192xf32, #tpu.memory_space<vmem>>, vector<16xf32>,
      %mul3A_52 = arith.constant 16 : i32
      %mul3A_53 = arith.muli %scan3A_47, %mul3A_52 : i32
      %get3A_54 = arith.index_cast %mul3A_53 : i32 to index
      %get3A_55 = tpu.vector_load %arg11[%get3A_54] {strides = array<i32>} : memref<8192xf32, #tpu.memory_space<vmem>>, vector<16xf32>,
      %mul3A_56 = arith.constant 16 : i32
      %mul3A_57 = arith.muli %scan3A_47, %mul3A_56 : i32
      %get3A_58 = arith.index_cast %mul3A_57 : i32 to index
      %get3A_59 = tpu.vector_load %arg12[%get3A_58] {strides = array<i32>} : memref<8192xf32, #tpu.memory_space<vmem>>, vector<16xf32>,
      %mul3A_60 = arith.mulf %get3A_51, %get3A_51 : vector<16xf32>
      %mul3A_61 = arith.mulf %get3A_55, %get3A_55 : vector<16xf32>
      %add3A_62 = arith.addf %mul3A_60, %mul3A_61 : vector<16xf32>
      %mul3A_63 = arith.mulf %get3A_59, %get3A_59 : vector<16xf32>
      %add3A_64 = arith.addf %add3A_62, %mul3A_63 : vector<16xf32>
      %mul3A_65 = arith.constant 16 : i32
      %mul3A_66 = arith.muli %scan3A_47, %mul3A_65 : i32
      %swap3A = arith.index_cast %mul3A_66 : i32 to index
      %swap3A_67 = tpu.vector_load %arg16[%swap3A] {strides = array<i32>} : memref<8192xf32, #tpu.memory_space<vmem>>, vector<16xf32>,
      tpu.vector_store %arg16[%swap3A], %add3A_64 {strides = array<i32>} : memref<8192xf32, #tpu.memory_space<vmem>>, vector<16xf32>,
      %scan3A_68 = arith.constant 0 : i32
      scf.yield %scan3A_68 : i32
    }
    %scan3A_32 = arith.constant 512 : i32
    %scan3A_33 = arith.constant 0 : i32
    %scan3A_34 = arith.constant 0 : i32
    %scan3A_35 = arith.constant 2048 : i32
    %scan3A_36 = arith.addi %scan3A_34, %scan3A_35 : i32
    %scan3A_37 = arith.constant 1 : i32
    %scan3A_38 = scf.for %scan3A_47 = %scan3A_34 to %scan3A_36 step %scan3A_37 iter_args(%scan3A_48 = %scan3A_33) -> (i32)  : i32 {
      %mul3A_49 = arith.constant 16 : i32
      %mul3A_50 = arith.muli %scan3A_47, %mul3A_49 : i32
      %swap3A = arith.index_cast %mul3A_50 : i32 to index
      %swap3A_51 = tpu.vector_load %arg21[%swap3A] {strides = array<i32>} : memref<32768xf32, #tpu.memory_space<vmem>>, vector<16xf32>,
      tpu.vector_store %arg21[%swap3A], %broadcast_in_dim3A_22 {strides = array<i32>} : memref<32768xf32, #tpu.memory_space<vmem>>, vector<16xf32>,
      %scan3A_52 = arith.constant 0 : i32
      scf.yield %scan3A_52 : i32
    }
    %scan3A_39 = arith.constant 2048 : i32
    %scan3A_40 = arith.constant 0 : i32
    %scan3A_41 = arith.constant 0 : i32
    %scan3A_42 = arith.constant 256 : i32
    %scan3A_43 = arith.addi %scan3A_41, %scan3A_42 : i32
    %scan3A_44 = arith.constant 1 : i32
    %scan3A_45 = scf.for %scan3A_47 = %scan3A_41 to %scan3A_43 step %scan3A_44 iter_args(%scan3A_48 = %scan3A_40) -> (i32)  : i32 {
      %jit3A_49 = arith.constant 64 : i32
      %div3A_50 = arith.divsi %scan3A_47, %jit3A_49 : i32
      %sign3A_51 = arith.constant 0 : i32
      %sign3A_52 = arith.cmpi sgt, %scan3A_47, %sign3A_51 : i32
      %sign3A_53 = arith.extui %sign3A_52 : i1 to i32
      %sign3A_54 = arith.constant 0 : i32
      %sign3A_55 = arith.cmpi slt, %scan3A_47, %sign3A_54 : i32
      %sign3A_56 = arith.extui %sign3A_55 : i1 to i32
      %sign3A_57 = arith.subi %sign3A_53, %sign3A_56 : i32
      %sign3A_58 = arith.constant 0 : i32
      %sign3A_59 = arith.cmpi sgt, %jit3A_49, %sign3A_58 : i32
      %sign3A_60 = arith.extui %sign3A_59 : i1 to i32
      %sign3A_61 = arith.constant 0 : i32
      %sign3A_62 = arith.cmpi slt, %jit3A_49, %sign3A_61 : i32
      %sign3A_63 = arith.extui %sign3A_62 : i1 to i32
      %sign3A_64 = arith.subi %sign3A_60, %sign3A_63 : i32
      %ne3A_65 = arith.cmpi ne, %sign3A_57, %sign3A_64 : i32
      %rem3A_66 = arith.remsi %scan3A_47, %jit3A_49 : i32
      %ne3A_67 = arith.constant 0 : i32
      %ne3A_68 = arith.cmpi ne, %rem3A_66, %ne3A_67 : i32
      %and3A_69 = arith.andi %ne3A_65, %ne3A_68 : i1
      %sub3A_70 = arith.constant 1 : i32
      %sub3A_71 = arith.subi %div3A_50, %sub3A_70 : i32
      %select_n3A_72 = arith.select %and3A_69, %sub3A_71, %div3A_50 : i32
      %mul3A_73 = arith.constant 64 : i32
      %mul3A_74 = arith.muli %select_n3A_72, %mul3A_73 : i32
      %sub3A_75 = arith.subi %scan3A_47, %mul3A_74 : i32
      %add3A_76 = arith.addi %multiple_of3A, %scan3A_47 : i32
      %broadcast_in_dim3A_77 = vector.broadcast %add3A_76 : i32 to vector<16xi32>
      %gather3A = tpu.vector_load_idx %arg10[%broadcast_in_dim3A_77] : memref<8192xf32, #tpu.memory_space<vmem>>[vector<16xi32>], vector<16xf32>,
      %gather3A_78 = tpu.vector_load_idx %arg11[%broadcast_in_dim3A_77] : memref<8192xf32, #tpu.memory_space<vmem>>[vector<16xi32>], vector<16xf32>,
      %gather3A_79 = tpu.vector_load_idx %arg12[%broadcast_in_dim3A_77] : memref<8192xf32, #tpu.memory_space<vmem>>[vector<16xi32>], vector<16xf32>,
      %gather3A_80 = tpu.vector_load_idx %arg13[%broadcast_in_dim3A_77] : memref<8192xf32, #tpu.memory_space<vmem>>[vector<16xi32>], vector<16xf32>,
      %gather3A_81 = tpu.vector_load_idx %arg14[%broadcast_in_dim3A_77] : memref<8192xf32, #tpu.memory_space<vmem>>[vector<16xi32>], vector<16xf32>,
      %gather3A_82 = tpu.vector_load_idx %arg15[%broadcast_in_dim3A_77] : memref<8192xf32, #tpu.memory_space<vmem>>[vector<16xi32>], vector<16xf32>,
      %gather3A_83 = tpu.vector_load_idx %arg16[%broadcast_in_dim3A_77] : memref<8192xf32, #tpu.memory_space<vmem>>[vector<16xi32>], vector<16xf32>,
      %scan3A_84 = arith.constant 0 : i32
      %scan3A_85 = arith.constant 32 : i32
      %scan3A_86 = arith.addi %scan3A_84, %scan3A_85 : i32
      %scan3A_87 = arith.constant 1 : i32
      %scan3A_88:2 = scf.for %scan3A_200 = %scan3A_84 to %scan3A_86 step %scan3A_87 iter_args(%scan3A_201 = %broadcast_in_dim3A_24, %scan3A_202 = %broadcast_in_dim3A_24) -> (vector<16xf32>, vector<16xf32>)  : i32 {
        %mul3A_203 = arith.constant 8 : i32
        %mul3A_204 = arith.muli %scan3A_200, %mul3A_203 : i32
        %add3A_205 = arith.constant 0 : i32
        %add3A_206 = arith.addi %mul3A_204, %add3A_205 : i32
        %mul3A_207 = arith.constant 16 : i32
        %mul3A_208 = arith.muli %add3A_206, %mul3A_207 : i32
        %add3A_209 = arith.addi %multiple_of3A_21, %mul3A_208 : i32
        %multiple_of3A_210 = tpu.assume_multiple %add3A_209, 8 : i32
        %get3A = arith.index_cast %multiple_of3A_210 : i32 to index
        %get3A_211 = tpu.vector_load %arg13[%get3A] {strides = array<i32>} : memref<8192xf32, #tpu.memory_space<vmem>>, vector<16xf32>,
        %mul3A_212 = arith.mulf %get3A_211, %gather3A_80 : vector<16xf32>
        %get3A_213 = arith.index_cast %multiple_of3A_210 : i32 to index
        %get3A_214 = tpu.vector_load %arg14[%get3A_213] {strides = array<i32>} : memref<8192xf32, #tpu.memory_space<vmem>>, vector<16xf32>,
        %mul3A_215 = arith.mulf %get3A_214, %gather3A_81 : vector<16xf32>
        %add3A_216 = arith.addf %mul3A_212, %mul3A_215 : vector<16xf32>
        %get3A_217 = arith.index_cast %multiple_of3A_210 : i32 to index
        %get3A_218 = tpu.vector_load %arg15[%get3A_217] {strides = array<i32>} : memref<8192xf32, #tpu.memory_space<vmem>>, vector<16xf32>,
        %mul3A_219 = arith.mulf %get3A_218, %gather3A_82 : vector<16xf32>
        %add3A_220 = arith.addf %add3A_216, %mul3A_219 : vector<16xf32>
        %get3A_221 = arith.index_cast %multiple_of3A_210 : i32 to index
        %get3A_222 = tpu.vector_load %arg16[%get3A_221] {strides = array<i32>} : memref<8192xf32, #tpu.memory_space<vmem>>, vector<16xf32>,
        %add3A_223 = arith.addf %gather3A_83, %get3A_222 : vector<16xf32>
        %mul3A_224 = arith.constant 2.000000e+00 : f32
        %mul3A_225 = vector.broadcast %mul3A_224 : f32 to vector<16xf32>
        %mul3A_226 = arith.mulf %mul3A_225, %add3A_220 : vector<16xf32>
        %sub3A_227 = arith.subf %add3A_223, %mul3A_226 : vector<16xf32>
        %max3A = arith.constant 0.000000e+00 : f32
        %max3A_228 = vector.broadcast %max3A : f32 to vector<16xf32>
        %max3A_229 = arith.maximumf %sub3A_227, %max3A_228 : vector<16xf32>
        %mul3A_230 = arith.constant 16 : i32
        %mul3A_231 = arith.muli %add3A_206, %mul3A_230 : i32
        %swap3A_232 = arith.index_cast %mul3A_231 : i32 to index
        %swap3A_233 = tpu.vector_load %arg17[%swap3A_232] {strides = array<i32>} : memref<4096xf32, #tpu.memory_space<vmem>>, vector<16xf32>,
        tpu.vector_store %arg17[%swap3A_232], %max3A_229 {strides = array<i32>} : memref<4096xf32, #tpu.memory_space<vmem>>, vector<16xf32>,
        %lt3A = arith.cmpf olt, %max3A_229, %scan3A_201 : vector<16xf32>
        %min3A = arith.minimumf %scan3A_202, %max3A_229 : vector<16xf32>
        %select_n3A_234 = arith.select %lt3A, %scan3A_201, %min3A : vector<16xi1>, vector<16xf32>
        %min3A_235 = arith.minimumf %scan3A_201, %max3A_229 : vector<16xf32>
        %mul3A_236 = arith.constant 8 : i32
        %mul3A_237 = arith.muli %scan3A_200, %mul3A_236 : i32
        %add3A_238 = arith.constant 1 : i32
        %add3A_239 = arith.addi %mul3A_237, %add3A_238 : i32
        %mul3A_240 = arith.constant 16 : i32
        %mul3A_241 = arith.muli %add3A_239, %mul3A_240 : i32
        %add3A_242 = arith.addi %multiple_of3A_21, %mul3A_241 : i32
        %multiple_of3A_243 = tpu.assume_multiple %add3A_242, 8 : i32
        %get3A_244 = arith.index_cast %multiple_of3A_243 : i32 to index
        %get3A_245 = tpu.vector_load %arg13[%get3A_244] {strides = array<i32>} : memref<8192xf32, #tpu.memory_space<vmem>>, vector<16xf32>,
        %mul3A_246 = arith.mulf %get3A_245, %gather3A_80 : vector<16xf32>
        %get3A_247 = arith.index_cast %multiple_of3A_243 : i32 to index
        %get3A_248 = tpu.vector_load %arg14[%get3A_247] {strides = array<i32>} : memref<8192xf32, #tpu.memory_space<vmem>>, vector<16xf32>,
        %mul3A_249 = arith.mulf %get3A_248, %gather3A_81 : vector<16xf32>
        %add3A_250 = arith.addf %mul3A_246, %mul3A_249 : vector<16xf32>
        %get3A_251 = arith.index_cast %multiple_of3A_243 : i32 to index
        %get3A_252 = tpu.vector_load %arg15[%get3A_251] {strides = array<i32>} : memref<8192xf32, #tpu.memory_space<vmem>>, vector<16xf32>,
        %mul3A_253 = arith.mulf %get3A_252, %gather3A_82 : vector<16xf32>
        %add3A_254 = arith.addf %add3A_250, %mul3A_253 : vector<16xf32>
        %get3A_255 = arith.index_cast %multiple_of3A_243 : i32 to index
        %get3A_256 = tpu.vector_load %arg16[%get3A_255] {strides = array<i32>} : memref<8192xf32, #tpu.memory_space<vmem>>, vector<16xf32>,
        %add3A_257 = arith.addf %gather3A_83, %get3A_256 : vector<16xf32>
        %mul3A_258 = arith.constant 2.000000e+00 : f32
        %mul3A_259 = vector.broadcast %mul3A_258 : f32 to vector<16xf32>
        %mul3A_260 = arith.mulf %mul3A_259, %add3A_254 : vector<16xf32>
        %sub3A_261 = arith.subf %add3A_257, %mul3A_260 : vector<16xf32>
        %max3A_262 = arith.constant 0.000000e+00 : f32
        %max3A_263 = vector.broadcast %max3A_262 : f32 to vector<16xf32>
        %max3A_264 = arith.maximumf %sub3A_261, %max3A_263 : vector<16xf32>
        %mul3A_265 = arith.constant 16 : i32
        %mul3A_266 = arith.muli %add3A_239, %mul3A_265 : i32
        %swap3A_267 = arith.index_cast %mul3A_266 : i32 to index
        %swap3A_268 = tpu.vector_load %arg17[%swap3A_267] {strides = array<i32>} : memref<4096xf32, #tpu.memory_space<vmem>>, vector<16xf32>,
        tpu.vector_store %arg17[%swap3A_267], %max3A_264 {strides = array<i32>} : memref<4096xf32, #tpu.memory_space<vmem>>, vector<16xf32>,
        %lt3A_269 = arith.cmpf olt, %max3A_264, %min3A_235 : vector<16xf32>
        %min3A_270 = arith.minimumf %select_n3A_234, %max3A_264 : vector<16xf32>
        %select_n3A_271 = arith.select %lt3A_269, %min3A_235, %min3A_270 : vector<16xi1>, vector<16xf32>
        %min3A_272 = arith.minimumf %min3A_235, %max3A_264 : vector<16xf32>
        %mul3A_273 = arith.constant 8 : i32
        %mul3A_274 = arith.muli %scan3A_200, %mul3A_273 : i32
        %add3A_275 = arith.constant 2 : i32
        %add3A_276 = arith.addi %mul3A_274, %add3A_275 : i32
        %mul3A_277 = arith.constant 16 : i32
        %mul3A_278 = arith.muli %add3A_276, %mul3A_277 : i32
        %add3A_279 = arith.addi %multiple_of3A_21, %mul3A_278 : i32
        %multiple_of3A_280 = tpu.assume_multiple %add3A_279, 8 : i32
        %get3A_281 = arith.index_cast %multiple_of3A_280 : i32 to index
        %get3A_282 = tpu.vector_load %arg13[%get3A_281] {strides = array<i32>} : memref<8192xf32, #tpu.memory_space<vmem>>, vector<16xf32>,
        %mul3A_283 = arith.mulf %get3A_282, %gather3A_80 : vector<16xf32>
        %get3A_284 = arith.index_cast %multiple_of3A_280 : i32 to index
        %get3A_285 = tpu.vector_load %arg14[%get3A_284] {strides = array<i32>} : memref<8192xf32, #tpu.memory_space<vmem>>, vector<16xf32>,
        %mul3A_286 = arith.mulf %get3A_285, %gather3A_81 : vector<16xf32>
        %add3A_287 = arith.addf %mul3A_283, %mul3A_286 : vector<16xf32>
        %get3A_288 = arith.index_cast %multiple_of3A_280 : i32 to index
        %get3A_289 = tpu.vector_load %arg15[%get3A_288] {strides = array<i32>} : memref<8192xf32, #tpu.memory_space<vmem>>, vector<16xf32>,
        %mul3A_290 = arith.mulf %get3A_289, %gather3A_82 : vector<16xf32>
        %add3A_291 = arith.addf %add3A_287, %mul3A_290 : vector<16xf32>
        %get3A_292 = arith.index_cast %multiple_of3A_280 : i32 to index
        %get3A_293 = tpu.vector_load %arg16[%get3A_292] {strides = array<i32>} : memref<8192xf32, #tpu.memory_space<vmem>>, vector<16xf32>,
        %add3A_294 = arith.addf %gather3A_83, %get3A_293 : vector<16xf32>
        %mul3A_295 = arith.constant 2.000000e+00 : f32
        %mul3A_296 = vector.broadcast %mul3A_295 : f32 to vector<16xf32>
        %mul3A_297 = arith.mulf %mul3A_296, %add3A_291 : vector<16xf32>
        %sub3A_298 = arith.subf %add3A_294, %mul3A_297 : vector<16xf32>
        %max3A_299 = arith.constant 0.000000e+00 : f32
        %max3A_300 = vector.broadcast %max3A_299 : f32 to vector<16xf32>
        %max3A_301 = arith.maximumf %sub3A_298, %max3A_300 : vector<16xf32>
        %mul3A_302 = arith.constant 16 : i32
        %mul3A_303 = arith.muli %add3A_276, %mul3A_302 : i32
        %swap3A_304 = arith.index_cast %mul3A_303 : i32 to index
        %swap3A_305 = tpu.vector_load %arg17[%swap3A_304] {strides = array<i32>} : memref<4096xf32, #tpu.memory_space<vmem>>, vector<16xf32>,
        tpu.vector_store %arg17[%swap3A_304], %max3A_301 {strides = array<i32>} : memref<4096xf32, #tpu.memory_space<vmem>>, vector<16xf32>,
        %lt3A_306 = arith.cmpf olt, %max3A_301, %min3A_272 : vector<16xf32>
        %min3A_307 = arith.minimumf %select_n3A_271, %max3A_301 : vector<16xf32>
        %select_n3A_308 = arith.select %lt3A_306, %min3A_272, %min3A_307 : vector<16xi1>, vector<16xf32>
        %min3A_309 = arith.minimumf %min3A_272, %max3A_301 : vector<16xf32>
        %mul3A_310 = arith.constant 8 : i32
        %mul3A_311 = arith.muli %scan3A_200, %mul3A_310 : i32
        %add3A_312 = arith.constant 3 : i32
        %add3A_313 = arith.addi %mul3A_311, %add3A_312 : i32
        %mul3A_314 = arith.constant 16 : i32
        %mul3A_315 = arith.muli %add3A_313, %mul3A_314 : i32
        %add3A_316 = arith.addi %multiple_of3A_21, %mul3A_315 : i32
        %multiple_of3A_317 = tpu.assume_multiple %add3A_316, 8 : i32
        %get3A_318 = arith.index_cast %multiple_of3A_317 : i32 to index
        %get3A_319 = tpu.vector_load %arg13[%get3A_318] {strides = array<i32>} : memref<8192xf32, #tpu.memory_space<vmem>>, vector<16xf32>,
        %mul3A_320 = arith.mulf %get3A_319, %gather3A_80 : vector<16xf32>
        %get3A_321 = arith.index_cast %multiple_of3A_317 : i32 to index
        %get3A_322 = tpu.vector_load %arg14[%get3A_321] {strides = array<i32>} : memref<8192xf32, #tpu.memory_space<vmem>>, vector<16xf32>,
        %mul3A_323 = arith.mulf %get3A_322, %gather3A_81 : vector<16xf32>
        %add3A_324 = arith.addf %mul3A_320, %mul3A_323 : vector<16xf32>
        %get3A_325 = arith.index_cast %multiple_of3A_317 : i32 to index
        %get3A_326 = tpu.vector_load %arg15[%get3A_325] {strides = array<i32>} : memref<8192xf32, #tpu.memory_space<vmem>>, vector<16xf32>,
        %mul3A_327 = arith.mulf %get3A_326, %gather3A_82 : vector<16xf32>
        %add3A_328 = arith.addf %add3A_324, %mul3A_327 : vector<16xf32>
        %get3A_329 = arith.index_cast %multiple_of3A_317 : i32 to index
        %get3A_330 = tpu.vector_load %arg16[%get3A_329] {strides = array<i32>} : memref<8192xf32, #tpu.memory_space<vmem>>, vector<16xf32>,
        %add3A_331 = arith.addf %gather3A_83, %get3A_330 : vector<16xf32>
        %mul3A_332 = arith.constant 2.000000e+00 : f32
        %mul3A_333 = vector.broadcast %mul3A_332 : f32 to vector<16xf32>
        %mul3A_334 = arith.mulf %mul3A_333, %add3A_328 : vector<16xf32>
        %sub3A_335 = arith.subf %add3A_331, %mul3A_334 : vector<16xf32>
        %max3A_336 = arith.constant 0.000000e+00 : f32
        %max3A_337 = vector.broadcast %max3A_336 : f32 to vector<16xf32>
        %max3A_338 = arith.maximumf %sub3A_335, %max3A_337 : vector<16xf32>
        %mul3A_339 = arith.constant 16 : i32
        %mul3A_340 = arith.muli %add3A_313, %mul3A_339 : i32
        %swap3A_341 = arith.index_cast %mul3A_340 : i32 to index
        %swap3A_342 = tpu.vector_load %arg17[%swap3A_341] {strides = array<i32>} : memref<4096xf32, #tpu.memory_space<vmem>>, vector<16xf32>,
        tpu.vector_store %arg17[%swap3A_341], %max3A_338 {strides = array<i32>} : memref<4096xf32, #tpu.memory_space<vmem>>, vector<16xf32>,
        %lt3A_343 = arith.cmpf olt, %max3A_338, %min3A_309 : vector<16xf32>
        %min3A_344 = arith.minimumf %select_n3A_308, %max3A_338 : vector<16xf32>
        %select_n3A_345 = arith.select %lt3A_343, %min3A_309, %min3A_344 : vector<16xi1>, vector<16xf32>
        %min3A_346 = arith.minimumf %min3A_309, %max3A_338 : vector<16xf32>
        %mul3A_347 = arith.constant 8 : i32
        %mul3A_348 = arith.muli %scan3A_200, %mul3A_347 : i32
        %add3A_349 = arith.constant 4 : i32
        %add3A_350 = arith.addi %mul3A_348, %add3A_349 : i32
        %mul3A_351 = arith.constant 16 : i32
        %mul3A_352 = arith.muli %add3A_350, %mul3A_351 : i32
        %add3A_353 = arith.addi %multiple_of3A_21, %mul3A_352 : i32
        %multiple_of3A_354 = tpu.assume_multiple %add3A_353, 8 : i32
        %get3A_355 = arith.index_cast %multiple_of3A_354 : i32 to index
        %get3A_356 = tpu.vector_load %arg13[%get3A_355] {strides = array<i32>} : memref<8192xf32, #tpu.memory_space<vmem>>, vector<16xf32>,
        %mul3A_357 = arith.mulf %get3A_356, %gather3A_80 : vector<16xf32>
        %get3A_358 = arith.index_cast %multiple_of3A_354 : i32 to index
        %get3A_359 = tpu.vector_load %arg14[%get3A_358] {strides = array<i32>} : memref<8192xf32, #tpu.memory_space<vmem>>, vector<16xf32>,
        %mul3A_360 = arith.mulf %get3A_359, %gather3A_81 : vector<16xf32>
        %add3A_361 = arith.addf %mul3A_357, %mul3A_360 : vector<16xf32>
        %get3A_362 = arith.index_cast %multiple_of3A_354 : i32 to index
        %get3A_363 = tpu.vector_load %arg15[%get3A_362] {strides = array<i32>} : memref<8192xf32, #tpu.memory_space<vmem>>, vector<16xf32>,
        %mul3A_364 = arith.mulf %get3A_363, %gather3A_82 : vector<16xf32>
        %add3A_365 = arith.addf %add3A_361, %mul3A_364 : vector<16xf32>
        %get3A_366 = arith.index_cast %multiple_of3A_354 : i32 to index
        %get3A_367 = tpu.vector_load %arg16[%get3A_366] {strides = array<i32>} : memref<8192xf32, #tpu.memory_space<vmem>>, vector<16xf32>,
        %add3A_368 = arith.addf %gather3A_83, %get3A_367 : vector<16xf32>
        %mul3A_369 = arith.constant 2.000000e+00 : f32
        %mul3A_370 = vector.broadcast %mul3A_369 : f32 to vector<16xf32>
        %mul3A_371 = arith.mulf %mul3A_370, %add3A_365 : vector<16xf32>
        %sub3A_372 = arith.subf %add3A_368, %mul3A_371 : vector<16xf32>
        %max3A_373 = arith.constant 0.000000e+00 : f32
        %max3A_374 = vector.broadcast %max3A_373 : f32 to vector<16xf32>
        %max3A_375 = arith.maximumf %sub3A_372, %max3A_374 : vector<16xf32>
        %mul3A_376 = arith.constant 16 : i32
        %mul3A_377 = arith.muli %add3A_350, %mul3A_376 : i32
        %swap3A_378 = arith.index_cast %mul3A_377 : i32 to index
        %swap3A_379 = tpu.vector_load %arg17[%swap3A_378] {strides = array<i32>} : memref<4096xf32, #tpu.memory_space<vmem>>, vector<16xf32>,
        tpu.vector_store %arg17[%swap3A_378], %max3A_375 {strides = array<i32>} : memref<4096xf32, #tpu.memory_space<vmem>>, vector<16xf32>,
        %lt3A_380 = arith.cmpf olt, %max3A_375, %min3A_346 : vector<16xf32>
        %min3A_381 = arith.minimumf %select_n3A_345, %max3A_375 : vector<16xf32>
        %select_n3A_382 = arith.select %lt3A_380, %min3A_346, %min3A_381 : vector<16xi1>, vector<16xf32>
        %min3A_383 = arith.minimumf %min3A_346, %max3A_375 : vector<16xf32>
        %mul3A_384 = arith.constant 8 : i32
        %mul3A_385 = arith.muli %scan3A_200, %mul3A_384 : i32
        %add3A_386 = arith.constant 5 : i32
        %add3A_387 = arith.addi %mul3A_385, %add3A_386 : i32
        %mul3A_388 = arith.constant 16 : i32
        %mul3A_389 = arith.muli %add3A_387, %mul3A_388 : i32
        %add3A_390 = arith.addi %multiple_of3A_21, %mul3A_389 : i32
        %multiple_of3A_391 = tpu.assume_multiple %add3A_390, 8 : i32
        %get3A_392 = arith.index_cast %multiple_of3A_391 : i32 to index
        %get3A_393 = tpu.vector_load %arg13[%get3A_392] {strides = array<i32>} : memref<8192xf32, #tpu.memory_space<vmem>>, vector<16xf32>,
        %mul3A_394 = arith.mulf %get3A_393, %gather3A_80 : vector<16xf32>
        %get3A_395 = arith.index_cast %multiple_of3A_391 : i32 to index
        %get3A_396 = tpu.vector_load %arg14[%get3A_395] {strides = array<i32>} : memref<8192xf32, #tpu.memory_space<vmem>>, vector<16xf32>,
        %mul3A_397 = arith.mulf %get3A_396, %gather3A_81 : vector<16xf32>
        %add3A_398 = arith.addf %mul3A_394, %mul3A_397 : vector<16xf32>
        %get3A_399 = arith.index_cast %multiple_of3A_391 : i32 to index
        %get3A_400 = tpu.vector_load %arg15[%get3A_399] {strides = array<i32>} : memref<8192xf32, #tpu.memory_space<vmem>>, vector<16xf32>,
        %mul3A_401 = arith.mulf %get3A_400, %gather3A_82 : vector<16xf32>
        %add3A_402 = arith.addf %add3A_398, %mul3A_401 : vector<16xf32>
        %get3A_403 = arith.index_cast %multiple_of3A_391 : i32 to index
        %get3A_404 = tpu.vector_load %arg16[%get3A_403] {strides = array<i32>} : memref<8192xf32, #tpu.memory_space<vmem>>, vector<16xf32>,
        %add3A_405 = arith.addf %gather3A_83, %get3A_404 : vector<16xf32>
        %mul3A_406 = arith.constant 2.000000e+00 : f32
        %mul3A_407 = vector.broadcast %mul3A_406 : f32 to vector<16xf32>
        %mul3A_408 = arith.mulf %mul3A_407, %add3A_402 : vector<16xf32>
        %sub3A_409 = arith.subf %add3A_405, %mul3A_408 : vector<16xf32>
        %max3A_410 = arith.constant 0.000000e+00 : f32
        %max3A_411 = vector.broadcast %max3A_410 : f32 to vector<16xf32>
        %max3A_412 = arith.maximumf %sub3A_409, %max3A_411 : vector<16xf32>
        %mul3A_413 = arith.constant 16 : i32
        %mul3A_414 = arith.muli %add3A_387, %mul3A_413 : i32
        %swap3A_415 = arith.index_cast %mul3A_414 : i32 to index
        %swap3A_416 = tpu.vector_load %arg17[%swap3A_415] {strides = array<i32>} : memref<4096xf32, #tpu.memory_space<vmem>>, vector<16xf32>,
        tpu.vector_store %arg17[%swap3A_415], %max3A_412 {strides = array<i32>} : memref<4096xf32, #tpu.memory_space<vmem>>, vector<16xf32>,
        %lt3A_417 = arith.cmpf olt, %max3A_412, %min3A_383 : vector<16xf32>
        %min3A_418 = arith.minimumf %select_n3A_382, %max3A_412 : vector<16xf32>
        %select_n3A_419 = arith.select %lt3A_417, %min3A_383, %min3A_418 : vector<16xi1>, vector<16xf32>
        %min3A_420 = arith.minimumf %min3A_383, %max3A_412 : vector<16xf32>
        %mul3A_421 = arith.constant 8 : i32
        %mul3A_422 = arith.muli %scan3A_200, %mul3A_421 : i32
        %add3A_423 = arith.constant 6 : i32
        %add3A_424 = arith.addi %mul3A_422, %add3A_423 : i32
        %mul3A_425 = arith.constant 16 : i32
        %mul3A_426 = arith.muli %add3A_424, %mul3A_425 : i32
        %add3A_427 = arith.addi %multiple_of3A_21, %mul3A_426 : i32
        %multiple_of3A_428 = tpu.assume_multiple %add3A_427, 8 : i32
        %get3A_429 = arith.index_cast %multiple_of3A_428 : i32 to index
        %get3A_430 = tpu.vector_load %arg13[%get3A_429] {strides = array<i32>} : memref<8192xf32, #tpu.memory_space<vmem>>, vector<16xf32>,
        %mul3A_431 = arith.mulf %get3A_430, %gather3A_80 : vector<16xf32>
        %get3A_432 = arith.index_cast %multiple_of3A_428 : i32 to index
        %get3A_433 = tpu.vector_load %arg14[%get3A_432] {strides = array<i32>} : memref<8192xf32, #tpu.memory_space<vmem>>, vector<16xf32>,
        %mul3A_434 = arith.mulf %get3A_433, %gather3A_81 : vector<16xf32>
        %add3A_435 = arith.addf %mul3A_431, %mul3A_434 : vector<16xf32>
        %get3A_436 = arith.index_cast %multiple_of3A_428 : i32 to index
        %get3A_437 = tpu.vector_load %arg15[%get3A_436] {strides = array<i32>} : memref<8192xf32, #tpu.memory_space<vmem>>, vector<16xf32>,
        %mul3A_438 = arith.mulf %get3A_437, %gather3A_82 : vector<16xf32>
        %add3A_439 = arith.addf %add3A_435, %mul3A_438 : vector<16xf32>
        %get3A_440 = arith.index_cast %multiple_of3A_428 : i32 to index
        %get3A_441 = tpu.vector_load %arg16[%get3A_440] {strides = array<i32>} : memref<8192xf32, #tpu.memory_space<vmem>>, vector<16xf32>,
        %add3A_442 = arith.addf %gather3A_83, %get3A_441 : vector<16xf32>
        %mul3A_443 = arith.constant 2.000000e+00 : f32
        %mul3A_444 = vector.broadcast %mul3A_443 : f32 to vector<16xf32>
        %mul3A_445 = arith.mulf %mul3A_444, %add3A_439 : vector<16xf32>
        %sub3A_446 = arith.subf %add3A_442, %mul3A_445 : vector<16xf32>
        %max3A_447 = arith.constant 0.000000e+00 : f32
        %max3A_448 = vector.broadcast %max3A_447 : f32 to vector<16xf32>
        %max3A_449 = arith.maximumf %sub3A_446, %max3A_448 : vector<16xf32>
        %mul3A_450 = arith.constant 16 : i32
        %mul3A_451 = arith.muli %add3A_424, %mul3A_450 : i32
        %swap3A_452 = arith.index_cast %mul3A_451 : i32 to index
        %swap3A_453 = tpu.vector_load %arg17[%swap3A_452] {strides = array<i32>} : memref<4096xf32, #tpu.memory_space<vmem>>, vector<16xf32>,
        tpu.vector_store %arg17[%swap3A_452], %max3A_449 {strides = array<i32>} : memref<4096xf32, #tpu.memory_space<vmem>>, vector<16xf32>,
        %lt3A_454 = arith.cmpf olt, %max3A_449, %min3A_420 : vector<16xf32>
        %min3A_455 = arith.minimumf %select_n3A_419, %max3A_449 : vector<16xf32>
        %select_n3A_456 = arith.select %lt3A_454, %min3A_420, %min3A_455 : vector<16xi1>, vector<16xf32>
        %min3A_457 = arith.minimumf %min3A_420, %max3A_449 : vector<16xf32>
        %mul3A_458 = arith.constant 8 : i32
        %mul3A_459 = arith.muli %scan3A_200, %mul3A_458 : i32
        %add3A_460 = arith.constant 7 : i32
        %add3A_461 = arith.addi %mul3A_459, %add3A_460 : i32
        %mul3A_462 = arith.constant 16 : i32
        %mul3A_463 = arith.muli %add3A_461, %mul3A_462 : i32
        %add3A_464 = arith.addi %multiple_of3A_21, %mul3A_463 : i32
        %multiple_of3A_465 = tpu.assume_multiple %add3A_464, 8 : i32
        %get3A_466 = arith.index_cast %multiple_of3A_465 : i32 to index
        %get3A_467 = tpu.vector_load %arg13[%get3A_466] {strides = array<i32>} : memref<8192xf32, #tpu.memory_space<vmem>>, vector<16xf32>,
        %mul3A_468 = arith.mulf %get3A_467, %gather3A_80 : vector<16xf32>
        %get3A_469 = arith.index_cast %multiple_of3A_465 : i32 to index
        %get3A_470 = tpu.vector_load %arg14[%get3A_469] {strides = array<i32>} : memref<8192xf32, #tpu.memory_space<vmem>>, vector<16xf32>,
        %mul3A_471 = arith.mulf %get3A_470, %gather3A_81 : vector<16xf32>
        %add3A_472 = arith.addf %mul3A_468, %mul3A_471 : vector<16xf32>
        %get3A_473 = arith.index_cast %multiple_of3A_465 : i32 to index
        %get3A_474 = tpu.vector_load %arg15[%get3A_473] {strides = array<i32>} : memref<8192xf32, #tpu.memory_space<vmem>>, vector<16xf32>,
        %mul3A_475 = arith.mulf %get3A_474, %gather3A_82 : vector<16xf32>
        %add3A_476 = arith.addf %add3A_472, %mul3A_475 : vector<16xf32>
        %get3A_477 = arith.index_cast %multiple_of3A_465 : i32 to index
        %get3A_478 = tpu.vector_load %arg16[%get3A_477] {strides = array<i32>} : memref<8192xf32, #tpu.memory_space<vmem>>, vector<16xf32>,
        %add3A_479 = arith.addf %gather3A_83, %get3A_478 : vector<16xf32>
        %mul3A_480 = arith.constant 2.000000e+00 : f32
        %mul3A_481 = vector.broadcast %mul3A_480 : f32 to vector<16xf32>
        %mul3A_482 = arith.mulf %mul3A_481, %add3A_476 : vector<16xf32>
        %sub3A_483 = arith.subf %add3A_479, %mul3A_482 : vector<16xf32>
        %max3A_484 = arith.constant 0.000000e+00 : f32
        %max3A_485 = vector.broadcast %max3A_484 : f32 to vector<16xf32>
        %max3A_486 = arith.maximumf %sub3A_483, %max3A_485 : vector<16xf32>
        %mul3A_487 = arith.constant 16 : i32
        %mul3A_488 = arith.muli %add3A_461, %mul3A_487 : i32
        %swap3A_489 = arith.index_cast %mul3A_488 : i32 to index
        %swap3A_490 = tpu.vector_load %arg17[%swap3A_489] {strides = array<i32>} : memref<4096xf32, #tpu.memory_space<vmem>>, vector<16xf32>,
        tpu.vector_store %arg17[%swap3A_489], %max3A_486 {strides = array<i32>} : memref<4096xf32, #tpu.memory_space<vmem>>, vector<16xf32>,
        %lt3A_491 = arith.cmpf olt, %max3A_486, %min3A_457 : vector<16xf32>
        %min3A_492 = arith.minimumf %select_n3A_456, %max3A_486 : vector<16xf32>
        %select_n3A_493 = arith.select %lt3A_491, %min3A_457, %min3A_492 : vector<16xi1>, vector<16xf32>
        %min3A_494 = arith.minimumf %min3A_457, %max3A_486 : vector<16xf32>
        scf.yield %min3A_494, %select_n3A_493 : vector<16xf32>, vector<16xf32>
      }
      %scan3A_89 = arith.constant 32 : i32
      %reduce_max3A = arith.constant true
      %reduce_max3A_90 = vector.broadcast %reduce_max3A : i1 to vector<16xi1>
      %reduce_max3A_91 = tpu.scan <max>, %scan3A_88#1 masked %reduce_max3A_90 : vector<16xf32>, vector<16xi1> -> vector<16xf32>
      %reduce_max3A_92 = vector.extract %reduce_max3A_91[15] : f32 from vector<16xf32>
      %broadcast_in_dim3A_93 = vector.broadcast %reduce_max3A_92 : f32 to vector<16xf32>
      %broadcast_in_dim3A_94 = arith.constant 0 : i32
      %broadcast_in_dim3A_95 = vector.broadcast %broadcast_in_dim3A_94 : i32 to vector<16xi32>
      %scan3A_96 = arith.constant 0 : i32
      %scan3A_97 = arith.constant 64 : i32
      %scan3A_98 = arith.addi %scan3A_96, %scan3A_97 : i32
      %scan3A_99 = arith.constant 1 : i32
      %scan3A_100 = scf.for %scan3A_200 = %scan3A_96 to %scan3A_98 step %scan3A_99 iter_args(%scan3A_201 = %broadcast_in_dim3A_95) -> (vector<16xi32>)  : i32 {
        %mul3A_202 = arith.constant 4 : i32
        %mul3A_203 = arith.muli %scan3A_200, %mul3A_202 : i32
        %add3A_204 = arith.constant 0 : i32
        %add3A_205 = arith.addi %mul3A_203, %add3A_204 : i32
        %mul3A_206 = arith.constant 16 : i32
        %mul3A_207 = arith.muli %add3A_205, %mul3A_206 : i32
        %get3A = arith.index_cast %mul3A_207 : i32 to index
        %get3A_208 = tpu.vector_load %arg17[%get3A] {strides = array<i32>} : memref<4096xf32, #tpu.memory_space<vmem>>, vector<16xf32>,
        %le3A = arith.cmpf ole, %get3A_208, %broadcast_in_dim3A_93 : vector<16xf32>
        %jit3A_209 = arith.constant 1 : i32
        %jit3A_210 = arith.constant 0 : i32
        %broadcast_in_dim3A_211 = vector.broadcast %jit3A_209 : i32 to vector<16xi32>
        %broadcast_in_dim3A_212 = vector.broadcast %jit3A_210 : i32 to vector<16xi32>
        %select_n3A_213 = arith.select %le3A, %broadcast_in_dim3A_211, %broadcast_in_dim3A_212 : vector<16xi1>, vector<16xi32>
        %broadcast_in_dim3A_214 = arith.constant true
        %broadcast_in_dim3A_215 = vector.broadcast %broadcast_in_dim3A_214 : i1 to vector<16xi1>
        %masked_cumsum3A = tpu.scan <sum>, %select_n3A_213 masked %broadcast_in_dim3A_215 : vector<16xi32>, vector<16xi1> -> vector<16xi32>
        %add3A_216 = arith.addi %scan3A_201, %masked_cumsum3A : vector<16xi32>
        %sub3A_217 = arith.constant 1 : i32
        %sub3A_218 = vector.broadcast %sub3A_217 : i32 to vector<16xi32>
        %sub3A_219 = arith.subi %add3A_216, %sub3A_218 : vector<16xi32>
        tpu.vector_store_idx %arg18[%sub3A_219], %get3A_208 masked %le3A : memref<4112xf32, #tpu.memory_space<vmem>>[vector<16xi32>], vector<16xf32>, vector<16xi1>
        %mul3A_220 = arith.constant 16 : i32
        %mul3A_221 = arith.muli %add3A_205, %mul3A_220 : i32
        %add3A_222 = arith.addi %multiple_of3A_21, %mul3A_221 : i32
        %add3A_223 = vector.broadcast %add3A_222 : i32 to vector<16xi32>
        %add3A_224 = arith.addi %add3A_223, %iota3A : vector<16xi32>
        tpu.vector_store_idx %arg19[%sub3A_219], %add3A_224 masked %le3A : memref<4112xi32, #tpu.memory_space<vmem>>[vector<16xi32>], vector<16xi32>, vector<16xi1>
        %all_reduce_population_count3A = tpu.all_reduce %le3A {dim = 0 : i64, kind = #tpu.reduction_kind<sum>} : vector<16xi1> -> vector<16xi32>
        %add3A_225 = arith.addi %scan3A_201, %all_reduce_population_count3A : vector<16xi32>
        %mul3A_226 = arith.constant 4 : i32
        %mul3A_227 = arith.muli %scan3A_200, %mul3A_226 : i32
        %add3A_228 = arith.constant 1 : i32
        %add3A_229 = arith.addi %mul3A_227, %add3A_228 : i32
        %mul3A_230 = arith.constant 16 : i32
        %mul3A_231 = arith.muli %add3A_229, %mul3A_230 : i32
        %get3A_232 = arith.index_cast %mul3A_231 : i32 to index
        %get3A_233 = tpu.vector_load %arg17[%get3A_232] {strides = array<i32>} : memref<4096xf32, #tpu.memory_space<vmem>>, vector<16xf32>,
        %le3A_234 = arith.cmpf ole, %get3A_233, %broadcast_in_dim3A_93 : vector<16xf32>
        %jit3A_235 = arith.constant 1 : i32
        %jit3A_236 = arith.constant 0 : i32
        %broadcast_in_dim3A_237 = vector.broadcast %jit3A_235 : i32 to vector<16xi32>
        %broadcast_in_dim3A_238 = vector.broadcast %jit3A_236 : i32 to vector<16xi32>
        %select_n3A_239 = arith.select %le3A_234, %broadcast_in_dim3A_237, %broadcast_in_dim3A_238 : vector<16xi1>, vector<16xi32>
        %broadcast_in_dim3A_240 = arith.constant true
        %broadcast_in_dim3A_241 = vector.broadcast %broadcast_in_dim3A_240 : i1 to vector<16xi1>
        %masked_cumsum3A_242 = tpu.scan <sum>, %select_n3A_239 masked %broadcast_in_dim3A_241 : vector<16xi32>, vector<16xi1> -> vector<16xi32>
        %add3A_243 = arith.addi %add3A_225, %masked_cumsum3A_242 : vector<16xi32>
        %sub3A_244 = arith.constant 1 : i32
        %sub3A_245 = vector.broadcast %sub3A_244 : i32 to vector<16xi32>
        %sub3A_246 = arith.subi %add3A_243, %sub3A_245 : vector<16xi32>
        tpu.vector_store_idx %arg18[%sub3A_246], %get3A_233 masked %le3A_234 : memref<4112xf32, #tpu.memory_space<vmem>>[vector<16xi32>], vector<16xf32>, vector<16xi1>
        %mul3A_247 = arith.constant 16 : i32
        %mul3A_248 = arith.muli %add3A_229, %mul3A_247 : i32
        %add3A_249 = arith.addi %multiple_of3A_21, %mul3A_248 : i32
        %add3A_250 = vector.broadcast %add3A_249 : i32 to vector<16xi32>
        %add3A_251 = arith.addi %add3A_250, %iota3A : vector<16xi32>
        tpu.vector_store_idx %arg19[%sub3A_246], %add3A_251 masked %le3A_234 : memref<4112xi32, #tpu.memory_space<vmem>>[vector<16xi32>], vector<16xi32>, vector<16xi1>
        %all_reduce_population_count3A_252 = tpu.all_reduce %le3A_234 {dim = 0 : i64, kind = #tpu.reduction_kind<sum>} : vector<16xi1> -> vector<16xi32>
        %add3A_253 = arith.addi %add3A_225, %all_reduce_population_count3A_252 : vector<16xi32>
        %mul3A_254 = arith.constant 4 : i32
        %mul3A_255 = arith.muli %scan3A_200, %mul3A_254 : i32
        %add3A_256 = arith.constant 2 : i32
        %add3A_257 = arith.addi %mul3A_255, %add3A_256 : i32
        %mul3A_258 = arith.constant 16 : i32
        %mul3A_259 = arith.muli %add3A_257, %mul3A_258 : i32
        %get3A_260 = arith.index_cast %mul3A_259 : i32 to index
        %get3A_261 = tpu.vector_load %arg17[%get3A_260] {strides = array<i32>} : memref<4096xf32, #tpu.memory_space<vmem>>, vector<16xf32>,
        %le3A_262 = arith.cmpf ole, %get3A_261, %broadcast_in_dim3A_93 : vector<16xf32>
        %jit3A_263 = arith.constant 1 : i32
        %jit3A_264 = arith.constant 0 : i32
        %broadcast_in_dim3A_265 = vector.broadcast %jit3A_263 : i32 to vector<16xi32>
        %broadcast_in_dim3A_266 = vector.broadcast %jit3A_264 : i32 to vector<16xi32>
        %select_n3A_267 = arith.select %le3A_262, %broadcast_in_dim3A_265, %broadcast_in_dim3A_266 : vector<16xi1>, vector<16xi32>
        %broadcast_in_dim3A_268 = arith.constant true
        %broadcast_in_dim3A_269 = vector.broadcast %broadcast_in_dim3A_268 : i1 to vector<16xi1>
        %masked_cumsum3A_270 = tpu.scan <sum>, %select_n3A_267 masked %broadcast_in_dim3A_269 : vector<16xi32>, vector<16xi1> -> vector<16xi32>
        %add3A_271 = arith.addi %add3A_253, %masked_cumsum3A_270 : vector<16xi32>
        %sub3A_272 = arith.constant 1 : i32
        %sub3A_273 = vector.broadcast %sub3A_272 : i32 to vector<16xi32>
        %sub3A_274 = arith.subi %add3A_271, %sub3A_273 : vector<16xi32>
        tpu.vector_store_idx %arg18[%sub3A_274], %get3A_261 masked %le3A_262 : memref<4112xf32, #tpu.memory_space<vmem>>[vector<16xi32>], vector<16xf32>, vector<16xi1>
        %mul3A_275 = arith.constant 16 : i32
        %mul3A_276 = arith.muli %add3A_257, %mul3A_275 : i32
        %add3A_277 = arith.addi %multiple_of3A_21, %mul3A_276 : i32
        %add3A_278 = vector.broadcast %add3A_277 : i32 to vector<16xi32>
        %add3A_279 = arith.addi %add3A_278, %iota3A : vector<16xi32>
        tpu.vector_store_idx %arg19[%sub3A_274], %add3A_279 masked %le3A_262 : memref<4112xi32, #tpu.memory_space<vmem>>[vector<16xi32>], vector<16xi32>, vector<16xi1>
        %all_reduce_population_count3A_280 = tpu.all_reduce %le3A_262 {dim = 0 : i64, kind = #tpu.reduction_kind<sum>} : vector<16xi1> -> vector<16xi32>
        %add3A_281 = arith.addi %add3A_253, %all_reduce_population_count3A_280 : vector<16xi32>
        %mul3A_282 = arith.constant 4 : i32
        %mul3A_283 = arith.muli %scan3A_200, %mul3A_282 : i32
        %add3A_284 = arith.constant 3 : i32
        %add3A_285 = arith.addi %mul3A_283, %add3A_284 : i32
        %mul3A_286 = arith.constant 16 : i32
        %mul3A_287 = arith.muli %add3A_285, %mul3A_286 : i32
        %get3A_288 = arith.index_cast %mul3A_287 : i32 to index
        %get3A_289 = tpu.vector_load %arg17[%get3A_288] {strides = array<i32>} : memref<4096xf32, #tpu.memory_space<vmem>>, vector<16xf32>,
        %le3A_290 = arith.cmpf ole, %get3A_289, %broadcast_in_dim3A_93 : vector<16xf32>
        %jit3A_291 = arith.constant 1 : i32
        %jit3A_292 = arith.constant 0 : i32
        %broadcast_in_dim3A_293 = vector.broadcast %jit3A_291 : i32 to vector<16xi32>
        %broadcast_in_dim3A_294 = vector.broadcast %jit3A_292 : i32 to vector<16xi32>
        %select_n3A_295 = arith.select %le3A_290, %broadcast_in_dim3A_293, %broadcast_in_dim3A_294 : vector<16xi1>, vector<16xi32>
        %broadcast_in_dim3A_296 = arith.constant true
        %broadcast_in_dim3A_297 = vector.broadcast %broadcast_in_dim3A_296 : i1 to vector<16xi1>
        %masked_cumsum3A_298 = tpu.scan <sum>, %select_n3A_295 masked %broadcast_in_dim3A_297 : vector<16xi32>, vector<16xi1> -> vector<16xi32>
        %add3A_299 = arith.addi %add3A_281, %masked_cumsum3A_298 : vector<16xi32>
        %sub3A_300 = arith.constant 1 : i32
        %sub3A_301 = vector.broadcast %sub3A_300 : i32 to vector<16xi32>
        %sub3A_302 = arith.subi %add3A_299, %sub3A_301 : vector<16xi32>
        tpu.vector_store_idx %arg18[%sub3A_302], %get3A_289 masked %le3A_290 : memref<4112xf32, #tpu.memory_space<vmem>>[vector<16xi32>], vector<16xf32>, vector<16xi1>
        %mul3A_303 = arith.constant 16 : i32
        %mul3A_304 = arith.muli %add3A_285, %mul3A_303 : i32
        %add3A_305 = arith.addi %multiple_of3A_21, %mul3A_304 : i32
        %add3A_306 = vector.broadcast %add3A_305 : i32 to vector<16xi32>
        %add3A_307 = arith.addi %add3A_306, %iota3A : vector<16xi32>
        tpu.vector_store_idx %arg19[%sub3A_302], %add3A_307 masked %le3A_290 : memref<4112xi32, #tpu.memory_space<vmem>>[vector<16xi32>], vector<16xi32>, vector<16xi1>
        %all_reduce_population_count3A_308 = tpu.all_reduce %le3A_290 {dim = 0 : i64, kind = #tpu.reduction_kind<sum>} : vector<16xi1> -> vector<16xi32>
        %add3A_309 = arith.addi %add3A_281, %all_reduce_population_count3A_308 : vector<16xi32>
        scf.yield %add3A_309 : vector<16xi32>
      }
      %scan3A_101 = arith.constant 64 : i32
      %slice3A = vector.extract_strided_slice %scan3A_100 {offsets = [0], sizes = [1], strides = [1]} : vector<16xi32> to vector<1xi32>
      %squeeze3A = vector.extract %slice3A[0] : i32 from vector<1xi32>
      %swap3A = arith.index_cast %squeeze3A : i32 to index
      %swap3A_102 = tpu.vector_load %arg18[%swap3A] {strides = array<i32>} : memref<4112xf32, #tpu.memory_space<vmem>>, vector<16xf32>,
      tpu.vector_store %arg18[%swap3A], %broadcast_in_dim3A_24 {strides = array<i32>} : memref<4112xf32, #tpu.memory_space<vmem>>, vector<16xf32>,
      %add3A_103 = arith.constant 15 : i32
      %add3A_104 = arith.addi %squeeze3A, %add3A_103 : i32
      %jit3A_105 = arith.constant 16 : i32
      %div3A_106 = arith.divsi %add3A_104, %jit3A_105 : i32
      %sign3A_107 = arith.constant 0 : i32
      %sign3A_108 = arith.cmpi sgt, %add3A_104, %sign3A_107 : i32
      %sign3A_109 = arith.extui %sign3A_108 : i1 to i32
      %sign3A_110 = arith.constant 0 : i32
      %sign3A_111 = arith.cmpi slt, %add3A_104, %sign3A_110 : i32
      %sign3A_112 = arith.extui %sign3A_111 : i1 to i32
      %sign3A_113 = arith.subi %sign3A_109, %sign3A_112 : i32
      %sign3A_114 = arith.constant 0 : i32
      %sign3A_115 = arith.cmpi sgt, %jit3A_105, %sign3A_114 : i32
      %sign3A_116 = arith.extui %sign3A_115 : i1 to i32
      %sign3A_117 = arith.constant 0 : i32
      %sign3A_118 = arith.cmpi slt, %jit3A_105, %sign3A_117 : i32
      %sign3A_119 = arith.extui %sign3A_118 : i1 to i32
      %sign3A_120 = arith.subi %sign3A_116, %sign3A_119 : i32
      %ne3A_121 = arith.cmpi ne, %sign3A_113, %sign3A_120 : i32
      %rem3A_122 = arith.remsi %add3A_104, %jit3A_105 : i32
      %ne3A_123 = arith.constant 0 : i32
      %ne3A_124 = arith.cmpi ne, %rem3A_122, %ne3A_123 : i32
      %and3A_125 = arith.andi %ne3A_121, %ne3A_124 : i1
      %sub3A_126 = arith.constant 1 : i32
      %sub3A_127 = arith.subi %div3A_106, %sub3A_126 : i32
      %select_n3A_128 = arith.select %and3A_125, %sub3A_127, %div3A_106 : i32
      %broadcast_in_dim3A_129 = arith.constant 0 : i32
      %broadcast_in_dim3A_130 = vector.broadcast %broadcast_in_dim3A_129 : i32 to vector<16xi32>
      %while3A = arith.constant 0 : i32
      %while3A_131 = arith.subi %select_n3A_128, %while3A : i32
      %while3A_132 = arith.addi %while3A, %while3A_131 : i32
      %while3A_133 = arith.constant 1 : i32
      %while3A_134 = arith.divsi %while3A_131, %while3A_133 : i32
      %while3A_135 = arith.muli %while3A_134, %while3A_133 : i32
      %while3A_136 = arith.addi %while3A, %while3A_135 : i32
      %while3A_137 = arith.constant 1 : i32
      %while3A_138:4 = scf.for %while3A_200 = %while3A to %while3A_136 step %while3A_137 iter_args(%while3A_201 = %broadcast_in_dim3A_24, %while3A_202 = %broadcast_in_dim3A_130, %while3A_203 = %broadcast_in_dim3A_24, %while3A_204 = %broadcast_in_dim3A_130) -> (vector<16xf32>, vector<16xi32>, vector<16xf32>, vector<16xi32>)  : i32 {
        %mul3A_205 = arith.constant 16 : i32
        %mul3A_206 = arith.muli %while3A_200, %mul3A_205 : i32
        %get3A = arith.index_cast %mul3A_206 : i32 to index
        %get3A_207 = tpu.vector_load %arg18[%get3A] {strides = array<i32>} : memref<4112xf32, #tpu.memory_space<vmem>>, vector<16xf32>,
        %mul3A_208 = arith.constant 16 : i32
        %mul3A_209 = arith.muli %while3A_200, %mul3A_208 : i32
        %get3A_210 = arith.index_cast %mul3A_209 : i32 to index
        %get3A_211 = tpu.vector_load %arg19[%get3A_210] {strides = array<i32>} : memref<4112xi32, #tpu.memory_space<vmem>>, vector<16xi32>,
        %masked_sort3A = arith.constant dense<true> : vector<16xi1>
        %masked_sort3A_212, %masked_sort3A_213, %masked_sort3A_214 = tpu.sort %get3A_207, %get3A_211 masked %masked_sort3A : (vector<16xf32>, vector<16xi32>, vector<16xi1>) -> (vector<16xi1>, vector<16xf32>, vector<16xi32>)
        %rev3A = arith.constant 15 : i32
        %rev3A_215 = vector.broadcast %rev3A : i32 to vector<16xi32>
        %rev3A_216 = tpu.iota {dimensions = array<i32: 0>} : vector<16xi32>
        %rev3A_217 = arith.subi %rev3A_215, %rev3A_216 : vector<16xi32>
        %rev3A_218 = tpu.dynamic_gather %masked_sort3A_213[%rev3A_217] in [0] : vector<16xf32>, vector<16xi32> -> vector<16xf32>
        %rev3A_219 = arith.constant 15 : i32
        %rev3A_220 = vector.broadcast %rev3A_219 : i32 to vector<16xi32>
        %rev3A_221 = tpu.iota {dimensions = array<i32: 0>} : vector<16xi32>
        %rev3A_222 = arith.subi %rev3A_220, %rev3A_221 : vector<16xi32>
        %rev3A_223 = tpu.dynamic_gather %masked_sort3A_214[%rev3A_222] in [0] : vector<16xi32>, vector<16xi32> -> vector<16xi32>
        %le3A = arith.cmpf ole, %while3A_203, %rev3A_218 : vector<16xf32>
        %select_n3A_224 = arith.select %le3A, %while3A_203, %rev3A_218 : vector<16xi1>, vector<16xf32>
        %select_n3A_225 = arith.select %le3A, %while3A_204, %rev3A_223 : vector<16xi1>, vector<16xi32>
        %masked_sort3A_226 = arith.constant dense<true> : vector<16xi1>
        %masked_sort3A_227, %masked_sort3A_228, %masked_sort3A_229 = tpu.sort %select_n3A_224, %select_n3A_225 masked %masked_sort3A_226 : (vector<16xf32>, vector<16xi32>, vector<16xi1>) -> (vector<16xi1>, vector<16xf32>, vector<16xi32>)
        %rev3A_230 = arith.constant 15 : i32
        %rev3A_231 = vector.broadcast %rev3A_230 : i32 to vector<16xi32>
        %rev3A_232 = tpu.iota {dimensions = array<i32: 0>} : vector<16xi32>
        %rev3A_233 = arith.subi %rev3A_231, %rev3A_232 : vector<16xi32>
        %rev3A_234 = tpu.dynamic_gather %masked_sort3A_228[%rev3A_233] in [0] : vector<16xf32>, vector<16xi32> -> vector<16xf32>
        %rev3A_235 = arith.constant 15 : i32
        %rev3A_236 = vector.broadcast %rev3A_235 : i32 to vector<16xi32>
        %rev3A_237 = tpu.iota {dimensions = array<i32: 0>} : vector<16xi32>
        %rev3A_238 = arith.subi %rev3A_236, %rev3A_237 : vector<16xi32>
        %rev3A_239 = tpu.dynamic_gather %masked_sort3A_229[%rev3A_238] in [0] : vector<16xi32>, vector<16xi32> -> vector<16xi32>
        %le3A_240 = arith.cmpf ole, %while3A_201, %rev3A_234 : vector<16xf32>
        %select_n3A_241 = arith.select %le3A_240, %while3A_201, %rev3A_234 : vector<16xi1>, vector<16xf32>
        %select_n3A_242 = arith.select %le3A_240, %while3A_202, %rev3A_239 : vector<16xi1>, vector<16xi32>
        %select_n3A_243 = arith.select %le3A_240, %rev3A_234, %while3A_201 : vector<16xi1>, vector<16xf32>
        %select_n3A_244 = arith.select %le3A_240, %rev3A_239, %while3A_202 : vector<16xi1>, vector<16xi32>
        %masked_sort3A_245 = arith.constant dense<true> : vector<16xi1>
        %masked_sort3A_246, %masked_sort3A_247, %masked_sort3A_248 = tpu.sort %select_n3A_241, %select_n3A_242 masked %masked_sort3A_245 : (vector<16xf32>, vector<16xi32>, vector<16xi1>) -> (vector<16xi1>, vector<16xf32>, vector<16xi32>)
        %masked_sort3A_249 = arith.constant dense<true> : vector<16xi1>
        %masked_sort3A_250, %masked_sort3A_251, %masked_sort3A_252 = tpu.sort %select_n3A_243, %select_n3A_244 masked %masked_sort3A_249 : (vector<16xf32>, vector<16xi32>, vector<16xi1>) -> (vector<16xi1>, vector<16xf32>, vector<16xi32>)
        scf.yield %masked_sort3A_247, %masked_sort3A_248, %masked_sort3A_251, %masked_sort3A_252 : vector<16xf32>, vector<16xi32>, vector<16xf32>, vector<16xi32>
      }
      %while3A_139 = arith.constant 1 : i32
      %while3A_140:4 = scf.for %while3A_200 = %while3A_136 to %while3A_132 step %while3A_139 iter_args(%while3A_201 = %while3A_138#0, %while3A_202 = %while3A_138#1, %while3A_203 = %while3A_138#2, %while3A_204 = %while3A_138#3) -> (vector<16xf32>, vector<16xi32>, vector<16xf32>, vector<16xi32>)  : i32 {
        %mul3A_205 = arith.constant 16 : i32
        %mul3A_206 = arith.muli %while3A_200, %mul3A_205 : i32
        %get3A = arith.index_cast %mul3A_206 : i32 to index
        %get3A_207 = tpu.vector_load %arg18[%get3A] {strides = array<i32>} : memref<4112xf32, #tpu.memory_space<vmem>>, vector<16xf32>,
        %mul3A_208 = arith.constant 16 : i32
        %mul3A_209 = arith.muli %while3A_200, %mul3A_208 : i32
        %get3A_210 = arith.index_cast %mul3A_209 : i32 to index
        %get3A_211 = tpu.vector_load %arg19[%get3A_210] {strides = array<i32>} : memref<4112xi32, #tpu.memory_space<vmem>>, vector<16xi32>,
        %masked_sort3A = arith.constant dense<true> : vector<16xi1>
        %masked_sort3A_212, %masked_sort3A_213, %masked_sort3A_214 = tpu.sort %get3A_207, %get3A_211 masked %masked_sort3A : (vector<16xf32>, vector<16xi32>, vector<16xi1>) -> (vector<16xi1>, vector<16xf32>, vector<16xi32>)
        %rev3A = arith.constant 15 : i32
        %rev3A_215 = vector.broadcast %rev3A : i32 to vector<16xi32>
        %rev3A_216 = tpu.iota {dimensions = array<i32: 0>} : vector<16xi32>
        %rev3A_217 = arith.subi %rev3A_215, %rev3A_216 : vector<16xi32>
        %rev3A_218 = tpu.dynamic_gather %masked_sort3A_213[%rev3A_217] in [0] : vector<16xf32>, vector<16xi32> -> vector<16xf32>
        %rev3A_219 = arith.constant 15 : i32
        %rev3A_220 = vector.broadcast %rev3A_219 : i32 to vector<16xi32>
        %rev3A_221 = tpu.iota {dimensions = array<i32: 0>} : vector<16xi32>
        %rev3A_222 = arith.subi %rev3A_220, %rev3A_221 : vector<16xi32>
        %rev3A_223 = tpu.dynamic_gather %masked_sort3A_214[%rev3A_222] in [0] : vector<16xi32>, vector<16xi32> -> vector<16xi32>
        %le3A = arith.cmpf ole, %while3A_203, %rev3A_218 : vector<16xf32>
        %select_n3A_224 = arith.select %le3A, %while3A_203, %rev3A_218 : vector<16xi1>, vector<16xf32>
        %select_n3A_225 = arith.select %le3A, %while3A_204, %rev3A_223 : vector<16xi1>, vector<16xi32>
        %masked_sort3A_226 = arith.constant dense<true> : vector<16xi1>
        %masked_sort3A_227, %masked_sort3A_228, %masked_sort3A_229 = tpu.sort %select_n3A_224, %select_n3A_225 masked %masked_sort3A_226 : (vector<16xf32>, vector<16xi32>, vector<16xi1>) -> (vector<16xi1>, vector<16xf32>, vector<16xi32>)
        %rev3A_230 = arith.constant 15 : i32
        %rev3A_231 = vector.broadcast %rev3A_230 : i32 to vector<16xi32>
        %rev3A_232 = tpu.iota {dimensions = array<i32: 0>} : vector<16xi32>
        %rev3A_233 = arith.subi %rev3A_231, %rev3A_232 : vector<16xi32>
        %rev3A_234 = tpu.dynamic_gather %masked_sort3A_228[%rev3A_233] in [0] : vector<16xf32>, vector<16xi32> -> vector<16xf32>
        %rev3A_235 = arith.constant 15 : i32
        %rev3A_236 = vector.broadcast %rev3A_235 : i32 to vector<16xi32>
        %rev3A_237 = tpu.iota {dimensions = array<i32: 0>} : vector<16xi32>
        %rev3A_238 = arith.subi %rev3A_236, %rev3A_237 : vector<16xi32>
        %rev3A_239 = tpu.dynamic_gather %masked_sort3A_229[%rev3A_238] in [0] : vector<16xi32>, vector<16xi32> -> vector<16xi32>
        %le3A_240 = arith.cmpf ole, %while3A_201, %rev3A_234 : vector<16xf32>
        %select_n3A_241 = arith.select %le3A_240, %while3A_201, %rev3A_234 : vector<16xi1>, vector<16xf32>
        %select_n3A_242 = arith.select %le3A_240, %while3A_202, %rev3A_239 : vector<16xi1>, vector<16xi32>
        %select_n3A_243 = arith.select %le3A_240, %rev3A_234, %while3A_201 : vector<16xi1>, vector<16xf32>
        %select_n3A_244 = arith.select %le3A_240, %rev3A_239, %while3A_202 : vector<16xi1>, vector<16xi32>
        %masked_sort3A_245 = arith.constant dense<true> : vector<16xi1>
        %masked_sort3A_246, %masked_sort3A_247, %masked_sort3A_248 = tpu.sort %select_n3A_241, %select_n3A_242 masked %masked_sort3A_245 : (vector<16xf32>, vector<16xi32>, vector<16xi1>) -> (vector<16xi1>, vector<16xf32>, vector<16xi32>)
        %masked_sort3A_249 = arith.constant dense<true> : vector<16xi1>
        %masked_sort3A_250, %masked_sort3A_251, %masked_sort3A_252 = tpu.sort %select_n3A_243, %select_n3A_244 masked %masked_sort3A_249 : (vector<16xf32>, vector<16xi32>, vector<16xi1>) -> (vector<16xi1>, vector<16xf32>, vector<16xi32>)
        scf.yield %masked_sort3A_247, %masked_sort3A_248, %masked_sort3A_251, %masked_sort3A_252 : vector<16xf32>, vector<16xi32>, vector<16xf32>, vector<16xi32>
      }
      %mul3A_141 = arith.constant 32 : i32
      %mul3A_142 = arith.muli %sub3A_75, %mul3A_141 : i32
      %swap3A_143 = arith.index_cast %mul3A_142 : i32 to index
      %swap3A_144 = tpu.vector_load %arg20[%swap3A_143] {strides = array<i32>} : memref<2048xi32, #tpu.memory_space<vmem>>, vector<16xi32>,
      tpu.vector_store %arg20[%swap3A_143], %while3A_140#1 {strides = array<i32>} : memref<2048xi32, #tpu.memory_space<vmem>>, vector<16xi32>,
      %mul3A_145 = arith.constant 32 : i32
      %mul3A_146 = arith.muli %sub3A_75, %mul3A_145 : i32
      %add3A_147 = arith.constant 16 : i32
      %add3A_148 = arith.addi %mul3A_146, %add3A_147 : i32
      %swap3A_149 = arith.index_cast %add3A_148 : i32 to index
      %swap3A_150 = tpu.vector_load %arg20[%swap3A_149] {strides = array<i32>} : memref<2048xi32, #tpu.memory_space<vmem>>, vector<16xi32>,
      tpu.vector_store %arg20[%swap3A_149], %while3A_140#3 {strides = array<i32>} : memref<2048xi32, #tpu.memory_space<vmem>>, vector<16xi32>,
      %mul3A_151 = arith.constant 32 : i32
      %mul3A_152 = arith.muli %sub3A_75, %mul3A_151 : i32
      %mul3A_153 = arith.constant 16 : i32
      %mul3A_154 = arith.muli %mul3A_152, %mul3A_153 : i32
      %add3A_155 = arith.constant 0 : i32
      %add3A_156 = arith.addi %mul3A_154, %add3A_155 : i32
      %mul3A_157 = arith.constant 16 : i32
      %mul3A_158 = vector.broadcast %mul3A_157 : i32 to vector<16xi32>
      %mul3A_159 = arith.muli %iota3A, %mul3A_158 : vector<16xi32>
      %add3A_160 = vector.broadcast %add3A_156 : i32 to vector<16xi32>
      %add3A_161 = arith.addi %add3A_160, %mul3A_159 : vector<16xi32>
      %gather3A_162 = tpu.vector_load_idx %arg10[%while3A_140#1] : memref<8192xf32, #tpu.memory_space<vmem>>[vector<16xi32>], vector<16xf32>,
      %sub3A_163 = arith.subf %gather3A, %gather3A_162 : vector<16xf32>
      tpu.vector_store_idx %arg21[%add3A_161], %sub3A_163 : memref<32768xf32, #tpu.memory_space<vmem>>[vector<16xi32>], vector<16xf32>,
      %add3A_164 = arith.constant 1 : i32
      %add3A_165 = vector.broadcast %add3A_164 : i32 to vector<16xi32>
      %add3A_166 = arith.addi %add3A_161, %add3A_165 : vector<16xi32>
      %gather3A_167 = tpu.vector_load_idx %arg11[%while3A_140#1] : memref<8192xf32, #tpu.memory_space<vmem>>[vector<16xi32>], vector<16xf32>,
      %sub3A_168 = arith.subf %gather3A_78, %gather3A_167 : vector<16xf32>
      tpu.vector_store_idx %arg21[%add3A_166], %sub3A_168 : memref<32768xf32, #tpu.memory_space<vmem>>[vector<16xi32>], vector<16xf32>,
      %add3A_169 = arith.constant 2 : i32
      %add3A_170 = vector.broadcast %add3A_169 : i32 to vector<16xi32>
      %add3A_171 = arith.addi %add3A_161, %add3A_170 : vector<16xi32>
      %gather3A_172 = tpu.vector_load_idx %arg12[%while3A_140#1] : memref<8192xf32, #tpu.memory_space<vmem>>[vector<16xi32>], vector<16xf32>,
      %sub3A_173 = arith.subf %gather3A_79, %gather3A_172 : vector<16xf32>
      tpu.vector_store_idx %arg21[%add3A_171], %sub3A_173 : memref<32768xf32, #tpu.memory_space<vmem>>[vector<16xi32>], vector<16xf32>,
      %mul3A_174 = arith.constant 32 : i32
      %mul3A_175 = arith.muli %sub3A_75, %mul3A_174 : i32
      %mul3A_176 = arith.constant 16 : i32
      %mul3A_177 = arith.muli %mul3A_175, %mul3A_176 : i32
      %add3A_178 = arith.constant 256 : i32
      %add3A_179 = arith.addi %mul3A_177, %add3A_178 : i32
      %mul3A_180 = arith.constant 16 : i32
      %mul3A_181 = vector.broadcast %mul3A_180 : i32 to vector<16xi32>
      %mul3A_182 = arith.muli %iota3A, %mul3A_181 : vector<16xi32>
      %add3A_183 = vector.broadcast %add3A_179 : i32 to vector<16xi32>
      %add3A_184 = arith.addi %add3A_183, %mul3A_182 : vector<16xi32>
      %gather3A_185 = tpu.vector_load_idx %arg10[%while3A_140#3] : memref<8192xf32, #tpu.memory_space<vmem>>[vector<16xi32>], vector<16xf32>,
      %sub3A_186 = arith.subf %gather3A, %gather3A_185 : vector<16xf32>
      tpu.vector_store_idx %arg21[%add3A_184], %sub3A_186 : memref<32768xf32, #tpu.memory_space<vmem>>[vector<16xi32>], vector<16xf32>,
      %add3A_187 = arith.constant 1 : i32
      %add3A_188 = vector.broadcast %add3A_187 : i32 to vector<16xi32>
      %add3A_189 = arith.addi %add3A_184, %add3A_188 : vector<16xi32>
      %gather3A_190 = tpu.vector_load_idx %arg11[%while3A_140#3] : memref<8192xf32, #tpu.memory_space<vmem>>[vector<16xi32>], vector<16xf32>,
      %sub3A_191 = arith.subf %gather3A_78, %gather3A_190 : vector<16xf32>
      tpu.vector_store_idx %arg21[%add3A_189], %sub3A_191 : memref<32768xf32, #tpu.memory_space<vmem>>[vector<16xi32>], vector<16xf32>,
      %add3A_192 = arith.constant 2 : i32
      %add3A_193 = vector.broadcast %add3A_192 : i32 to vector<16xi32>
      %add3A_194 = arith.addi %add3A_184, %add3A_193 : vector<16xi32>
      %gather3A_195 = tpu.vector_load_idx %arg12[%while3A_140#3] : memref<8192xf32, #tpu.memory_space<vmem>>[vector<16xi32>], vector<16xf32>,
      %sub3A_196 = arith.subf %gather3A_79, %gather3A_195 : vector<16xf32>
      tpu.vector_store_idx %arg21[%add3A_194], %sub3A_196 : memref<32768xf32, #tpu.memory_space<vmem>>[vector<16xi32>], vector<16xf32>,
      %eq3A = arith.constant 63 : i32
      %eq3A_197 = arith.cmpi eq, %sub3A_75, %eq3A : i32
      %convert_element_type3A = arith.extui %eq3A_197 : i1 to i32
      %cond3A = arith.constant 0 : i32
      %cond3A_198 = arith.cmpi ne, %convert_element_type3A, %cond3A : i32
      scf.if %cond3A_198 {
        %mul3A_200 = arith.constant 64 : i32
        %mul3A_201 = arith.muli %select_n3A_72, %mul3A_200 : i32
        %add3A_202 = arith.addi %multiple_of3A, %mul3A_201 : i32
        %multiple_of3A_203 = tpu.assume_multiple %add3A_202, 8 : i32
        %mul3A_204 = arith.constant 32 : i32
        %mul3A_205 = arith.muli %multiple_of3A_203, %mul3A_204 : i32
        "tpu.region"() ({
          %run_scoped3A = tpu.sem_alloc : memref<!tpu.dma_semaphore, #tpu.memory_space<semaphore_mem>>
          %dma_start3A = tpu.memref_slice %arg8[%mul3A_205] : memref<262144xi32, #tpu.memory_space<hbm>> -> memref<2048xi32, #tpu.memory_space<hbm>>
          %dma_start3A_210 = tpu.memref_slice %arg8[%mul3A_205] : memref<262144xi32, #tpu.memory_space<hbm>> -> memref<2048xi32, #tpu.memory_space<hbm>>
          tpu.enqueue_dma source(%arg20 : memref<2048xi32, #tpu.memory_space<vmem>>) target(%dma_start3A_210 : memref<2048xi32, #tpu.memory_space<hbm>>) target_semaphore(%run_scoped3A : memref<!tpu.dma_semaphore, #tpu.memory_space<semaphore_mem>>)
          %dma_wait3A = tpu.memref_slice %arg8[%mul3A_205] : memref<262144xi32, #tpu.memory_space<hbm>> -> memref<2048xi32, #tpu.memory_space<hbm>>
          %dma_wait3A_211 = tpu.memref_slice %arg8[%mul3A_205] : memref<262144xi32, #tpu.memory_space<hbm>> -> memref<2048xi32, #tpu.memory_space<hbm>>
          tpu.wait_dma2 semaphore(%run_scoped3A : memref<!tpu.dma_semaphore, #tpu.memory_space<semaphore_mem>>) src(%arg20 : memref<2048xi32, #tpu.memory_space<vmem>>) dst(%dma_wait3A_211 : memref<2048xi32, #tpu.memory_space<hbm>>)
          tpu.yield
        }) : () -> ()
        %mul3A_206 = arith.constant 32 : i32
        %mul3A_207 = arith.muli %multiple_of3A_203, %mul3A_206 : i32
        %mul3A_208 = arith.constant 16 : i32
        %mul3A_209 = arith.muli %mul3A_207, %mul3A_208 : i32
        "tpu.region"() ({
          %run_scoped3A = tpu.sem_alloc : memref<!tpu.dma_semaphore, #tpu.memory_space<semaphore_mem>>
          %dma_start3A = tpu.memref_slice %arg9[%mul3A_209] : memref<4194304xf32, #tpu.memory_space<hbm>> -> memref<32768xf32, #tpu.memory_space<hbm>>
          %dma_start3A_210 = tpu.memref_slice %arg9[%mul3A_209] : memref<4194304xf32, #tpu.memory_space<hbm>> -> memref<32768xf32, #tpu.memory_space<hbm>>
          tpu.enqueue_dma source(%arg21 : memref<32768xf32, #tpu.memory_space<vmem>>) target(%dma_start3A_210 : memref<32768xf32, #tpu.memory_space<hbm>>) target_semaphore(%run_scoped3A : memref<!tpu.dma_semaphore, #tpu.memory_space<semaphore_mem>>)
          %dma_wait3A = tpu.memref_slice %arg9[%mul3A_209] : memref<4194304xf32, #tpu.memory_space<hbm>> -> memref<32768xf32, #tpu.memory_space<hbm>>
          %dma_wait3A_211 = tpu.memref_slice %arg9[%mul3A_209] : memref<4194304xf32, #tpu.memory_space<hbm>> -> memref<32768xf32, #tpu.memory_space<hbm>>
          tpu.wait_dma2 semaphore(%run_scoped3A : memref<!tpu.dma_semaphore, #tpu.memory_space<semaphore_mem>>) src(%arg21 : memref<32768xf32, #tpu.memory_space<vmem>>) dst(%dma_wait3A_211 : memref<32768xf32, #tpu.memory_space<hbm>>)
          tpu.yield
        }) : () -> ()
      } else {
      }
      %scan3A_199 = arith.constant 0 : i32
      scf.yield %scan3A_199 : i32
    }
    %scan3A_46 = arith.constant 256 : i32
    return
  }
}

module attributes {stable_mosaic.version = 14 : i64} {
  func.func @_qkv_body(%arg0: i32, %arg1: memref<256x512xf32, #tpu.memory_space<vmem>>, %arg2: memref<512x512xf32, #tpu.memory_space<vmem>>, %arg3: memref<1x512xf32, #tpu.memory_space<vmem>>, %arg4: memref<512x512xf32, #tpu.memory_space<vmem>>, %arg5: memref<1x512xf32, #tpu.memory_space<vmem>>, %arg6: memref<512x512xf32, #tpu.memory_space<vmem>>, %arg7: memref<1x512xf32, #tpu.memory_space<vmem>>, %arg8: memref<256x512xf32, #tpu.memory_space<vmem>>, %arg9: memref<256x512xf32, #tpu.memory_space<vmem>>, %arg10: memref<256x512xf32, #tpu.memory_space<vmem>>) attributes {dimension_semantics = [#tpu.dimension_semantics<arbitrary>], iteration_bounds = array<i64: 32>, scalar_prefetch = 0 : i64, scratch_operands = 0 : i64, tpu.core_type = #tpu.core_type<tc>, window_params = [{transform_indices = @transform_0, window_bounds = array<i64: 256, 512>}, {pipeline_mode = #tpu.pipeline_mode<synchronous>, transform_indices = @transform_1, window_bounds = array<i64: 512, 512>}, {pipeline_mode = #tpu.pipeline_mode<synchronous>, transform_indices = @transform_2, window_bounds = array<i64: 1, 512>}, {pipeline_mode = #tpu.pipeline_mode<synchronous>, transform_indices = @transform_3, window_bounds = array<i64: 512, 512>}, {pipeline_mode = #tpu.pipeline_mode<synchronous>, transform_indices = @transform_4, window_bounds = array<i64: 1, 512>}, {pipeline_mode = #tpu.pipeline_mode<synchronous>, transform_indices = @transform_5, window_bounds = array<i64: 512, 512>}, {pipeline_mode = #tpu.pipeline_mode<synchronous>, transform_indices = @transform_6, window_bounds = array<i64: 1, 512>}, {transform_indices = @transform_7, window_bounds = array<i64: 256, 512>}, {transform_indices = @transform_8, window_bounds = array<i64: 256, 512>}, {transform_indices = @transform_9, window_bounds = array<i64: 256, 512>}]} {
    %get3A = arith.constant 0 : index
    %get3A_0 = arith.constant 0 : index
    %get3A_1 = vector.load %arg1[%get3A, %get3A_0] : memref<256x512xf32, #tpu.memory_space<vmem>>, vector<256x512xf32>
    %get3A_2 = arith.constant 0 : index
    %get3A_3 = arith.constant 0 : index
    %get3A_4 = vector.load %arg2[%get3A_2, %get3A_3] : memref<512x512xf32, #tpu.memory_space<vmem>>, vector<512x512xf32>
    %dot_general3A = arith.constant dense<0.000000e+00> : vector<256x512xf32>
    %dot_general3A_5 = tpu.matmul %get3A_1, %get3A_4, %dot_general3A {dimension_numbers = #tpu.dot_dimension_numbers<[1], [0], [0], [1], [0, 0, 1, 1], [], []>, transpose_lhs_hint = false} : vector<256x512xf32>, vector<512x512xf32>, vector<256x512xf32> -> vector<256x512xf32>
    %get3A_6 = arith.constant 0 : index
    %get3A_7 = arith.constant 0 : index
    %get3A_8 = vector.load %arg3[%get3A_6, %get3A_7] : memref<1x512xf32, #tpu.memory_space<vmem>>, vector<1x512xf32>
    %add3A = vector.broadcast %get3A_8 : vector<1x512xf32> to vector<256x512xf32>
    %add3A_9 = arith.addf %dot_general3A_5, %add3A : vector<256x512xf32>
    %swap3A = arith.constant 0 : index
    %swap3A_10 = arith.constant 0 : index
    %swap3A_11 = vector.load %arg8[%swap3A, %swap3A_10] : memref<256x512xf32, #tpu.memory_space<vmem>>, vector<256x512xf32>
    tpu.vector_store %arg8[%swap3A, %swap3A_10], %add3A_9 {strides = array<i32>} : memref<256x512xf32, #tpu.memory_space<vmem>>, vector<256x512xf32>,
    %get3A_12 = arith.constant 0 : index
    %get3A_13 = arith.constant 0 : index
    %get3A_14 = vector.load %arg4[%get3A_12, %get3A_13] : memref<512x512xf32, #tpu.memory_space<vmem>>, vector<512x512xf32>
    %dot_general3A_15 = arith.constant dense<0.000000e+00> : vector<256x512xf32>
    %dot_general3A_16 = tpu.matmul %get3A_1, %get3A_14, %dot_general3A_15 {dimension_numbers = #tpu.dot_dimension_numbers<[1], [0], [0], [1], [0, 0, 1, 1], [], []>, transpose_lhs_hint = false} : vector<256x512xf32>, vector<512x512xf32>, vector<256x512xf32> -> vector<256x512xf32>
    %get3A_17 = arith.constant 0 : index
    %get3A_18 = arith.constant 0 : index
    %get3A_19 = vector.load %arg5[%get3A_17, %get3A_18] : memref<1x512xf32, #tpu.memory_space<vmem>>, vector<1x512xf32>
    %add3A_20 = vector.broadcast %get3A_19 : vector<1x512xf32> to vector<256x512xf32>
    %add3A_21 = arith.addf %dot_general3A_16, %add3A_20 : vector<256x512xf32>
    %swap3A_22 = arith.constant 0 : index
    %swap3A_23 = arith.constant 0 : index
    %swap3A_24 = vector.load %arg9[%swap3A_22, %swap3A_23] : memref<256x512xf32, #tpu.memory_space<vmem>>, vector<256x512xf32>
    tpu.vector_store %arg9[%swap3A_22, %swap3A_23], %add3A_21 {strides = array<i32>} : memref<256x512xf32, #tpu.memory_space<vmem>>, vector<256x512xf32>,
    %get3A_25 = arith.constant 0 : index
    %get3A_26 = arith.constant 0 : index
    %get3A_27 = vector.load %arg6[%get3A_25, %get3A_26] : memref<512x512xf32, #tpu.memory_space<vmem>>, vector<512x512xf32>
    %dot_general3A_28 = arith.constant dense<0.000000e+00> : vector<256x512xf32>
    %dot_general3A_29 = tpu.matmul %get3A_1, %get3A_27, %dot_general3A_28 {dimension_numbers = #tpu.dot_dimension_numbers<[1], [0], [0], [1], [0, 0, 1, 1], [], []>, transpose_lhs_hint = false} : vector<256x512xf32>, vector<512x512xf32>, vector<256x512xf32> -> vector<256x512xf32>
    %get3A_30 = arith.constant 0 : index
    %get3A_31 = arith.constant 0 : index
    %get3A_32 = vector.load %arg7[%get3A_30, %get3A_31] : memref<1x512xf32, #tpu.memory_space<vmem>>, vector<1x512xf32>
    %add3A_33 = vector.broadcast %get3A_32 : vector<1x512xf32> to vector<256x512xf32>
    %add3A_34 = arith.addf %dot_general3A_29, %add3A_33 : vector<256x512xf32>
    %swap3A_35 = arith.constant 0 : index
    %swap3A_36 = arith.constant 0 : index
    %swap3A_37 = vector.load %arg10[%swap3A_35, %swap3A_36] : memref<256x512xf32, #tpu.memory_space<vmem>>, vector<256x512xf32>
    tpu.vector_store %arg10[%swap3A_35, %swap3A_36], %add3A_34 {strides = array<i32>} : memref<256x512xf32, #tpu.memory_space<vmem>>, vector<256x512xf32>,
    return
  }
  func.func @transform_0(%arg0: i32) -> (i32, i32) {
    %c0_i32 = arith.constant 0 : i32
    %c0_i32_0 = arith.constant 0 : i32
    return %arg0, %c0_i32 : i32, i32
  }
  func.func @transform_1(%arg0: i32) -> (i32, i32) {
    %c0_i32 = arith.constant 0 : i32
    %c0_i32_0 = arith.constant 0 : i32
    %c0_i32_1 = arith.constant 0 : i32
    return %c0_i32, %c0_i32_0 : i32, i32
  }
  func.func @transform_2(%arg0: i32) -> (i32, i32) {
    %c0_i32 = arith.constant 0 : i32
    %c0_i32_0 = arith.constant 0 : i32
    %c0_i32_1 = arith.constant 0 : i32
    return %c0_i32, %c0_i32_0 : i32, i32
  }
  func.func @transform_3(%arg0: i32) -> (i32, i32) {
    %c0_i32 = arith.constant 0 : i32
    %c0_i32_0 = arith.constant 0 : i32
    %c0_i32_1 = arith.constant 0 : i32
    return %c0_i32, %c0_i32_0 : i32, i32
  }
  func.func @transform_4(%arg0: i32) -> (i32, i32) {
    %c0_i32 = arith.constant 0 : i32
    %c0_i32_0 = arith.constant 0 : i32
    %c0_i32_1 = arith.constant 0 : i32
    return %c0_i32, %c0_i32_0 : i32, i32
  }
  func.func @transform_5(%arg0: i32) -> (i32, i32) {
    %c0_i32 = arith.constant 0 : i32
    %c0_i32_0 = arith.constant 0 : i32
    %c0_i32_1 = arith.constant 0 : i32
    return %c0_i32, %c0_i32_0 : i32, i32
  }
  func.func @transform_6(%arg0: i32) -> (i32, i32) {
    %c0_i32 = arith.constant 0 : i32
    %c0_i32_0 = arith.constant 0 : i32
    %c0_i32_1 = arith.constant 0 : i32
    return %c0_i32, %c0_i32_0 : i32, i32
  }
  func.func @transform_7(%arg0: i32) -> (i32, i32) {
    %c0_i32 = arith.constant 0 : i32
    %c0_i32_0 = arith.constant 0 : i32
    return %arg0, %c0_i32 : i32, i32
  }
  func.func @transform_8(%arg0: i32) -> (i32, i32) {
    %c0_i32 = arith.constant 0 : i32
    %c0_i32_0 = arith.constant 0 : i32
    return %arg0, %c0_i32 : i32, i32
  }
  func.func @transform_9(%arg0: i32) -> (i32, i32) {
    %c0_i32 = arith.constant 0 : i32
    %c0_i32_0 = arith.constant 0 : i32
    return %arg0, %c0_i32 : i32, i32
  }
}

module attributes {stable_mosaic.version = 14 : i64} {
  func.func @_bias_body(%arg0: i32, %arg1: memref<4096x16xf32, #tpu.memory_space<vmem>>, %arg2: memref<16x32xf32, #tpu.memory_space<vmem>>, %arg3: memref<1x32xf32, #tpu.memory_space<vmem>>, %arg4: memref<32x16xf32, #tpu.memory_space<vmem>>, %arg5: memref<1x16xf32, #tpu.memory_space<vmem>>, %arg6: memref<4096x16xf32, #tpu.memory_space<vmem>>) attributes {dimension_semantics = [#tpu.dimension_semantics<arbitrary>], iteration_bounds = array<i64: 64>, scalar_prefetch = 0 : i64, scratch_operands = 0 : i64, tpu.core_type = #tpu.core_type<tc>, window_params = [{transform_indices = @transform_0, window_bounds = array<i64: 4096, 16>}, {pipeline_mode = #tpu.pipeline_mode<synchronous>, transform_indices = @transform_1, window_bounds = array<i64: 16, 32>}, {pipeline_mode = #tpu.pipeline_mode<synchronous>, transform_indices = @transform_2, window_bounds = array<i64: 1, 32>}, {pipeline_mode = #tpu.pipeline_mode<synchronous>, transform_indices = @transform_3, window_bounds = array<i64: 32, 16>}, {pipeline_mode = #tpu.pipeline_mode<synchronous>, transform_indices = @transform_4, window_bounds = array<i64: 1, 16>}, {transform_indices = @transform_5, window_bounds = array<i64: 4096, 16>}]} {
    %get3A = arith.constant 0 : index
    %get3A_0 = arith.constant 0 : index
    %get3A_1 = vector.load %arg1[%get3A, %get3A_0] : memref<4096x16xf32, #tpu.memory_space<vmem>>, vector<4096x16xf32>
    %get3A_2 = arith.constant 0 : index
    %get3A_3 = arith.constant 0 : index
    %get3A_4 = vector.load %arg2[%get3A_2, %get3A_3] : memref<16x32xf32, #tpu.memory_space<vmem>>, vector<16x32xf32>
    %dot_general3A = arith.constant dense<0.000000e+00> : vector<4096x32xf32>
    %dot_general3A_5 = tpu.matmul %get3A_1, %get3A_4, %dot_general3A {dimension_numbers = #tpu.dot_dimension_numbers<[1], [0], [0], [1], [0, 0, 1, 1], [], []>, transpose_lhs_hint = false} : vector<4096x16xf32>, vector<16x32xf32>, vector<4096x32xf32> -> vector<4096x32xf32>
    %get3A_6 = arith.constant 0 : index
    %get3A_7 = arith.constant 0 : index
    %get3A_8 = vector.load %arg3[%get3A_6, %get3A_7] : memref<1x32xf32, #tpu.memory_space<vmem>>, vector<1x32xf32>
    %add3A = vector.broadcast %get3A_8 : vector<1x32xf32> to vector<4096x32xf32>
    %add3A_9 = arith.addf %dot_general3A_5, %add3A : vector<4096x32xf32>
    %max3A = arith.constant 0.000000e+00 : f32
    %max3A_10 = vector.broadcast %max3A : f32 to vector<4096x32xf32>
    %max3A_11 = arith.maximumf %add3A_9, %max3A_10 : vector<4096x32xf32>
    %get3A_12 = arith.constant 0 : index
    %get3A_13 = arith.constant 0 : index
    %get3A_14 = vector.load %arg4[%get3A_12, %get3A_13] : memref<32x16xf32, #tpu.memory_space<vmem>>, vector<32x16xf32>
    %dot_general3A_15 = arith.constant dense<0.000000e+00> : vector<4096x16xf32>
    %dot_general3A_16 = tpu.matmul %max3A_11, %get3A_14, %dot_general3A_15 {dimension_numbers = #tpu.dot_dimension_numbers<[1], [0], [0], [1], [0, 0, 1, 1], [], []>, transpose_lhs_hint = false} : vector<4096x32xf32>, vector<32x16xf32>, vector<4096x16xf32> -> vector<4096x16xf32>
    %get3A_17 = arith.constant 0 : index
    %get3A_18 = arith.constant 0 : index
    %get3A_19 = vector.load %arg5[%get3A_17, %get3A_18] : memref<1x16xf32, #tpu.memory_space<vmem>>, vector<1x16xf32>
    %add3A_20 = vector.broadcast %get3A_19 : vector<1x16xf32> to vector<4096x16xf32>
    %add3A_21 = arith.addf %dot_general3A_16, %add3A_20 : vector<4096x16xf32>
    %swap3A = arith.constant 0 : index
    %swap3A_22 = arith.constant 0 : index
    %swap3A_23 = vector.load %arg6[%swap3A, %swap3A_22] : memref<4096x16xf32, #tpu.memory_space<vmem>>, vector<4096x16xf32>
    tpu.vector_store %arg6[%swap3A, %swap3A_22], %add3A_21 {strides = array<i32>} : memref<4096x16xf32, #tpu.memory_space<vmem>>, vector<4096x16xf32>,
    return
  }
  func.func @transform_0(%arg0: i32) -> (i32, i32) {
    %c0_i32 = arith.constant 0 : i32
    %c0_i32_0 = arith.constant 0 : i32
    return %arg0, %c0_i32 : i32, i32
  }
  func.func @transform_1(%arg0: i32) -> (i32, i32) {
    %c0_i32 = arith.constant 0 : i32
    %c0_i32_0 = arith.constant 0 : i32
    %c0_i32_1 = arith.constant 0 : i32
    return %c0_i32, %c0_i32_0 : i32, i32
  }
  func.func @transform_2(%arg0: i32) -> (i32, i32) {
    %c0_i32 = arith.constant 0 : i32
    %c0_i32_0 = arith.constant 0 : i32
    %c0_i32_1 = arith.constant 0 : i32
    return %c0_i32, %c0_i32_0 : i32, i32
  }
  func.func @transform_3(%arg0: i32) -> (i32, i32) {
    %c0_i32 = arith.constant 0 : i32
    %c0_i32_0 = arith.constant 0 : i32
    %c0_i32_1 = arith.constant 0 : i32
    return %c0_i32, %c0_i32_0 : i32, i32
  }
  func.func @transform_4(%arg0: i32) -> (i32, i32) {
    %c0_i32 = arith.constant 0 : i32
    %c0_i32_0 = arith.constant 0 : i32
    %c0_i32_1 = arith.constant 0 : i32
    return %c0_i32, %c0_i32_0 : i32, i32
  }
  func.func @transform_5(%arg0: i32) -> (i32, i32) {
    %c0_i32 = arith.constant 0 : i32
    %c0_i32_0 = arith.constant 0 : i32
    return %arg0, %c0_i32 : i32, i32
  }
}

module attributes {stable_mosaic.version = 14 : i64} {
  func.func @_proj_body(%arg0: i32, %arg1: memref<256x512xf32, #tpu.memory_space<vmem>>, %arg2: memref<512x512xf32, #tpu.memory_space<vmem>>, %arg3: memref<1x512xf32, #tpu.memory_space<vmem>>, %arg4: memref<256x512xf32, #tpu.memory_space<vmem>>) attributes {dimension_semantics = [#tpu.dimension_semantics<arbitrary>], iteration_bounds = array<i64: 32>, scalar_prefetch = 0 : i64, scratch_operands = 0 : i64, tpu.core_type = #tpu.core_type<tc>, window_params = [{transform_indices = @transform_0, window_bounds = array<i64: 256, 512>}, {pipeline_mode = #tpu.pipeline_mode<synchronous>, transform_indices = @transform_1, window_bounds = array<i64: 512, 512>}, {pipeline_mode = #tpu.pipeline_mode<synchronous>, transform_indices = @transform_2, window_bounds = array<i64: 1, 512>}, {transform_indices = @transform_3, window_bounds = array<i64: 256, 512>}]} {
    %get3A = arith.constant 0 : index
    %get3A_0 = arith.constant 0 : index
    %get3A_1 = vector.load %arg1[%get3A, %get3A_0] : memref<256x512xf32, #tpu.memory_space<vmem>>, vector<256x512xf32>
    %get3A_2 = arith.constant 0 : index
    %get3A_3 = arith.constant 0 : index
    %get3A_4 = vector.load %arg2[%get3A_2, %get3A_3] : memref<512x512xf32, #tpu.memory_space<vmem>>, vector<512x512xf32>
    %dot_general3A = arith.constant dense<0.000000e+00> : vector<256x512xf32>
    %dot_general3A_5 = tpu.matmul %get3A_1, %get3A_4, %dot_general3A {dimension_numbers = #tpu.dot_dimension_numbers<[1], [0], [0], [1], [0, 0, 1, 1], [], []>, transpose_lhs_hint = false} : vector<256x512xf32>, vector<512x512xf32>, vector<256x512xf32> -> vector<256x512xf32>
    %get3A_6 = arith.constant 0 : index
    %get3A_7 = arith.constant 0 : index
    %get3A_8 = vector.load %arg3[%get3A_6, %get3A_7] : memref<1x512xf32, #tpu.memory_space<vmem>>, vector<1x512xf32>
    %add3A = vector.broadcast %get3A_8 : vector<1x512xf32> to vector<256x512xf32>
    %add3A_9 = arith.addf %dot_general3A_5, %add3A : vector<256x512xf32>
    %swap3A = arith.constant 0 : index
    %swap3A_10 = arith.constant 0 : index
    %swap3A_11 = vector.load %arg4[%swap3A, %swap3A_10] : memref<256x512xf32, #tpu.memory_space<vmem>>, vector<256x512xf32>
    tpu.vector_store %arg4[%swap3A, %swap3A_10], %add3A_9 {strides = array<i32>} : memref<256x512xf32, #tpu.memory_space<vmem>>, vector<256x512xf32>,
    return
  }
  func.func @transform_0(%arg0: i32) -> (i32, i32) {
    %c0_i32 = arith.constant 0 : i32
    %c0_i32_0 = arith.constant 0 : i32
    return %arg0, %c0_i32 : i32, i32
  }
  func.func @transform_1(%arg0: i32) -> (i32, i32) {
    %c0_i32 = arith.constant 0 : i32
    %c0_i32_0 = arith.constant 0 : i32
    %c0_i32_1 = arith.constant 0 : i32
    return %c0_i32, %c0_i32_0 : i32, i32
  }
  func.func @transform_2(%arg0: i32) -> (i32, i32) {
    %c0_i32 = arith.constant 0 : i32
    %c0_i32_0 = arith.constant 0 : i32
    %c0_i32_1 = arith.constant 0 : i32
    return %c0_i32, %c0_i32_0 : i32, i32
  }
  func.func @transform_3(%arg0: i32) -> (i32, i32) {
    %c0_i32 = arith.constant 0 : i32
    %c0_i32_0 = arith.constant 0 : i32
    return %arg0, %c0_i32 : i32, i32
  }
}

</mosaic_0001>

<sc_bundles>
// kernel: kernel.10.cloned.1.call-start
scs
__scs_entry_jumppad:
0x0: {  	(pc) =	sbr.rel $0x88, $3  }
0x1: {  	(tag) =	ssettag $0x0;
	lr =	simm.s32 $0x1  }
0x2: {  	[smem:$0x3F93] =	sst lr;
	_ =	strace $0xD0000000  }
0x3: {  	_ = 	snop  }
0x4: {  	_ = 	snop  }
0x5: {  	_ = 	snop  }
0x6: {  	_ = 	snop  }
0x7: {  	_ = 	snop  }
__scs_overlays_trampoline_lowered:
0x8: {  	[smem:$0x3FA2] =	sst s0  }
0x9: {  	[smem:$0x3FA3] =	sst s1  }
0xa: {  	[smem:$0x3FA4] =	sst s2  }
0xb: {  	[smem:$0x3FA5] =	sst s3  }
0xc: {  	[smem:$0x3FA6] =	sst s4  }
0xd: {  	[smem:$0x3FA7] =	sst s5  }
0xe: {  	[smem:$0x3FA8] =	sst s6  }
0xf: {  	[smem:$0x3FA9] =	sst s7  }
0x10: {  	[smem:$0x3FAA] =	sst s8  }
0x11: {  	[smem:$0x3FAB] =	sst s9;
	s0 =	simm.s32 @!p0 $0x0  }
0x12: {  	s1 =	sld [smem:$0x3F91];
	s0 =	simm.s32 @p0 $0x1  }
0x13: {  	[smem:$0x3FAC] =	sst s0;
	s0 =	simm.s32 @!p1 $0x0  }
0x14: {  	s2 =	sld [smem:$0x3F90];
	s0 =	simm.s32 @p1 $0x1  }
0x15: {  	[smem:$0x3FAD] =	sst s0;
	s0 =	simm.s32 @!p2 $0x0  }
0x16: {  	s3 =	sld [smem:$0x3FDB];
	s0 =	simm.s32 @p2 $0x1  }
0x17: {  	s4 =	simm.s32 $0x1BF5;
	[smem:$0x3FAF] =	sst s0  }
0x18: {  	s0 =	sld [smem:$0x3F92];
	_ =	swait.ge [sflag:s4], $0x0  }
0x19: {  	s7 =	sld [smem:$0x3F93]  }
0x1a: {  	s8 =	sadd.s32 $0xFFFFE003, lr  }
0x1b: {  	s9 =	sadd.s32 $0xFFFFFEF7, lr;
	s5 =	simm.s32 $0xFFFFFFFF;
	p2 =	slt.u32 s8, $0xFFFFF086  }
0x1c: {  	p1 =	slt.u32 s9, $0xF7A;
	s5 =	simm.s32 @!p2 $0x0  }
0x1d: {  	s5 =	simm.s32 @p1 $0x1;
	p0 =	seq.s32 s7, s2  }
0x1e: {  	s7 =	smul.u32 @!p0 $0xF7A, s2;
	p2 =	seq.s32 @!p0 s5, $0x0  }
0x1f: {  	s9 =	smul.u32 $0xF7A, s1;
	s8 =	simm.s32 @!p0 $0x1BF5;
	p2 =	por !p2, p0  }
0x20: {  	[sflag:s8] =	ssyncset.s32 @!p0 $0xFFFFF086;
	s6 =	sadd.s32 @!p0 s3, s7;
	s7 =	simm.s32 @!p0 $0x108  }
0x21: {  	s3 =	sadd.s32 s3, s9;
	s6 =	sadd.s32 @!p0 $0x88, s6;
	s7 =	simm.s32 @p2 $0x1082  }
0x22: {  	[simem:s7], [sflag:s8] =	dma.local @!p0 [hbm:s6], $0xF7A  }
0x23: {  	s9 =	sor.u32 $0xD0000000, s2;
	s6 =	simm.s32 $0x108;
	_ =	swait.ge @!p0 [sflag:s8], $0x0  }
0x24: {  	s3 =	sadd.s32 $0x88, s3;
	s6 =	simm.s32 @!p1 $0x1082;
	[sflag:s4] =	ssyncset.s32 $0xFFFFF086  }
0x25: {  	[simem:s6], [sflag:s4] =	dma.local [hbm:s3], $0xF7A  }
0x26: {  	[smem:$0x3F93] =	sst s1;
	(tag) =	ssettag s2;
	_ =	strace s9  }
0x27: {  	s1 =	sld [smem:$0x3FA3]  }
0x28: {  	s2 =	sld [smem:$0x3FA4]  }
0x29: {  	s4 =	sld [smem:$0x3FA6]  }
0x2a: {  	p0 =	seq.s32 s5, $0x0;
	s5 =	sld [smem:$0x3FA7]  }
0x2b: {  	s6 =	sld [smem:$0x3FA8]  }
0x2c: {  	s7 =	sld [smem:$0x3FA9]  }
0x2d: {  	s3 =	simm.s32 $0x108;
	s8 =	sld [smem:$0x3FAA]  }
0x2e: {  	s3 =	simm.s32 @!p0 $0x1082;
	s9 =	sld [smem:$0x3FAB]  }
0x2f: {  	lr =	sadd.s32 s0, s3;
	s0 =	sld [smem:$0x3FA2]  }
0x30: {  	s3 =	sld [smem:$0x3FA5]  }
0x31: {  	[smem:$0x3FAE] =	sst s10  }
0x32: {  	s10 =	sld [smem:$0x3FAC];
	_ =	sdelay $0x3  }
0x33: {  	p0 =	seq.s32 s10, $0x1;
	s10 =	sld [smem:$0x3FAE];
	_ =	sdelay $0x3  }
0x34: {  	[smem:$0x3FAE] =	sst s10  }
0x35: {  	s10 =	sld [smem:$0x3FAD];
	_ =	sdelay $0x3  }
0x36: {  	p1 =	seq.s32 s10, $0x1;
	s10 =	sld [smem:$0x3FAE];
	_ =	sdelay $0x3  }
0x37: {  	[smem:$0x3FAE] =	sst s10  }
0x38: {  	s10 =	sld [smem:$0x3FAF]  }
0x39: {  	_ = 	snop;
	(pc) =	sbr.ind lr, $3  }
0x3a: {  	_ = 	snop  }
0x3b: {  	_ = 	snop  }
0x3c: {  	p2 =	seq.s32 s10, $0x1;
	s10 =	sld [smem:$0x3FAE]  }
0x3d: {  	_ =	shalt  }
0x3e: {  	_ =	shalt  }
0x3f: {  	_ =	shalt  }
0x40: {  	_ =	shalt  }
0x41: {  	_ =	shalt  }
0x42: {  	_ =	shalt  }
0x43: {  	_ =	shalt  }
0x44: {  	_ =	shalt  }
0x45: {  	_ =	shalt  }
0x46: {  	_ =	shalt  }
0x47: {  	_ =	shalt  }
0x48: {  	_ =	shalt  }
0x49: {  	_ =	shalt  }
0x4a: {  	_ =	shalt  }
0x4b: {  	_ =	shalt  }
0x4c: {  	_ =	shalt  }
0x4d: {  	_ =	shalt  }
0x4e: {  	_ =	shalt  }
0x4f: {  	_ =	shalt  }
0x50: {  	_ =	shalt  }
0x51: {  	_ =	shalt  }
0x52: {  	_ =	shalt  }
0x53: {  	_ =	shalt  }
0x54: {  	_ =	shalt  }
0x55: {  	_ =	shalt  }
0x56: {  	_ =	shalt  }
0x57: {  	_ =	shalt  }
0x58: {  	_ =	shalt  }
0x59: {  	_ =	shalt  }
0x5a: {  	_ =	shalt  }
0x5b: {  	_ =	shalt  }
0x5c: {  	_ =	shalt  }
0x5d: {  	_ =	shalt  }
0x5e: {  	_ =	shalt  }
0x5f: {  	_ =	shalt  }
0x60: {  	_ =	shalt  }
0x61: {  	_ =	shalt  }
0x62: {  	_ =	shalt  }
0x63: {  	_ =	shalt  }
0x64: {  	_ =	shalt  }
0x65: {  	_ =	shalt  }
0x66: {  	_ =	shalt  }
0x67: {  	_ =	shalt  }
0x68: {  	_ =	shalt  }
0x69: {  	_ =	shalt  }
0x6a: {  	_ =	shalt  }
0x6b: {  	_ =	shalt  }
0x6c: {  	_ =	shalt  }
0x6d: {  	_ =	shalt  }
0x6e: {  	_ =	shalt  }
0x6f: {  	_ =	shalt  }
0x70: {  	_ =	shalt  }
0x71: {  	_ =	shalt  }
0x72: {  	_ =	shalt  }
0x73: {  	_ =	shalt  }
0x74: {  	_ =	shalt  }
0x75: {  	_ =	shalt  }
0x76: {  	_ =	shalt  }
0x77: {  	_ =	shalt  }
0x78: {  	_ =	shalt  }
0x79: {  	_ =	shalt  }
0x7a: {  	_ =	shalt  }
0x7b: {  	_ =	shalt  }
0x7c: {  	_ =	shalt  }
0x7d: {  	_ =	shalt  }
0x7e: {  	_ =	shalt  }
0x7f: {  	_ =	shalt  }
0x80: {  	_ =	shalt  }
0x81: {  	_ =	shalt  }
0x82: {  	_ =	shalt  }
0x83: {  	_ =	shalt  }
0x84: {  	_ =	shalt  }
0x85: {  	_ =	shalt  }
0x86: {  	_ =	shalt  }
0x87: {  	_ =	shalt  }
.Lfunc_end0:
.L_simem_size_0:
called_computation.1_lowered:
.L_overlay_start_0:
0x88: {  	s2 =	sld [smem:$0x3FD9]  }
0x89: {  	s3 =	sld [smem:$0x3FFE];
	_ =	sdelay $0x1  }
0x8a: {  	s1 =	srdreg.scid  }
0x8b: {  	s0 =	sand.u32 $0x1, s1  }
0x8c: {  	s17 =	sshll.u32 s0, $0xA;
	s2 =	sadd.s32 s3, s2  }
0x8d: {  	s2 =	sadd.s32 s2, s17  }
0x8e: {  	[smem:$0x3FBA] =	sst s2  }
0x8f: {  	_ = 	snop  }
0x90: {  	s2 =	sld [smem:$0x3FD0];
	(tm) =	ssettm $0x1  }
0x91: {  	s18 =	sld [smem:$0x3FFB];
	_ =	sdelay $0x3  }
0x92: {  	_ =	strace s18  }
0x93: {  	s3 =	sld [smem:$0x3FFC];
	_ =	sdelay $0x3  }
0x94: {  	_ =	strace s3  }
0x95: {  	s3 =	sld [smem:$0x3FFD];
	_ =	sdelay $0x3  }
0x96: {  	_ =	strace s3  }
0x97: {  	_ =	strace $0x8FFFFFFF  }
0x98: {  	s19 =	sld [smem:$0x3FDB];
	_ =	sdelay $0x1  }
0x99: {  	s4 =	simm.s32 $_scs_section_size  }
0x9a: {  	s5 =	simm.s32 $_size__tile_overlayer_lowered;
	s6 =	simm.s32 $_tile_overlayer_lowered  }
0x9b: {  	s22 =	simm.s32 $0x1BFF;
	s21 =	sshll.u32 s6, $0x1;
	s3 =	sadd.s32 s4, s19  }
0x9c: {  	s7 =	simm.s32 $0x0;
	s20 =	sshll.u32 s5, $0x1;
	s5 =	sadd.s32 s21, s3  }
0x9d: {  	[timem:s7], [sflag:s22] =	dma.local [hbm:s5], s20  }
0x9e: {  	_ =	swait.ge [sflag:s22], s20  }
0x9f: {  	s4 =	ssub.s32 $0x0, s20;
	[sflag:s22] =	ssyncset.done $0x0  }
0xa0: {  	[sflag:s22] =	ssyncadd.s32 s4;
	_ =	sdelay $0x1  }
0xa1: {  	s23 =	simm.s32 $0x1B8B  }
0xa2: {  	_ =	swait.ge [sflag:s23], $0x1  }
0xa3: {  	[sflag:s23] =	ssyncset.done $0x0  }
0xa4: {  	s25 =	simm.s32 $0x1B8E;
	s24 =	sld [smem:$0x3FFE];
	[sflag:s23] =	ssyncadd.s32 $0xFFFFFFFF  }
0xa5: {  	s26 =	simm.s32 $execute0_lowered;
	[smem:$0x3FD2] =	sst s25  }
0xa6: {  	s5 =	sshll.u32 s26, $0x1;
	_ =	strace $0x80000049;
	[dreg:$0x1] =	wrdreg $0xFFFFFFFF  }
0xa7: {  	s28 =	simm.s32 $_size_execute0_lowered;
	s3 =	sadd.s32 s3, s5;
	[dreg:$0x0] =	wrdreg $0x0  }
0xa8: {  	s5 =	sshll.u32 s28, $0x1;
	[dreg:$0x2] =	wrdreg s3  }
0xa9: {  	[dreg:$0x3] =	wrdreg s5  }
0xaa: {  	[dreg:$0x4] =	wrdreg $0xC0  }
0xab: {  	_ =	task [dreg:s7], $0x5FFFF  }
0xac: {  	[dreg:$0x1] =	wrdreg $0xFFFFFFFF  }
0xad: {  	[dreg:$0x0] =	wrdreg $0x60  }
0xae: {  	[dreg:$0x2] =	wrdreg s24  }
0xaf: {  	[dreg:$0x3] =	wrdreg s2  }
0xb0: {  	[dreg:$0x4] =	wrdreg $0x9  }
0xb1: {  	_ =	task.clear_ibuf [dreg:s7], $0x5FFFF;
	_ =	strace $0x90000049  }
0xb2: {  	s29 =	simm.s32 $0x9;
	_ =	strace $0x8000004B  }
0xb3: {  	_ =	swait.ge [sflag:s29], $0x1  }
0xb4: {  	[sflag:s29] =	ssyncadd.s32 $0xFFFFFFFF  }
0xb5: {  	_ =	strace $0x9000004B  }
0xb6: {  	_ =	sfence  }
0xb7: {  	s30 =	sld [smem:$0x0];
	_ =	sdelay $0x2  }
0xb8: {  	s31 =	sshll.u32 s1, $0xD;
	s1 =	sshrl.u32 s1, $0x2  }
0xb9: {  	s3 =	sand.u32 $0x4000, s31;
	s1 =	sadd.s32 s1, s30  }
0xba: {  	s0 =	sor.u32 s3, s0;
	s1 =	sshll.u32 s1, $0x11  }
0xbb: {  	s0 =	sor.u32 s1, s0  }
0xbc: {  	s0 =	sadd.s32 $0x8F2B, s0  }
0xbd: {  	[sflag:s0] =	ssyncadd.remote.s32 $0x1  }
0xbe: {  	_ =	sfence.sel $0xFFFF  }
0xbf: {  	[dreg:$0x0] =	wrdreg $0xFFFFFFFF;
	(pc) =	sbr.abs _section_cstart, $3  }
0xc0: {  	[dreg:$0x1] =	wrdreg $0xFFFFFFFF  }
0xc1: {  	_ =	task.clear_ibuf [dreg:s7], $0x2FFFF;
	_ =	strace $0x9FFFFFFF  }
0xc2: {  	(tm) =	ssettm $0x7FFFFFFF  }
0xc3: {  	_ =	shalt  }
tec
execute0_lowered:
.L_overlay_start_1:
0x0: {  	(tag) =	ssettag $0x1  }
0x1: {  	s0 =	rddreg [dreg:$0x0]  }
0x2: {  	s2 =	rddreg [dreg:$0x1]  }
0x3: {  	s1 =	srdreg.scid;
	s4 =	simm.s32 $0x0;
	s3 =	stileid.u32  }
0x4: {  	s13 =	simm.s32 $0x3;
	s23 =	simm.s32 $0x6800;
	s24 =	simm.s32 $0x7000  }
0x5: {  	s25 =	simm.s32 $0x7800;
	s28 =	simm.s32 $0x8800;
	s29 =	simm.s32 $0x9000  }
0x6: {  	s30 =	simm.s32 $0x9800;
	s31 =	simm.s32 $0x80;
	s12 =	simm.s32 $0xA400  }
0x7: {  	s15 =	simm.s32 $0x0;
	s1 =	sand.u32 $0x1, s1;
	[smem:$0x7FF] =	sst s4  }
0x8: {  	s3 =	sshll.u32 s3, $0x9;
	s4 =	sadd.s32 $0x10CE00, s0;
	s6 =	sadd.s32 $0x8CE00, s0  }
0x9: {  	s7 =	sadd.s32 $0x3400, s0;
	s8 =	sadd.s32 $0x18CE00, s0;
	s10 =	sadd.s32 $0x100, s2  }
0xa: {  	s11 =	sadd.s32 $0x8CF00, s0;
	s5 =	sshll.u32 s1, $0x8;
	s1 =	ssub.s32 $0x2, s1  }
0xb: {  	v0 =	vlaneseq.u32;
	_ =	strace $0x8000004A;
	s5 =	sor.u32 s5, s3;
	s9 =	sshrl.u32 s1, $0x1  }
0xc: {  	v1 =	vand.u32 $0x7, v0;
	v63 =	vshrl.u32 v0, $0x3;
	s3 =	sshll.u32 s5, $0x2;
	s1 =	ssub.s32 s1, s9;
	s9 =	simm.s32 $0x2  }
0xd: {  	v0 =	vor.u32 $0x8, v0;
	[tilespmem:$0x1FFD0] =	vst v1;
	v1 =	vmul.u32 $0x8, v63;
	s3 =	sadd.s32 s3, s0;
	s26 =	smax.u32 s1, $0x1;
	s0 =	simm.s32 $0x400  }
0xe: {  	[tilespmem:$0x1FFF0] =	vst v0;
	s1 =	simm.s32 $0xA200;
	s3 =	sadd.s32 $0x84C00, s3;
	[dreg:$0x4] =	wrdreg s26  }
0xf: {  	vm0 =	vmmov $0xffff;
	[tilespmem:$0x1FFE0] =	vst v1;
	s26 =	simm.s32 $0x8000;
	[dreg:$0x3] =	wrdreg s3;
	s3 =	simm.s32 $0x1  }
.LBB2_1:
0x10: {  	[dreg:$0x5] =	wrdreg s15  }
0x11: {  	s14 =	simm.s32 $0x0;
	s22 =	rddreg [dreg:$0x3]  }
0x12: {  	[tilespmem:s14], [sflag:$0x3] =	stream.linear.gather [hbm4b:s22+s14], $0x2000, $0x38;
	[tilespmem:$0xA600] =	vst v63  }
0x13: {  	_ =	swait.ge [sflag:s13], $0x2000  }
0x14: {  	[sflag:s13] =	ssyncset.done $0x0  }
0x15: {  	s14 =	simm.s32 $0x0;
	[sflag:s13] =	ssyncadd.s32 $0xFFFFE000  }
.LBB2_2:
0x16: {  	s15 =	sshll.u32 s14, $0x5  }
0x17: {  	s15 =	sand.u32 $0x3FFFFFE0, s15  }
0x18: {  	v0 =	vld [tilespmem:s15+$0x0];
	_ =	sdelay $0x2  }
0x19: {  	v2 =	vld [tilespmem:$0x1FFD0];
	_ =	sdelay $0x1  }
0x1a: {  	v3 =	vld [tilespmem:$0x1FFE0];
	v1 =	vshll.u32 v0, $0x2  }
0x1b: {  	v0 =	vand.u32 $0x7, v0;
	v1 =	vand.u32 $0xFFFFFFE0, v1  }
0x1c: {  	v4 =	vld [tilespmem:$0x1FFF0];
	v0 =	vor.u32 v0, v1  }
0x1d: {  	v1 =	vperm.xlane v0, v2;
	_ =	sdelay $0x1  }
0x1e: {  	v1 =	vadd.s32 v3, v1;
	_ =	sdelay $0x1  }
0x1f: {  	v0 =	vperm.xlane v0, v4;
	_ =	sdelay $0x1  }
0x20: {  	s16 =	simm.s32 $0x0;
	s17 =	simm.s32 $0x2000;
	v0 =	vadd.s32 v3, v0  }
0x21: {  	[tilespmem:s17], [sflag:$0x1] =	stream.indirect_vreg.gather [hbm4b:s2+s16], $0x80, v1, vm0, $0xb8;
	[tilespmem:$0xA600] =	vst v63  }
0x22: {  	s21 =	simm.s32 $0x2800  }
0x23: {  	[tilespmem:s21], [sflag:$0x1] =	stream.indirect_vreg.gather [hbm4b:s10+s16], $0x80, v1, vm0, $0xb8;
	[tilespmem:$0xA600] =	vst v63  }
0x24: {  	s22 =	simm.s32 $0x3000  }
0x25: {  	[tilespmem:s22], [sflag:$0x1] =	stream.indirect_vreg.gather [hbm4b:s2+s16], $0x80, v0, vm0, $0xb8;
	[tilespmem:$0xA600] =	vst v63  }
0x26: {  	s18 =	simm.s32 $0x3800  }
0x27: {  	[tilespmem:s18], [sflag:$0x1] =	stream.indirect_vreg.gather [hbm4b:s10+s16], $0x80, v0, vm0, $0xb8;
	[tilespmem:$0xA600] =	vst v63  }
0x28: {  	v0 =	vld [tilespmem:s15+$0x10];
	_ =	sdelay $0x4  }
0x29: {  	v1 =	vshll.u32 v0, $0x2  }
0x2a: {  	v0 =	vand.u32 $0x7, v0;
	v1 =	vand.u32 $0xFFFFFFE0, v1  }
0x2b: {  	v0 =	vor.u32 v0, v1  }
0x2c: {  	v1 =	vperm.xlane v0, v2;
	_ =	sdelay $0x1  }
0x2d: {  	v1 =	vadd.s32 v3, v1;
	_ =	sdelay $0x1  }
0x2e: {  	v0 =	vperm.xlane v0, v4;
	_ =	sdelay $0x1  }
0x2f: {  	s19 =	simm.s32 $0x4000;
	v0 =	vadd.s32 v3, v0  }
0x30: {  	[tilespmem:s19], [sflag:$0x1] =	stream.indirect_vreg.gather [hbm4b:s2+s16], $0x80, v1, vm0, $0xb8;
	[tilespmem:$0xA600] =	vst v63  }
0x31: {  	s20 =	simm.s32 $0x4800  }
0x32: {  	[tilespmem:s20], [sflag:$0x1] =	stream.indirect_vreg.gather [hbm4b:s10+s16], $0x80, v1, vm0, $0xb8;
	[tilespmem:$0xA600] =	vst v63  }
0x33: {  	s21 =	simm.s32 $0x5000  }
0x34: {  	[tilespmem:s21], [sflag:$0x1] =	stream.indirect_vreg.gather [hbm4b:s2+s16], $0x80, v0, vm0, $0xb8;
	[tilespmem:$0xA600] =	vst v63  }
0x35: {  	s22 =	simm.s32 $0x5800  }
0x36: {  	[tilespmem:s22], [sflag:$0x1] =	stream.indirect_vreg.gather [hbm4b:s10+s16], $0x80, v0, vm0, $0xb8;
	[tilespmem:$0xA600] =	vst v63  }
0x37: {  	v0 =	vld [tilespmem:s15+$0x0];
	_ =	sdelay $0x4  }
0x38: {  	v1 =	vshll.u32 v0, $0x2  }
0x39: {  	v0 =	vand.u32 $0x7, v0;
	v1 =	vand.u32 $0xFFFFFFE0, v1  }
0x3a: {  	v0 =	vor.u32 v0, v1  }
0x3b: {  	v1 =	vperm.xlane v0, v2;
	_ =	sdelay $0x1  }
0x3c: {  	v1 =	vadd.s32 v3, v1;
	_ =	sdelay $0x1  }
0x3d: {  	v0 =	vperm.xlane v0, v4;
	_ =	sdelay $0x1  }
0x3e: {  	s18 =	simm.s32 $0x6000;
	v0 =	vadd.s32 v3, v0  }
0x3f: {  	[tilespmem:s18], [sflag:$0x2] =	stream.indirect_vreg.gather [hbm4b:s6+s16], $0x80, v1, vm0, $0xb8;
	[tilespmem:$0xA600] =	vst v63  }
0x40: {  	_ = 	snop  }
0x41: {  	[tilespmem:s23], [sflag:$0x2] =	stream.indirect_vreg.gather [hbm4b:s11+s16], $0x80, v1, vm0, $0xb8;
	[tilespmem:$0xA600] =	vst v63  }
0x42: {  	_ = 	snop  }
0x43: {  	[tilespmem:s24], [sflag:$0x2] =	stream.indirect_vreg.gather [hbm4b:s6+s16], $0x80, v0, vm0, $0xb8;
	[tilespmem:$0xA600] =	vst v63  }
0x44: {  	_ = 	snop  }
0x45: {  	[tilespmem:s25], [sflag:$0x2] =	stream.indirect_vreg.gather [hbm4b:s11+s16], $0x80, v0, vm0, $0xb8;
	[tilespmem:$0xA600] =	vst v63  }
0x46: {  	v0 =	vld [tilespmem:s15+$0x10];
	_ =	sdelay $0x4  }
0x47: {  	v1 =	vshll.u32 v0, $0x2  }
0x48: {  	v0 =	vand.u32 $0x7, v0;
	v1 =	vand.u32 $0xFFFFFFE0, v1  }
0x49: {  	v0 =	vor.u32 v0, v1  }
0x4a: {  	v1 =	vperm.xlane v0, v2;
	_ =	sdelay $0x1  }
0x4b: {  	v1 =	vadd.s32 v3, v1;
	_ =	sdelay $0x1  }
0x4c: {  	v0 =	vperm.xlane v0, v4;
	_ =	sdelay $0x1  }
0x4d: {  	s19 =	sadd.s32 s5, s14;
	v0 =	vadd.s32 v3, v0  }
0x4e: {  	[tilespmem:s26], [sflag:$0x2] =	stream.indirect_vreg.gather [hbm4b:s6+s16], $0x80, v1, vm0, $0xb8;
	[tilespmem:$0xA600] =	vst v63  }
0x4f: {  	s20 =	sshll.u32 s14, $0x4;
	s15 =	sshll.u32 s19, $0x6  }
0x50: {  	[tilespmem:s28], [sflag:$0x2] =	stream.indirect_vreg.gather [hbm4b:s11+s16], $0x80, v1, vm0, $0xb8;
	[tilespmem:$0xA600] =	vst v63  }
0x51: {  	s17 =	sand.u32 $0x70, s20;
	s15 =	sand.u32 $0x7FE00, s15  }
0x52: {  	[tilespmem:s29], [sflag:$0x2] =	stream.indirect_vreg.gather [hbm4b:s6+s16], $0x80, v0, vm0, $0xb8;
	[tilespmem:$0xA600] =	vst v63  }
0x53: {  	s15 =	sor.u32 s17, s15  }
0x54: {  	[tilespmem:s30], [sflag:$0x2] =	stream.indirect_vreg.gather [hbm4b:s11+s16], $0x80, v0, vm0, $0xb8;
	[tilespmem:$0xA600] =	vst v63  }
0x55: {  	s18 =	simm.s32 $0xA000;
	s17 =	sadd.s32 s4, s15  }
0x56: {  	[tilespmem:s18], [sflag:$0x3] =	stream.strided.gather [hbm4b:s17+s31], $0x200, s0, s31, $0x38;
	[tilespmem:$0xA600] =	vst v63  }
0x57: {  	_ =	swait.ge [sflag:s13], $0x200  }
0x58: {  	[sflag:s13] =	ssyncset.done $0x0  }
0x59: {  	s21 =	sadd.s32 s7, s15;
	[sflag:s13] =	ssyncadd.s32 $0xFFFFFE00  }
0x5a: {  	[tilespmem:s1], [sflag:$0x3] =	stream.strided.gather [hbm4b:s21+s31], $0x200, s0, s31, $0x38;
	[tilespmem:$0xA600] =	vst v63  }
0x5b: {  	_ =	swait.ge [sflag:s13], $0x200  }
0x5c: {  	[sflag:s13] =	ssyncset.done $0x0  }
0x5d: {  	[sflag:s13] =	ssyncadd.s32 $0xFFFFFE00  }
0x5e: {  	_ =	swait.ge [sflag:s3], $0x4000  }
0x5f: {  	[sflag:s3] =	ssyncset.done $0x0  }
0x60: {  	s22 =	sand.u32 $0x70, s16;
	s19 =	sand.u32 $0xC00, s16;
	[sflag:s3] =	ssyncadd.s32 $0xFFFFC000  }
0x61: {  	s19 =	sor.u32 s22, s19;
	v3 =	vld [tilespmem:s18+$0x0]  }
0x62: {  	v0 =	vld [tilespmem:s19+$0x5380]  }
0x63: {  	v1 =	vld [tilespmem:s19+$0x2000]  }
0x64: {  	v2 =	vld [tilespmem:s19+$0x2080]  }
0x65: {  	v4 =	vld [tilespmem:s19+$0x2100]  }
0x66: {  	v5 =	vld [tilespmem:s19+$0x2180]  }
0x67: {  	v6 =	vld [tilespmem:s19+$0x2200]  }
0x68: {  	s16 =	sor.u32 s16, s16;
	v7 =	vld [tilespmem:s19+$0x2280]  }
0x69: {  	s16 =	sor.u32 $0x380, s16;
	v8 =	vld [tilespmem:s19+$0x2300]  }
0x6a: {  	v11 =	vld [tilespmem:s16+$0x2000]  }
0x6b: {  	v12 =	vld [tilespmem:s19+$0x3000]  }
0x6c: {  	v13 =	vld [tilespmem:s19+$0x3080]  }
0x6d: {  	v14 =	vld [tilespmem:s19+$0x3100]  }
0x6e: {  	v17 =	vld [tilespmem:s19+$0x3180]  }
0x6f: {  	v18 =	vld [tilespmem:s19+$0x3200];
	v0 =	vmul.f32 v0, v3;
	v1 =	vmul.f32 v1, v3  }
0x70: {  	v29 =	vimm.f32 $0.0e+00;
	v19 =	vld [tilespmem:s19+$0x3280];
	v2 =	vmul.f32 v2, v3  }
0x71: {  	v26 =	vld [tilespmem:s19+$0x3380];
	v9 =	vadd.f32 v0, v29;
	v0 =	vmul.f32 v4, v3;
	v15 =	vadd.f32 v1, v29  }
0x72: {  	v4 =	vld [tilespmem:s19+$0x3300];
	v1 =	vmul.f32 v5, v3;
	v5 =	vmul.f32 v6, v3;
	v20 =	vadd.f32 v2, v29  }
0x73: {  	v2 =	vld [tilespmem:s19+$0x4000];
	v6 =	vmul.f32 v12, v3;
	v21 =	vadd.f32 v0, v29;
	v0 =	vmul.f32 v7, v3  }
0x74: {  	v22 =	vadd.f32 v1, v29;
	v10 =	vadd.f32 v5, v29;
	v1 =	vmul.f32 v8, v3;
	v7 =	vld [tilespmem:s19+$0x4080]  }
0x75: {  	v8 =	vld [tilespmem:s19+$0x4100];
	v24 =	vadd.f32 v6, v29;
	v5 =	vadd.f32 v0, v29;
	v0 =	vmul.f32 v11, v3  }
0x76: {  	v16 =	vadd.f32 v1, v29;
	v1 =	vmul.f32 v13, v3;
	v11 =	vmul.f32 v14, v3;
	v13 =	vld [tilespmem:s19+$0x4180]  }
0x77: {  	v14 =	vld [tilespmem:s19+$0x4200];
	v4 =	vmul.f32 v4, v3;
	v23 =	vadd.f32 v0, v29;
	v0 =	vmul.f32 v17, v3  }
0x78: {  	v2 =	vmul.f32 v2, v3;
	v25 =	vadd.f32 v1, v29;
	v1 =	vmul.f32 v18, v3;
	v18 =	vld [tilespmem:s19+$0x4280]  }
0x79: {  	v27 =	vadd.f32 v4, v29;
	v4 =	vld [tilespmem:s19+$0x5000];
	v6 =	vadd.f32 v0, v29;
	v0 =	vmul.f32 v19, v3  }
0x7a: {  	v12 =	vadd.f32 v2, v29;
	v2 =	vld [tilespmem:s19+$0x5080];
	v17 =	vadd.f32 v1, v29;
	v1 =	vmul.f32 v26, v3  }
0x7b: {  	v19 =	vld [tilespmem:s19+$0x4300];
	v26 =	vadd.f32 v0, v29  }
0x7c: {  	v30 =	vld [tilespmem:s19+$0x4380];
	v0 =	vmul.f32 v7, v3;
	v28 =	vadd.f32 v1, v29;
	v1 =	vmul.f32 v8, v3  }
0x7d: {  	v32 =	vimm.f32 $0.0e+00;
	v11 =	vadd.f32 v11, v29;
	v8 =	vmul.f32 v14, v3  }
0x7e: {  	v7 =	vadd.f32 v0, v29;
	v0 =	vmul.f32 v13, v3;
	v13 =	vadd.f32 v1, v29  }
0x7f: {  	v34 =	vld [tilespmem:s19+$0x5100];
	v1 =	vmul.f32 v18, v3;
	v18 =	vadd.f32 v8, v29;
	v38 =	vmul.f32 v4, v3  }
0x80: {  	v33 =	vld [tilespmem:s19+$0x5180];
	v39 =	vmul.f32 v2, v3;
	v2 =	vimm.f32 $0.0e+00;
	v31 =	vmul.f32 v19, v3  }
0x81: {  	s17 =	simm.s32 $0x10;
	v35 =	vld [tilespmem:s19+$0x5200];
	v14 =	vadd.f32 v0, v29;
	v0 =	vmul.f32 v30, v3;
	v19 =	vadd.f32 v1, v29  }
0x82: {  	s21 =	sand.u32 $0x70, s17;
	v36 =	vld [tilespmem:s19+$0x5280];
	s16 =	simm.s32 $0x80;
	v30 =	vimm.f32 $0.0e+00;
	v1 =	vimm.f32 $0.0e+00;
	v8 =	vadd.f32 v31, v29  }
0x83: {  	s18 =	simm.s32 $0xA010;
	v37 =	vld [tilespmem:s19+$0x5300];
	s22 =	sand.u32 $0xC00, s16;
	s19 =	simm.s32 $0x20;
	v31 =	vimm.f32 $0.0e+00;
	v4 =	vadd.f32 v0, v29;
	v0 =	vimm.f32 $0.0e+00  }
.LBB2_3:
0x84: {  	p0 =	sne.s32 s19, $0x1F0;
	v40 =	vld [tilespmem:s18+$0x0];
	s20 =	sor.u32 s21, s22;
	s17 =	sor.u32 s16, s17;
	v29 =	vadd.f32 v38, v29;
	v34 =	vmul.f32 v34, v3  }
0x85: {  	s21 =	sor.u32 $0x380, s17;
	v38 =	vld [tilespmem:s20+$0x5380];
	v2 =	vadd.f32 v39, v2;
	v33 =	vmul.f32 v33, v3;
	s17 =	smov.u32 s19  }
0x86: {  	v39 =	vld [tilespmem:s20+$0x2000];
	v30 =	vadd.f32 v34, v30;
	v34 =	vmul.f32 v35, v3  }
0x87: {  	v35 =	vld [tilespmem:s20+$0x2080];
	v1 =	vadd.f32 v33, v1;
	v33 =	vmul.f32 v36, v3  }
0x88: {  	v36 =	vld [tilespmem:s20+$0x2100];
	v32 =	vadd.f32 v34, v32;
	v34 =	vmul.f32 v37, v3  }
0x89: {  	v37 =	vld [tilespmem:s20+$0x2180];
	v31 =	vadd.f32 v33, v31;
	v3 =	vmov v40  }
0x8a: {  	v33 =	vld [tilespmem:s20+$0x2200];
	v38 =	vmul.f32 v38, v3;
	v0 =	vadd.f32 v34, v0  }
0x8b: {  	v34 =	vmul.f32 v39, v3;
	v39 =	vld [tilespmem:s20+$0x2280]  }
0x8c: {  	v35 =	vmul.f32 v35, v3;
	v40 =	vld [tilespmem:s20+$0x2300];
	v9 =	vadd.f32 v38, v9  }
0x8d: {  	v15 =	vadd.f32 v34, v15;
	v34 =	vmul.f32 v36, v3;
	v36 =	vld [tilespmem:s21+$0x2000]  }
0x8e: {  	v20 =	vadd.f32 v35, v20;
	v35 =	vmul.f32 v37, v3;
	v37 =	vld [tilespmem:s20+$0x3000]  }
0x8f: {  	v21 =	vadd.f32 v34, v21;
	v33 =	vmul.f32 v33, v3;
	v34 =	vld [tilespmem:s20+$0x3080]  }
0x90: {  	v22 =	vadd.f32 v35, v22;
	v35 =	vmul.f32 v39, v3;
	v38 =	vld [tilespmem:s20+$0x3100]  }
0x91: {  	v10 =	vadd.f32 v33, v10;
	v33 =	vmul.f32 v40, v3;
	v39 =	vld [tilespmem:s20+$0x3180]  }
0x92: {  	v5 =	vadd.f32 v35, v5;
	v35 =	vmul.f32 v36, v3;
	v36 =	vld [tilespmem:s20+$0x3200]  }
0x93: {  	v16 =	vadd.f32 v33, v16;
	v33 =	vmul.f32 v37, v3;
	v37 =	vld [tilespmem:s20+$0x3280]  }
0x94: {  	v23 =	vadd.f32 v35, v23;
	v34 =	vmul.f32 v34, v3;
	v35 =	vld [tilespmem:s20+$0x3300]  }
0x95: {  	v24 =	vadd.f32 v33, v24;
	v33 =	vmul.f32 v38, v3;
	v38 =	vld [tilespmem:s20+$0x3380]  }
0x96: {  	v25 =	vadd.f32 v34, v25;
	v34 =	vmul.f32 v39, v3;
	v39 =	vld [tilespmem:s20+$0x4000]  }
0x97: {  	v11 =	vadd.f32 v33, v11;
	v33 =	vmul.f32 v36, v3;
	v36 =	vld [tilespmem:s20+$0x4080]  }
0x98: {  	v6 =	vadd.f32 v34, v6;
	v34 =	vmul.f32 v37, v3;
	v37 =	vld [tilespmem:s20+$0x4100]  }
0x99: {  	v17 =	vadd.f32 v33, v17;
	v33 =	vmul.f32 v35, v3;
	v35 =	vld [tilespmem:s20+$0x4180]  }
0x9a: {  	v26 =	vadd.f32 v34, v26;
	v34 =	vmul.f32 v38, v3;
	v38 =	vld [tilespmem:s20+$0x4200]  }
0x9b: {  	v27 =	vadd.f32 v33, v27;
	v33 =	vmul.f32 v39, v3;
	v39 =	vld [tilespmem:s20+$0x4280]  }
0x9c: {  	v28 =	vadd.f32 v34, v28;
	v34 =	vmul.f32 v36, v3;
	v36 =	vld [tilespmem:s20+$0x4300]  }
0x9d: {  	v12 =	vadd.f32 v33, v12;
	v33 =	vmul.f32 v37, v3;
	v37 =	vld [tilespmem:s20+$0x4380]  }
0x9e: {  	v7 =	vadd.f32 v34, v7;
	v34 =	vmul.f32 v35, v3;
	v40 =	vld [tilespmem:s20+$0x5000]  }
0x9f: {  	v13 =	vadd.f32 v33, v13;
	v33 =	vmul.f32 v38, v3;
	v41 =	vld [tilespmem:s20+$0x5080]  }
.Ltmp0:
0xa0: {  	v14 =	vadd.f32 v34, v14;
	v35 =	vmul.f32 v39, v3;
	v34 =	vld [tilespmem:s20+$0x5100];
	(pc) =	sbr.rel @p0 .LBB2_3-.Ltmp0, $4  }
0xa1: {  	v18 =	vadd.f32 v33, v18;
	v36 =	vmul.f32 v36, v3;
	v33 =	vld [tilespmem:s20+$0x5180]  }
0xa2: {  	v19 =	vadd.f32 v35, v19;
	v37 =	vmul.f32 v37, v3;
	v35 =	vld [tilespmem:s20+$0x5200]  }
0xa3: {  	s16 =	sadd.s32 $0x80, s16;
	s18 =	sadd.s32 $0x10, s18;
	v8 =	vadd.f32 v36, v8;
	v38 =	vmul.f32 v40, v3;
	v36 =	vld [tilespmem:s20+$0x5280]  }
0xa4: {  	s22 =	sand.u32 $0xC00, s16;
	s19 =	sadd.s32 $0x10, s19;
	s21 =	sand.u32 $0x70, s17;
	v4 =	vadd.f32 v37, v4;
	v39 =	vmul.f32 v41, v3;
	v37 =	vld [tilespmem:s20+$0x5300]  }
0xa5: {  	v40 =	vld [tilespmem:s18+$0x0];
	s22 =	sor.u32 s21, s22  }
0xa6: {  	v41 =	vld [tilespmem:s22+$0x5380]  }
0xa7: {  	v42 =	vld [tilespmem:s22+$0x2000]  }
0xa8: {  	v43 =	vld [tilespmem:s22+$0x2080]  }
0xa9: {  	v44 =	vld [tilespmem:s22+$0x2100]  }
0xaa: {  	v45 =	vld [tilespmem:s22+$0x2180]  }
0xab: {  	v46 =	vld [tilespmem:s22+$0x2200]  }
0xac: {  	v47 =	vld [tilespmem:s22+$0x2280]  }
0xad: {  	v48 =	vld [tilespmem:s22+$0x2300]  }
0xae: {  	v50 =	vld [tilespmem:s22+$0x3000]  }
0xaf: {  	v51 =	vld [tilespmem:s22+$0x3080]  }
0xb0: {  	v52 =	vld [tilespmem:s22+$0x3100]  }
0xb1: {  	v53 =	vld [tilespmem:s22+$0x3180]  }
0xb2: {  	v54 =	vld [tilespmem:s22+$0x3200]  }
0xb3: {  	v55 =	vld [tilespmem:s22+$0x3280]  }
0xb4: {  	v56 =	vld [tilespmem:s22+$0x3300]  }
0xb5: {  	v57 =	vld [tilespmem:s22+$0x3380]  }
0xb6: {  	v58 =	vld [tilespmem:s22+$0x4000]  }
0xb7: {  	v59 =	vld [tilespmem:s22+$0x4080]  }
0xb8: {  	v60 =	vld [tilespmem:s22+$0x4100]  }
0xb9: {  	v34 =	vmul.f32 v34, v3;
	v29 =	vadd.f32 v38, v29;
	v61 =	vld [tilespmem:s22+$0x4180];
	v33 =	vmul.f32 v33, v3  }
0xba: {  	s16 =	sor.u32 s16, s17;
	v62 =	vld [tilespmem:s22+$0x4200];
	v2 =	vadd.f32 v39, v2;
	v35 =	vmul.f32 v35, v3;
	v63 =	vmul.f32 v36, v3  }
0xbb: {  	s16 =	sor.u32 $0x380, s16;
	v38 =	vld [tilespmem:s22+$0x4280];
	v30 =	vadd.f32 v34, v30;
	v3 =	vmul.f32 v37, v3;
	v34 =	vmul.f32 v41, v40  }
0xbc: {  	v49 =	vld [tilespmem:s16+$0x2000];
	v32 =	vadd.f32 v35, v32;
	v35 =	vmul.f32 v42, v40;
	v39 =	vmul.f32 v43, v40  }
0xbd: {  	v36 =	vld [tilespmem:s22+$0x4300];
	v31 =	vadd.f32 v63, v31;
	v63 =	vmul.f32 v44, v40;
	v46 =	vmul.f32 v46, v40  }
0xbe: {  	v1 =	vadd.f32 v33, v1;
	v33 =	vld [tilespmem:s22+$0x4380];
	v48 =	vmul.f32 v48, v40;
	v50 =	vmul.f32 v50, v40  }
0xbf: {  	v37 =	vld [tilespmem:s22+$0x5000];
	v3 =	vadd.f32 v3, v0;
	v52 =	vmul.f32 v52, v40;
	v54 =	vmul.f32 v54, v40  }
0xc0: {  	v42 =	vld [tilespmem:s22+$0x5080];
	v55 =	vmul.f32 v55, v40;
	v56 =	vmul.f32 v56, v40;
	v0 =	vadd.f32 v34, v9  }
0xc1: {  	v43 =	vld [tilespmem:s22+$0x5200];
	v58 =	vmul.f32 v58, v40;
	v9 =	vadd.f32 v35, v15;
	v20 =	vadd.f32 v39, v20  }
0xc2: {  	v41 =	vld [tilespmem:s22+$0x5300];
	v15 =	vmul.f32 v45, v40;
	v21 =	vadd.f32 v63, v21;
	v10 =	vadd.f32 v46, v10  }
0xc3: {  	v44 =	vld [tilespmem:$0xA200];
	v49 =	vmul.f32 v49, v40;
	v24 =	vadd.f32 v50, v24;
	v11 =	vadd.f32 v52, v11  }
0xc4: {  	v34 =	vld [tilespmem:s22+$0x5100];
	v63 =	vmul.f32 v37, v40;
	v15 =	vadd.f32 v15, v22;
	v22 =	vmul.f32 v47, v40  }
0xc5: {  	v39 =	vld [tilespmem:s22+$0x5180];
	v27 =	vadd.f32 v56, v27;
	v9 =	vmul.f32 $1.767766920e-01, v9;
	v20 =	vmul.f32 $1.767766920e-01, v20  }
0xc6: {  	v45 =	vld [tilespmem:s22+$0x5280];
	v12 =	vadd.f32 v58, v12;
	v21 =	vmul.f32 $1.767766920e-01, v21;
	v10 =	vmul.f32 $1.767766920e-01, v10  }
0xc7: {  	v16 =	vadd.f32 v48, v16;
	v46 =	vld [tilespmem:$0xA230];
	v24 =	vmul.f32 $1.767766920e-01, v24;
	v11 =	vmul.f32 $1.767766920e-01, v11  }
0xc8: {  	v17 =	vadd.f32 v54, v17;
	v48 =	vld [tilespmem:$0xA240];
	v27 =	vmul.f32 $1.767766920e-01, v27;
	v12 =	vmul.f32 $1.767766920e-01, v12  }
0xc9: {  	v26 =	vadd.f32 v55, v26;
	v54 =	vld [tilespmem:$0xA2A0];
	v0 =	vmul.f32 $1.767766920e-01, v0;
	v52 =	vmul.f32 v42, v40  }
0xca: {  	v23 =	vadd.f32 v49, v23;
	v49 =	vld [tilespmem:$0xA220];
	v56 =	vmul.f32 v43, v40;
	v58 =	vmul.f32 v41, v40  }
0xcb: {  	v50 =	vld [tilespmem:$0xA290];
	v5 =	vadd.f32 v22, v5;
	v22 =	vmul.f32 v51, v40;
	v9 =	vadd.f32 v44, v9  }
0xcc: {  	v47 =	vld [tilespmem:$0xA210];
	v15 =	vmul.f32 $1.767766920e-01, v15;
	v2 =	vadd.f32 v52, v2;
	v32 =	vadd.f32 v56, v32  }
0xcd: {  	v55 =	vld [tilespmem:$0xA2B0];
	v34 =	vmul.f32 v34, v40;
	v3 =	vadd.f32 v58, v3;
	v10 =	vadd.f32 v48, v10  }
0xce: {  	v51 =	vld [tilespmem:$0xA250];
	v11 =	vadd.f32 v54, v11;
	v22 =	vadd.f32 v22, v25;
	v25 =	vmul.f32 v53, v40  }
0xcf: {  	v48 =	vld [tilespmem:$0xA370];
	v21 =	vadd.f32 v49, v21;
	v5 =	vmul.f32 $1.767766920e-01, v5;
	v43 =	vadd.f32 v46, v15  }
0xd0: {  	v53 =	vld [tilespmem:$0xA260];
	v15 =	vmul.f32 $1.767766920e-01, v16;
	v6 =	vadd.f32 v25, v6;
	v25 =	vmul.f32 v57, v40  }
0xd1: {  	v16 =	vmul.f32 $1.767766920e-01, v23;
	v23 =	vld [tilespmem:$0xA320];
	v30 =	vadd.f32 v34, v30;
	v20 =	vadd.f32 v47, v20  }
0xd2: {  	v2 =	vmul.f32 $1.767766920e-01, v2;
	v57 =	vld [tilespmem:$0xA2C0];
	v25 =	vadd.f32 v25, v28;
	v28 =	vmul.f32 v59, v40  }
0xd3: {  	v5 =	vadd.f32 v51, v5;
	v51 =	vld [tilespmem:$0xA3B0];
	v59 =	vmul.f32 v60, v40;
	v60 =	vmul.f32 v61, v40  }
0xd4: {  	v61 =	vmul.f32 v62, v40;
	v62 =	vmul.f32 v36, v40;
	v36 =	vld [tilespmem:$0xA280];
	v7 =	vadd.f32 v28, v7  }
0xd5: {  	v13 =	vadd.f32 v59, v13;
	v28 =	vmul.f32 v38, v40;
	v38 =	vld [tilespmem:$0xA270];
	v14 =	vadd.f32 v60, v14  }
0xd6: {  	v6 =	vmul.f32 $1.767766920e-01, v6;
	v18 =	vadd.f32 v61, v18;
	v8 =	vadd.f32 v62, v8;
	v61 =	vld [tilespmem:$0xA300]  }
0xd7: {  	v59 =	vld [tilespmem:$0xA2D0];
	v19 =	vadd.f32 v28, v19;
	v28 =	vmul.f32 v33, v40;
	v7 =	vmul.f32 $1.767766920e-01, v7  }
0xd8: {  	v62 =	vld [tilespmem:$0xA310];
	v6 =	vadd.f32 v55, v6;
	v13 =	vmul.f32 $1.767766920e-01, v13;
	v14 =	vmul.f32 $1.767766920e-01, v14  }
0xd9: {  	v60 =	vld [tilespmem:$0xA2E0];
	v4 =	vadd.f32 v28, v4;
	v28 =	vadd.f32 v63, v29;
	v29 =	vmul.f32 v39, v40  }
0xda: {  	v8 =	vmul.f32 $1.767766920e-01, v8;
	v63 =	vld [tilespmem:$0xA330];
	v13 =	vadd.f32 v23, v13;
	v38 =	vadd.f32 v38, v16  }
0xdb: {  	v16 =	vld [tilespmem:$0xA340];
	v12 =	vadd.f32 v61, v12;
	v1 =	vadd.f32 v29, v1;
	v29 =	vmul.f32 v45, v40  }
0xdc: {  	v45 =	vadd.f32 v53, v15;
	v15 =	vmul.f32 $1.767766920e-01, v22;
	v22 =	vadd.f32 v36, v24;
	v24 =	vld [tilespmem:$0xA350]  }
0xdd: {  	v7 =	vadd.f32 v62, v7;
	v4 =	vmul.f32 $1.767766920e-01, v4;
	v29 =	vadd.f32 v29, v31;
	v31 =	vld [tilespmem:$0xA2F0]  }
0xde: {  	v36 =	vadd.f32 v50, v15;
	v15 =	vmul.f32 $1.767766920e-01, v17;
	v17 =	vmul.f32 $1.767766920e-01, v26;
	v26 =	vld [tilespmem:$0xA360]  }
0xdf: {  	v53 =	vld [tilespmem:$0xA3D0];
	v55 =	vmax.f32 v12, v7;
	v23 =	vadd.f32 v63, v14;
	v14 =	vmul.f32 $1.767766920e-01, v19  }
0xe0: {  	v35 =	vadd.f32 v57, v15;
	v15 =	vmul.f32 $1.767766920e-01, v25;
	v25 =	vadd.f32 v60, v27;
	v27 =	vld [tilespmem:$0xA390]  }
0xe1: {  	v1 =	vmul.f32 $1.767766920e-01, v1;
	v49 =	vadd.f32 v59, v17;
	v17 =	vld [tilespmem:$0xA380];
	v24 =	vadd.f32 v24, v14  }
0xe2: {  	v50 =	vld [tilespmem:$0xA3A0];
	v56 =	vmax.f32 v13, v23;
	v31 =	vadd.f32 v31, v15;
	v15 =	vmul.f32 $1.767766920e-01, v18  }
0xe3: {  	v19 =	vld [tilespmem:$0xA3C0];
	v14 =	vadd.f32 v26, v8;
	v26 =	vmul.f32 $1.767766920e-01, v29;
	v29 =	vmax.f32 v11, v6  }
0xe4: {  	v52 =	vadd.f32 v16, v15;
	v16 =	vmul.f32 $1.767766920e-01, v28;
	v15 =	vadd.f32 v48, v4  }
0xe5: {  	v8 =	vld [tilespmem:$0xA3F0];
	v4 =	vmul.f32 $1.767766920e-01, v30;
	v18 =	vadd.f32 v27, v2;
	v2 =	vmul.f32 $1.767766920e-01, v32  }
0xe6: {  	v27 =	vmax.f32 v45, v38;
	v30 =	vmax.f32 v35, v49;
	v16 =	vadd.f32 v17, v16  }
0xe7: {  	v28 =	vld [tilespmem:$0xA3E0];
	v54 =	vmax.f32 v25, v31;
	v17 =	vadd.f32 v50, v4;
	v4 =	vadd.f32 v51, v1  }
0xe8: {  	v1 =	vmul.f32 $1.767766920e-01, v3;
	v3 =	vadd.f32 v19, v2;
	v2 =	vadd.f32 v53, v26  }
0xe9: {  	v19 =	vmax.f32 v21, v43;
	v26 =	vmax.f32 v10, v5;
	v57 =	vmax.f32 v52, v24  }
0xea: {  	v58 =	vmax.f32 v14, v15;
	v0 =	vadd.f32 v8, v0;
	v8 =	vmax.f32 v9, v20  }
0xeb: {  	v59 =	vmax.f32 v16, v18;
	v60 =	vmax.f32 v17, v4;
	v61 =	vmax.f32 v3, v2  }
0xec: {  	v8 =	vmax.f32 v8, v19;
	v19 =	vmax.f32 v26, v27;
	v1 =	vadd.f32 v28, v1  }
0xed: {  	v27 =	vmax.f32 v30, v54;
	v28 =	vmax.f32 v22, v36;
	v30 =	vmax.f32 v59, v60  }
0xee: {  	v8 =	vmax.f32 v8, v19;
	v26 =	vmax.f32 v28, v29;
	v62 =	vmax.f32 v1, v0  }
0xef: {  	v28 =	vmax.f32 v55, v56;
	v29 =	vmax.f32 v57, v58;
	v63 =	vmax.f32 v61, v62  }
0xf0: {  	v19 =	vmax.f32 v26, v27;
	v26 =	vmax.f32 v28, v29;
	v27 =	vmax.f32 v30, v63  }
0xf1: {  	v8 =	vmax.f32 v8, v19;
	v19 =	vmax.f32 v26, v27  }
0xf2: {  	v8 =	vmax.f32 v8, v19  }
0xf3: {  	v9 =	vsub.f32 v9, v8;
	_ =	sdelay $0x1  }
0xf4: {  	v19 =	vsub.f32 v20, v8;
	v9 =	vmul.f32 $1.442695020e+00, v9;
	_ =	sdelay $0x1  }
0xf5: {  	v20 =	vsub.f32 v21, v8;
	v19 =	vmul.f32 $1.442695020e+00, v19;
	(erf) = vpow2.f32 v9;
	_ =	sdelay $0x1  }
0xf6: {  	v21 =	vsub.f32 v43, v8;
	v9 =	vmul.f32 $1.442695020e+00, v20;
	(erf) = vpow2.f32 v19  }
0xf7: {  	v10 =	vsub.f32 v10, v8  }
0xf8: {  	v5 =	vsub.f32 v5, v8;
	v19 =	vmul.f32 $1.442695020e+00, v21;
	(erf) = vpow2.f32 v9  }
0xf9: {  	v9 =	vmul.f32 $1.442695020e+00, v10;
	v10 =	vsub.f32 v45, v8  }
0xfa: {  	v5 =	vmul.f32 $1.442695020e+00, v5;
	(erf) = vpow2.f32 v19  }
0xfb: {  	(erf) = vpow2.f32 v9;
	v9 =	vmul.f32 $1.442695020e+00, v10;
	v10 =	vsub.f32 v22, v8  }
0xfc: {  	v19 =	vsub.f32 v38, v8;
	(erf) = vpow2.f32 v5  }
0xfd: {  	(erf) = vpow2.f32 v9;
	v9 =	vmul.f32 $1.442695020e+00, v10;
	v10 =	vsub.f32 v11, v8;
	v11 =	vpop (erf)  }
0xfe: {  	[tilespmem:$0x1FF30] =	vst v11  }
0xff: {  	v5 =	vmul.f32 $1.442695020e+00, v19;
	v19 =	vsub.f32 v36, v8;
	[tilespmem:$0xA200] =	vst v11;
	v11 =	vpop (erf)  }
0x100: {  	[tilespmem:$0x1FF40] =	vst v11  }
0x101: {  	v6 =	vsub.f32 v6, v8;
	(erf) = vpow2.f32 v5;
	v5 =	vmul.f32 $1.442695020e+00, v19;
	[tilespmem:$0xA210] =	vst v11;
	v11 =	vpop (erf)  }
0x102: {  	(erf) = vpow2.f32 v9;
	v9 =	vmul.f32 $1.442695020e+00, v10;
	v10 =	vsub.f32 v35, v8;
	[tilespmem:$0x1FF50] =	vst v11  }
0x103: {  	(erf) = vpow2.f32 v5;
	v5 =	vmul.f32 $1.442695020e+00, v6;
	v6 =	vsub.f32 v49, v8;
	[tilespmem:$0xA220] =	vst v11;
	v11 =	vpop (erf)  }
0x104: {  	(erf) = vpow2.f32 v9;
	v9 =	vmul.f32 $1.442695020e+00, v10;
	[tilespmem:$0x1FF60] =	vst v11  }
0x105: {  	(erf) = vpow2.f32 v5;
	v5 =	vmul.f32 $1.442695020e+00, v6;
	v6 =	vsub.f32 v31, v8;
	[tilespmem:$0xA230] =	vst v11;
	v11 =	vpop (erf)  }
0x106: {  	v10 =	vsub.f32 v25, v8;
	(erf) = vpow2.f32 v9;
	[tilespmem:$0x1FF70] =	vst v11  }
0x107: {  	(erf) = vpow2.f32 v5;
	v5 =	vmul.f32 $1.442695020e+00, v6;
	v6 =	vsub.f32 v7, v8;
	[tilespmem:$0xA240] =	vst v11;
	v11 =	vpop (erf)  }
0x108: {  	v9 =	vmul.f32 $1.442695020e+00, v10;
	[tilespmem:$0x1FF80] =	vst v11  }
0x109: {  	[tilespmem:$0xA250] =	vst v11;
	v11 =	vpop (erf)  }
0x10a: {  	v10 =	vsub.f32 v12, v8;
	(erf) = vpow2.f32 v9;
	[tilespmem:$0x1FF90] =	vst v11  }
0x10b: {  	(erf) = vpow2.f32 v5;
	v5 =	vmul.f32 $1.442695020e+00, v6;
	[tilespmem:$0xA260] =	vst v11;
	v6 =	vpop (erf)  }
0x10c: {  	v7 =	vmul.f32 $1.442695020e+00, v10;
	v9 =	vsub.f32 v13, v8;
	[tilespmem:$0x1FFA0] =	vst v6  }
0x10d: {  	v10 =	vsub.f32 v23, v8;
	[tilespmem:$0xA270] =	vst v6;
	v6 =	vpop (erf)  }
0x10e: {  	(erf) = vpow2.f32 v7;
	v7 =	vmul.f32 $1.442695020e+00, v9;
	v9 =	vsub.f32 v52, v8;
	[tilespmem:$0x1FFB0] =	vst v6  }
0x10f: {  	v10 =	vmul.f32 $1.442695020e+00, v10;
	v11 =	vsub.f32 v24, v8;
	(erf) = vpow2.f32 v5;
	[tilespmem:$0xA280] =	vst v6;
	v5 =	vpop (erf)  }
0x110: {  	(erf) = vpow2.f32 v7;
	v7 =	vmul.f32 $1.442695020e+00, v9;
	v9 =	vsub.f32 v14, v8;
	[tilespmem:$0x1FFC0] =	vst v5  }
0x111: {  	[tilespmem:$0xA290] =	vst v5;
	v14 =	vpop (erf);
	(erf) = vpow2.f32 v10;
	v10 =	vmul.f32 $1.442695020e+00, v11;
	v11 =	vsub.f32 v15, v8  }
0x112: {  	[tilespmem:$0xA2A0] =	vst v14;
	v15 =	vpop (erf);
	(erf) = vpow2.f32 v7;
	v7 =	vmul.f32 $1.442695020e+00, v9;
	v9 =	vsub.f32 v16, v8  }
0x113: {  	[tilespmem:$0xA2B0] =	vst v15;
	v16 =	vpop (erf);
	(erf) = vpow2.f32 v10;
	v10 =	vmul.f32 $1.442695020e+00, v11;
	v11 =	vsub.f32 v18, v8  }
0x114: {  	[tilespmem:$0xA2C0] =	vst v16;
	v19 =	vpop (erf);
	(erf) = vpow2.f32 v7;
	v7 =	vmul.f32 $1.442695020e+00, v9;
	v9 =	vsub.f32 v17, v8  }
0x115: {  	v4 =	vsub.f32 v4, v8;
	[tilespmem:$0xA2D0] =	vst v19;
	v22 =	vpop (erf);
	(erf) = vpow2.f32 v10;
	v10 =	vmul.f32 $1.442695020e+00, v11  }
0x116: {  	v3 =	vsub.f32 v3, v8;
	[tilespmem:$0xA2E0] =	vst v22;
	v27 =	vpop (erf);
	(erf) = vpow2.f32 v7;
	v7 =	vmul.f32 $1.442695020e+00, v9  }
0x117: {  	v2 =	vsub.f32 v2, v8;
	v4 =	vmul.f32 $1.442695020e+00, v4;
	[tilespmem:$0xA2F0] =	vst v27;
	v30 =	vpop (erf);
	(erf) = vpow2.f32 v10  }
0x118: {  	v1 =	vsub.f32 v1, v8;
	v3 =	vmul.f32 $1.442695020e+00, v3;
	[tilespmem:$0xA300] =	vst v30;
	v36 =	vpop (erf);
	(erf) = vpow2.f32 v7  }
0x119: {  	v0 =	vsub.f32 v0, v8;
	v2 =	vmul.f32 $1.442695020e+00, v2;
	[tilespmem:$0xA310] =	vst v36;
	v39 =	vpop (erf);
	(erf) = vpow2.f32 v4  }
0x11a: {  	v1 =	vmul.f32 $1.442695020e+00, v1;
	[tilespmem:$0xA320] =	vst v39;
	v48 =	vpop (erf);
	(erf) = vpow2.f32 v3  }
0x11b: {  	v0 =	vmul.f32 $1.442695020e+00, v0;
	[tilespmem:$0xA330] =	vst v48;
	v53 =	vpop (erf);
	(erf) = vpow2.f32 v2  }
0x11c: {  	[tilespmem:$0xA340] =	vst v53;
	v58 =	vpop (erf);
	(erf) = vpow2.f32 v1  }
0x11d: {  	[tilespmem:$0xA350] =	vst v58;
	v57 =	vpop (erf);
	(erf) = vpow2.f32 v0  }
0x11e: {  	v56 =	vpop (erf);
	[tilespmem:$0xA360] =	vst v57  }
0x11f: {  	v54 =	vpop (erf);
	[tilespmem:$0xA370] =	vst v56  }
0x120: {  	v51 =	vpop (erf);
	[tilespmem:$0xA380] =	vst v54  }
0x121: {  	v50 =	vpop (erf);
	[tilespmem:$0xA390] =	vst v51  }
0x122: {  	v49 =	vpop (erf);
	[tilespmem:$0xA3A0] =	vst v50  }
0x123: {  	v46 =	vpop (erf);
	[tilespmem:$0xA3B0] =	vst v49  }
0x124: {  	v42 =	vpop (erf);
	[tilespmem:$0xA3C0] =	vst v46  }
0x125: {  	v40 =	vpop (erf);
	[tilespmem:$0xA3D0] =	vst v42  }
0x126: {  	[tilespmem:$0xA3E0] =	vst v40;
	v41 =	vpop (erf)  }
0x127: {  	[tilespmem:$0xA3F0] =	vst v41  }
0x128: {  	_ =	swait.ge [sflag:s9], $0x4000  }
0x129: {  	s19 =	simm.s32 $0x0;
	s20 =	simm.s32 $0xA200;
	[sflag:s9] =	ssyncset.done $0x0  }
0x12a: {  	s21 =	sand.u32 $0x3000, s19;
	s16 =	sand.u32 $0x380, s19;
	[sflag:s9] =	ssyncadd.s32 $0xFFFFC000  }
0x12b: {  	s19 =	sor.u32 s16, s21;
	v31 =	vld [tilespmem:s20+$0x0]  }
0x12c: {  	v0 =	vld [tilespmem:s19+$0x6C70]  }
0x12d: {  	v1 =	vld [tilespmem:s19+$0x6000]  }
0x12e: {  	v2 =	vld [tilespmem:s19+$0x6010]  }
0x12f: {  	v4 =	vld [tilespmem:s19+$0x6020]  }
0x130: {  	v7 =	vld [tilespmem:s19+$0x6030]  }
0x131: {  	v8 =	vld [tilespmem:s19+$0x6040]  }
0x132: {  	v9 =	vld [tilespmem:s19+$0x6050]  }
0x133: {  	v10 =	vld [tilespmem:s19+$0x6060]  }
0x134: {  	v11 =	vld [tilespmem:s19+$0x6070]  }
0x135: {  	v12 =	vld [tilespmem:s19+$0x6400]  }
0x136: {  	v13 =	vld [tilespmem:s19+$0x6410]  }
0x137: {  	v17 =	vld [tilespmem:s19+$0x6420]  }
0x138: {  	v18 =	vld [tilespmem:s19+$0x6430]  }
0x139: {  	v20 =	vld [tilespmem:s19+$0x6440];
	v0 =	vmul.f32 v0, v31  }
0x13a: {  	v61 =	vimm.f32 $0.0e+00;
	v21 =	vld [tilespmem:s19+$0x6450];
	v1 =	vmul.f32 v1, v31  }
0x13b: {  	v2 =	vmul.f32 v2, v31;
	v3 =	vadd.f32 v0, v61;
	v0 =	vmul.f32 v4, v31;
	v4 =	vld [tilespmem:s19+$0x6460]  }
0x13c: {  	v59 =	vadd.f32 v1, v61;
	v1 =	vmul.f32 v7, v31;
	v7 =	vmul.f32 v8, v31;
	v8 =	vld [tilespmem:s19+$0x6470]  }
0x13d: {  	v60 =	vadd.f32 v2, v61;
	v2 =	vld [tilespmem:s19+$0x6800];
	v55 =	vadd.f32 v0, v61;
	v0 =	vmul.f32 v9, v31  }
0x13e: {  	v52 =	vadd.f32 v1, v61;
	v47 =	vadd.f32 v7, v61;
	v1 =	vmul.f32 v10, v31;
	v7 =	vld [tilespmem:s19+$0x6810]  }
0x13f: {  	v62 =	vimm.f32 $0.0e+00;
	v9 =	vmul.f32 v12, v31;
	v10 =	vld [tilespmem:s19+$0x6820]  }
0x140: {  	v12 =	vld [tilespmem:s19+$0x6830];
	v43 =	vadd.f32 v0, v61;
	v0 =	vmul.f32 v11, v31;
	v44 =	vadd.f32 v1, v61  }
0x141: {  	v1 =	vmul.f32 v13, v31;
	v11 =	vmul.f32 v17, v31;
	v38 =	vadd.f32 v9, v61;
	v9 =	vld [tilespmem:s19+$0x6840]  }
0x142: {  	v13 =	vld [tilespmem:s19+$0x6860];
	v4 =	vmul.f32 v4, v31;
	v45 =	vadd.f32 v0, v61;
	v0 =	vmul.f32 v18, v31  }
0x143: {  	v17 =	vld [tilespmem:s19+$0x6870];
	v2 =	vmul.f32 v2, v31;
	v37 =	vadd.f32 v1, v61;
	v1 =	vmul.f32 v20, v31  }
0x144: {  	v35 =	vadd.f32 v11, v61;
	v11 =	vld [tilespmem:s19+$0x6850];
	v32 =	vadd.f32 v0, v61;
	v0 =	vmul.f32 v21, v31  }
0x145: {  	v29 =	vadd.f32 v4, v61;
	v4 =	vld [tilespmem:s19+$0x6C00];
	v33 =	vadd.f32 v1, v61;
	v1 =	vmul.f32 v8, v31  }
0x146: {  	v26 =	vadd.f32 v2, v61;
	v2 =	vld [tilespmem:s19+$0x6C10];
	v34 =	vadd.f32 v0, v61;
	v0 =	vmul.f32 v7, v31  }
0x147: {  	v63 =	vimm.f32 $0.0e+00;
	v28 =	vadd.f32 v1, v61;
	v1 =	vmul.f32 v10, v31  }
0x148: {  	v7 =	vmul.f32 v9, v31;
	v10 =	vmul.f32 v13, v31;
	v25 =	vadd.f32 v0, v61  }
0x149: {  	v8 =	vld [tilespmem:s19+$0x6C20];
	v0 =	vmul.f32 v12, v31;
	v24 =	vadd.f32 v1, v61;
	v1 =	vmul.f32 v11, v31  }
0x14a: {  	v9 =	vld [tilespmem:s19+$0x6C30];
	v21 =	vadd.f32 v7, v61;
	v18 =	vadd.f32 v10, v61;
	v12 =	vmul.f32 v4, v31  }
0x14b: {  	v7 =	vld [tilespmem:s19+$0x6C40];
	v13 =	vmul.f32 v2, v31;
	v23 =	vadd.f32 v0, v61;
	v0 =	vmul.f32 v17, v31  }
0x14c: {  	s17 =	simm.s32 $0x80;
	s18 =	simm.s32 $0x400;
	s22 =	simm.s32 $0x200;
	v10 =	vld [tilespmem:s19+$0x6C50];
	v4 =	vimm.f32 $0.0e+00;
	v2 =	vimm.f32 $0.0e+00;
	v20 =	vadd.f32 v1, v61  }
0x14d: {  	s16 =	simm.s32 $0xA210;
	s21 =	sand.u32 $0x380, s17;
	s20 =	sand.u32 $0x3000, s22;
	v11 =	vld [tilespmem:s19+$0x6C60];
	v1 =	vimm.f32 $0.0e+00;
	v17 =	vadd.f32 v0, v61;
	v0 =	vimm.f32 $0.0e+00  }
.LBB2_5:
0x14e: {  	p0 =	sne.s32 s18, $0x3E00;
	v6 =	vld [tilespmem:s16+$0x0];
	s19 =	sor.u32 s21, s20;
	v61 =	vadd.f32 v12, v61;
	v8 =	vmul.f32 v8, v31  }
0x14f: {  	v12 =	vld [tilespmem:s19+$0x6C70];
	v1 =	vadd.f32 v13, v1;
	v9 =	vmul.f32 v9, v31  }
0x150: {  	v13 =	vld [tilespmem:s19+$0x6000];
	v4 =	vadd.f32 v8, v4;
	v7 =	vmul.f32 v7, v31  }
0x151: {  	v8 =	vld [tilespmem:s19+$0x6010];
	v0 =	vadd.f32 v9, v0;
	v9 =	vmul.f32 v10, v31  }
0x152: {  	v10 =	vld [tilespmem:s19+$0x6020];
	v2 =	vadd.f32 v7, v2;
	v7 =	vmul.f32 v11, v31  }
0x153: {  	v11 =	vld [tilespmem:s19+$0x6030];
	v63 =	vadd.f32 v9, v63;
	v31 =	vmov v6  }
0x154: {  	v6 =	vld [tilespmem:s19+$0x6040];
	v9 =	vmul.f32 v12, v31;
	v62 =	vadd.f32 v7, v62  }
0x155: {  	v7 =	vmul.f32 v13, v31;
	v12 =	vld [tilespmem:s19+$0x6050]  }
0x156: {  	v8 =	vmul.f32 v8, v31;
	v13 =	vld [tilespmem:s19+$0x6060];
	v3 =	vadd.f32 v9, v3  }
0x157: {  	v59 =	vadd.f32 v7, v59;
	v7 =	vmul.f32 v10, v31;
	v9 =	vld [tilespmem:s19+$0x6070]  }
0x158: {  	v60 =	vadd.f32 v8, v60;
	v8 =	vmul.f32 v11, v31;
	v10 =	vld [tilespmem:s19+$0x6400]  }
0x159: {  	v55 =	vadd.f32 v7, v55;
	v6 =	vmul.f32 v6, v31;
	v7 =	vld [tilespmem:s19+$0x6410]  }
0x15a: {  	v52 =	vadd.f32 v8, v52;
	v8 =	vmul.f32 v12, v31;
	v11 =	vld [tilespmem:s19+$0x6420]  }
0x15b: {  	v47 =	vadd.f32 v6, v47;
	v6 =	vmul.f32 v13, v31;
	v12 =	vld [tilespmem:s19+$0x6430]  }
0x15c: {  	v43 =	vadd.f32 v8, v43;
	v8 =	vmul.f32 v9, v31;
	v9 =	vld [tilespmem:s19+$0x6440]  }
0x15d: {  	v44 =	vadd.f32 v6, v44;
	v6 =	vmul.f32 v10, v31;
	v10 =	vld [tilespmem:s19+$0x6450]  }
0x15e: {  	v45 =	vadd.f32 v8, v45;
	v7 =	vmul.f32 v7, v31;
	v8 =	vld [tilespmem:s19+$0x6460]  }
0x15f: {  	v38 =	vadd.f32 v6, v38;
	v6 =	vmul.f32 v11, v31;
	v11 =	vld [tilespmem:s19+$0x6470]  }
0x160: {  	v37 =	vadd.f32 v7, v37;
	v7 =	vmul.f32 v12, v31;
	v12 =	vld [tilespmem:s19+$0x6800]  }
0x161: {  	v35 =	vadd.f32 v6, v35;
	v6 =	vmul.f32 v9, v31;
	v9 =	vld [tilespmem:s19+$0x6810]  }
0x162: {  	v32 =	vadd.f32 v7, v32;
	v7 =	vmul.f32 v10, v31;
	v10 =	vld [tilespmem:s19+$0x6820]  }
0x163: {  	v33 =	vadd.f32 v6, v33;
	v6 =	vmul.f32 v8, v31;
	v8 =	vld [tilespmem:s19+$0x6830]  }
0x164: {  	v34 =	vadd.f32 v7, v34;
	v7 =	vmul.f32 v11, v31;
	v11 =	vld [tilespmem:s19+$0x6840]  }
0x165: {  	v29 =	vadd.f32 v6, v29;
	v6 =	vmul.f32 v12, v31;
	v12 =	vld [tilespmem:s19+$0x6850]  }
0x166: {  	v28 =	vadd.f32 v7, v28;
	v7 =	vmul.f32 v9, v31;
	v9 =	vld [tilespmem:s19+$0x6860]  }
0x167: {  	v26 =	vadd.f32 v6, v26;
	v6 =	vmul.f32 v10, v31;
	v10 =	vld [tilespmem:s19+$0x6870]  }
0x168: {  	v25 =	vadd.f32 v7, v25;
	v7 =	vmul.f32 v8, v31;
	v13 =	vld [tilespmem:s19+$0x6C00]  }
0x169: {  	v24 =	vadd.f32 v6, v24;
	v6 =	vmul.f32 v11, v31;
	v11 =	vld [tilespmem:s19+$0x6C10]  }
.Ltmp1:
0x16a: {  	v23 =	vadd.f32 v7, v23;
	v7 =	vmul.f32 v12, v31;
	v8 =	vld [tilespmem:s19+$0x6C20];
	(pc) =	sbr.rel @p0 .LBB2_5-.Ltmp1, $4  }
0x16b: {  	v21 =	vadd.f32 v6, v21;
	v6 =	vmul.f32 v9, v31;
	v9 =	vld [tilespmem:s19+$0x6C30]  }
0x16c: {  	v20 =	vadd.f32 v7, v20;
	v5 =	vmul.f32 v10, v31;
	v7 =	vld [tilespmem:s19+$0x6C40]  }
0x16d: {  	s17 =	sadd.s32 $0x80, s17;
	s16 =	sadd.s32 $0x10, s16;
	v18 =	vadd.f32 v6, v18;
	v12 =	vmul.f32 v13, v31;
	v10 =	vld [tilespmem:s19+$0x6C50]  }
0x16e: {  	s20 =	sand.u32 $0x3000, s18;
	s18 =	sadd.s32 $0x200, s18;
	s21 =	sand.u32 $0x380, s17;
	v17 =	vadd.f32 v5, v17;
	v13 =	vmul.f32 v11, v31;
	v11 =	vld [tilespmem:s19+$0x6C60]  }
0x16f: {  	v5 =	vld [tilespmem:$0x1FF30];
	_ =	sdelay $0x1  }
0x170: {  	v6 =	vld [tilespmem:$0x1FF40];
	_ =	sdelay $0x2  }
0x171: {  	v5 =	vadd.f32 $0.0e+00, v5;
	_ =	sdelay $0x1  }
0x172: {  	v5 =	vadd.f32 v5, v6;
	v6 =	vld [tilespmem:$0x1FF50];
	_ =	sdelay $0x4  }
0x173: {  	v5 =	vadd.f32 v5, v6;
	v6 =	vld [tilespmem:$0x1FF60];
	_ =	sdelay $0x4  }
0x174: {  	v5 =	vadd.f32 v5, v6;
	v6 =	vld [tilespmem:$0x1FF70];
	_ =	sdelay $0x4  }
0x175: {  	v5 =	vadd.f32 v5, v6;
	v6 =	vld [tilespmem:$0x1FF80];
	_ =	sdelay $0x4  }
0x176: {  	v5 =	vadd.f32 v5, v6;
	v6 =	vld [tilespmem:$0x1FF90];
	_ =	sdelay $0x4  }
0x177: {  	v5 =	vadd.f32 v5, v6;
	v6 =	vld [tilespmem:$0x1FFA0];
	_ =	sdelay $0x4  }
0x178: {  	v5 =	vadd.f32 v5, v6;
	v6 =	vld [tilespmem:$0x1FFB0];
	_ =	sdelay $0x4  }
0x179: {  	v5 =	vadd.f32 v5, v6;
	v6 =	vld [tilespmem:$0x1FFC0];
	_ =	sdelay $0x4  }
0x17a: {  	v5 =	vadd.f32 v5, v6;
	_ =	sdelay $0x1  }
0x17b: {  	v5 =	vadd.f32 v5, v14;
	_ =	sdelay $0x1  }
0x17c: {  	v5 =	vadd.f32 v5, v15;
	_ =	sdelay $0x1  }
0x17d: {  	v5 =	vadd.f32 v5, v16;
	_ =	sdelay $0x1  }
0x17e: {  	v5 =	vadd.f32 v5, v19;
	_ =	sdelay $0x1  }
0x17f: {  	v5 =	vadd.f32 v5, v22;
	_ =	sdelay $0x1  }
0x180: {  	v5 =	vadd.f32 v5, v27;
	_ =	sdelay $0x1  }
0x181: {  	v5 =	vadd.f32 v5, v30;
	_ =	sdelay $0x1  }
0x182: {  	v5 =	vadd.f32 v5, v36;
	_ =	sdelay $0x1  }
0x183: {  	v5 =	vadd.f32 v5, v39;
	_ =	sdelay $0x1  }
0x184: {  	v5 =	vadd.f32 v5, v48;
	_ =	sdelay $0x1  }
0x185: {  	v5 =	vadd.f32 v5, v53;
	_ =	sdelay $0x1  }
0x186: {  	v27 =	vadd.f32 v5, v58  }
0x187: {  	s22 =	sor.u32 s21, s20  }
0x188: {  	v8 =	vmul.f32 v8, v31;
	v12 =	vadd.f32 v12, v61;
	v61 =	vld [tilespmem:s22+$0x6870];
	v14 =	vadd.f32 v27, v57  }
0x189: {  	v1 =	vadd.f32 v13, v1;
	v13 =	vld [tilespmem:s22+$0x6C10]  }
0x18a: {  	v4 =	vadd.f32 v8, v4;
	v8 =	vld [tilespmem:s22+$0x6C00];
	v14 =	vadd.f32 v14, v56  }
0x18b: {  	v6 =	vld [tilespmem:s22+$0x6860]  }
0x18c: {  	v15 =	vld [tilespmem:s22+$0x6000];
	v14 =	vadd.f32 v14, v54  }
0x18d: {  	v16 =	vld [tilespmem:s22+$0x6010]  }
0x18e: {  	v30 =	vld [tilespmem:s22+$0x6C70];
	v14 =	vadd.f32 v14, v51  }
0x18f: {  	v19 =	vld [tilespmem:s22+$0x6020]  }
0x190: {  	v22 =	vld [tilespmem:s22+$0x6030];
	v14 =	vadd.f32 v14, v50  }
0x191: {  	v36 =	vld [tilespmem:s22+$0x6060]  }
0x192: {  	v39 =	vld [tilespmem:s22+$0x6070];
	v14 =	vadd.f32 v14, v49  }
0x193: {  	[tilespmem:$0x1FF20] =	vst v30;
	v30 =	vld [tilespmem:s22+$0x6050]  }
0x194: {  	v48 =	vld [tilespmem:s22+$0x6400];
	v14 =	vadd.f32 v14, v46  }
0x195: {  	v53 =	vld [tilespmem:s22+$0x6450]  }
0x196: {  	v5 =	vld [tilespmem:s16+$0x0];
	v14 =	vadd.f32 v14, v42  }
0x197: {  	v9 =	vmul.f32 v9, v31;
	v58 =	vld [tilespmem:s22+$0x6850]  }
0x198: {  	v7 =	vmul.f32 v7, v31;
	v27 =	vld [tilespmem:s22+$0x6040];
	v14 =	vadd.f32 v14, v40  }
0x199: {  	v0 =	vadd.f32 v9, v0;
	v9 =	vmul.f32 v10, v31;
	v57 =	vld [tilespmem:s22+$0x6830]  }
0x19a: {  	v2 =	vadd.f32 v7, v2;
	v7 =	vmul.f32 v11, v31;
	v56 =	vld [tilespmem:s22+$0x6810];
	v14 =	vadd.f32 v14, v41  }
0x19b: {  	v10 =	vmul.f32 v15, v5;
	v31 =	vmul.f32 v16, v5;
	v15 =	vld [tilespmem:s22+$0x6C20]  }
0x19c: {  	v9 =	vadd.f32 v9, v63;
	v63 =	vmul.f32 v19, v5;
	v19 =	vld [tilespmem:s22+$0x6C30];
	(erf) = vrcp.f32 v14  }
0x19d: {  	v54 =	vld [tilespmem:s22+$0x6470]  }
0x19e: {  	v22 =	vmul.f32 v22, v5;
	v11 =	vadd.f32 v31, v60;
	v31 =	vld [tilespmem:s22+$0x6C40]  }
0x19f: {  	v16 =	vadd.f32 v63, v55;
	v55 =	vld [tilespmem:s22+$0x6C50]  }
0x1a0: {  	v22 =	vadd.f32 v22, v52;
	v52 =	vld [tilespmem:s22+$0x6C60]  }
0x1a1: {  	v51 =	vld [tilespmem:s22+$0x6430]  }
0x1a2: {  	v30 =	vmul.f32 v30, v5;
	v50 =	vld [tilespmem:s22+$0x6410]  }
0x1a3: {  	v36 =	vmul.f32 v36, v5;
	v27 =	vmul.f32 v27, v5;
	v14 =	vld [tilespmem:s22+$0x6840]  }
0x1a4: {  	v48 =	vmul.f32 v48, v5;
	v6 =	vmul.f32 v6, v5;
	v10 =	vadd.f32 v10, v59;
	v49 =	vld [tilespmem:s22+$0x6420]  }
0x1a5: {  	v8 =	vmul.f32 v8, v5;
	v27 =	vadd.f32 v27, v47;
	v47 =	vmul.f32 v39, v5;
	v46 =	vld [tilespmem:s22+$0x6440];
	v59 =	vpop (erf)  }
0x1a6: {  	v7 =	vadd.f32 v7, v62;
	v62 =	vmul.f32 v51, v5;
	v42 =	vld [tilespmem:s22+$0x6460];
	v10 =	vmul.f32 v10, v59  }
0x1a7: {  	v51 =	vmul.f32 v19, v5;
	v41 =	vld [tilespmem:s22+$0x6820];
	v11 =	vmul.f32 v11, v59  }
0x1a8: {  	v30 =	vadd.f32 v30, v43;
	v40 =	vld [tilespmem:s22+$0x6800];
	v14 =	vmul.f32 v14, v5;
	v16 =	vmul.f32 v16, v59;
	[tilespmem:$0xA400] =	vst v10  }
0x1a9: {  	v6 =	vadd.f32 v6, v18;
	v50 =	vmul.f32 v50, v5;
	v22 =	vmul.f32 v22, v59;
	[tilespmem:$0xA410] =	vst v11  }
0x1aa: {  	v60 =	vmul.f32 v49, v5;
	v14 =	vadd.f32 v14, v21;
	v27 =	vmul.f32 v27, v59;
	[tilespmem:$0xA420] =	vst v16  }
0x1ab: {  	v8 =	vadd.f32 v8, v12;
	v63 =	vmul.f32 v46, v5;
	v30 =	vmul.f32 v30, v59;
	[tilespmem:$0xA430] =	vst v22  }
0x1ac: {  	v0 =	vadd.f32 v51, v0;
	v39 =	vmul.f32 v41, v5;
	v46 =	vmul.f32 v14, v59;
	[tilespmem:$0xA440] =	vst v27  }
0x1ad: {  	v6 =	vmul.f32 v6, v59;
	v8 =	vmul.f32 v8, v59;
	[tilespmem:$0xA450] =	vst v30  }
0x1ae: {  	v0 =	vmul.f32 v0, v59;
	v10 =	vadd.f32 v36, v44;
	v11 =	vadd.f32 v47, v45;
	[tilespmem:$0xA540] =	vst v46  }
0x1af: {  	v16 =	vadd.f32 v48, v38;
	v30 =	vadd.f32 v62, v32;
	v32 =	vmul.f32 v53, v5;
	[tilespmem:$0xA560] =	vst v6  }
0x1b0: {  	v27 =	vadd.f32 v60, v35;
	v35 =	vmul.f32 v42, v5;
	[tilespmem:$0xA580] =	vst v8;
	v10 =	vmul.f32 v10, v59  }
0x1b1: {  	v22 =	vadd.f32 v50, v37;
	v36 =	vmul.f32 v54, v5;
	[tilespmem:$0xA5B0] =	vst v0;
	v11 =	vmul.f32 v11, v59  }
0x1b2: {  	v37 =	vmul.f32 v40, v5;
	v16 =	vmul.f32 v16, v59;
	[tilespmem:$0xA460] =	vst v10  }
0x1b3: {  	v38 =	vmul.f32 v56, v5;
	v22 =	vmul.f32 v22, v59;
	[tilespmem:$0xA470] =	vst v11  }
0x1b4: {  	v42 =	vmul.f32 v58, v5;
	v27 =	vmul.f32 v27, v59;
	v26 =	vadd.f32 v37, v26;
	[tilespmem:$0xA480] =	vst v16  }
0x1b5: {  	v45 =	vmul.f32 v61, v5;
	v30 =	vmul.f32 v30, v59;
	v25 =	vadd.f32 v38, v25;
	[tilespmem:$0xA490] =	vst v22  }
0x1b6: {  	v48 =	vmul.f32 v13, v5;
	v44 =	vadd.f32 v42, v20;
	[tilespmem:$0xA4A0] =	vst v27;
	v41 =	vmul.f32 v26, v59  }
0x1b7: {  	v50 =	vmul.f32 v15, v5;
	v47 =	vadd.f32 v45, v17;
	[tilespmem:$0xA4B0] =	vst v30;
	v43 =	vmul.f32 v25, v59  }
0x1b8: {  	v54 =	vmul.f32 v31, v5;
	v1 =	vadd.f32 v48, v1;
	v49 =	vmul.f32 v44, v59;
	[tilespmem:$0xA500] =	vst v41  }
0x1b9: {  	v56 =	vmul.f32 v55, v5;
	v4 =	vadd.f32 v50, v4;
	v53 =	vmul.f32 v47, v59;
	[tilespmem:$0xA510] =	vst v43  }
0x1ba: {  	v58 =	vld [tilespmem:$0x1FF20];
	v2 =	vadd.f32 v54, v2;
	v1 =	vmul.f32 v1, v59;
	[tilespmem:$0xA550] =	vst v49  }
0x1bb: {  	v60 =	vadd.f32 v56, v9;
	v4 =	vmul.f32 v4, v59;
	[tilespmem:$0xA570] =	vst v53  }
0x1bc: {  	v10 =	vadd.f32 v63, v33;
	v2 =	vmul.f32 v2, v59;
	[tilespmem:$0xA590] =	vst v1  }
0x1bd: {  	v40 =	vmul.f32 v57, v5;
	v11 =	vadd.f32 v32, v34;
	v62 =	vmul.f32 v60, v59;
	[tilespmem:$0xA5A0] =	vst v4  }
0x1be: {  	v57 =	vmul.f32 v52, v5;
	v16 =	vadd.f32 v35, v29;
	v10 =	vmul.f32 v10, v59;
	[tilespmem:$0xA5C0] =	vst v2  }
0x1bf: {  	v22 =	vadd.f32 v36, v28;
	v5 =	vmul.f32 v58, v5;
	v11 =	vmul.f32 v11, v59;
	[tilespmem:$0xA5D0] =	vst v62  }
0x1c0: {  	v61 =	vadd.f32 v57, v7;
	v16 =	vmul.f32 v16, v59;
	[tilespmem:$0xA4C0] =	vst v10  }
0x1c1: {  	v22 =	vmul.f32 v22, v59;
	v3 =	vadd.f32 v5, v3;
	[tilespmem:$0xA4D0] =	vst v11  }
0x1c2: {  	v1 =	vmul.f32 v61, v59;
	v10 =	vadd.f32 v39, v24;
	[tilespmem:$0xA4E0] =	vst v16  }
0x1c3: {  	v11 =	vadd.f32 v40, v23;
	[tilespmem:$0xA4F0] =	vst v22;
	v63 =	vmul.f32 v3, v59  }
0x1c4: {  	[tilespmem:$0xA5E0] =	vst v1;
	v10 =	vmul.f32 v10, v59  }
0x1c5: {  	s14 =	sadd.s32 $0x1, s14;
	v11 =	vmul.f32 v11, v59;
	[tilespmem:$0xA5F0] =	vst v63  }
0x1c6: {  	p0 =	sne.s32 s14, $0x100;
	[tilespmem:$0xA520] =	vst v10  }
.Ltmp2:
0x1c7: {  	s15 =	sadd.s32 s8, s15;
	[tilespmem:$0xA530] =	vst v11;
	(pc) =	sbr.rel @p0 .LBB2_2-.Ltmp2, $4  }
0x1c8: {  	[hbm4b:s15+s31] =	stream.strided.scatter [tilespmem:s12], [sflag:$0x3], $0x200, s0, s31, $0x38;
	[tilespmem:$0xA600] =	vst v63  }
0x1c9: {  	_ =	swait.ge [sflag:s13], $0x200  }
0x1ca: {  	[sflag:s13] =	ssyncset.done $0x0  }
0x1cb: {  	[sflag:s13] =	ssyncadd.s32 $0xFFFFFE00  }
0x1cc: {  	s15 =	rddreg [dreg:$0x5]  }
0x1cd: {  	s14 =	rddreg [dreg:$0x4];
	s15 =	sadd.s32 $0x1, s15  }
0x1ce: {  	p0 =	sne.s32 s15, s14  }
.Ltmp3:
0x1cf: {  	_ = 	snop;
	(pc) =	sbr.rel @p0 .LBB2_1-.Ltmp3, $1  }
0x1d0: {  	_ =	sdelay $0x3  }
0x1d1: {  	_ =	sfence.sel $0x180000  }
0x1d2: {  	[bflag:$0x0] =	sbarrier.arrive $0xFFFF  }
0x1d3: {  	_ =	strace $0x9000004A  }
0x1d4: {  	s0 =	stileid.u32;
	[bflag:$0x2] =	sbarrier.arrive $0xFFFF  }
0x1d5: {  	p0 =	sne.s32 s0, $0x0;
	s0 =	rddreg [dreg:$0x2]  }
0x1d6: {  	s0 =	sadd.s32 @!p0 $0x100000, s0  }
0x1d7: {  	[sflag:s0] =	ssyncadd.tile.s32 @!p0 $0x1;
	_ =	shalt  }
.Lfunc_end2:
_tile_overlayer_lowered:
.L_overlay_start_2:
0x1d8: {  	(tag) =	ssettag $0x2  }
0x1d9: {  	s0 =	rddreg [dreg:$0x0];
	s2 =	stileid.u32  }
0x1da: {  	s1 =	rddreg [dreg:$0x1];
	p0 =	sne.s32 s2, $0x0  }
0x1db: {  	s3 =	rddreg [dreg:$0x2];
	[bflag:$0x3] =	sbarrier.arrive $0xFFFF;
	s2 =	simm.s32 @!p0 $0x1C03  }
0x1dc: {  	[timem:s3], [sflag:s2] =	dma.local @!p0 [hbm:s0], s1  }
0x1dd: {  	s0 =	simm.s32 @!p0 $0x3  }
0x1de: {  	_ =	swait.ge @!p0 [sflag:s0], s1  }
0x1df: {  	s1 =	ssub.s32 @!p0 $0x0, s1;
	[sflag:s0] =	ssyncset.done @!p0 $0x0  }
0x1e0: {  	[sflag:s0] =	ssyncadd.s32 @!p0 s1  }
0x1e1: {  	[bflag:$0x3] =	sbarrier.arrive $0xFFFF  }
0x1e2: {  	_ =	shalt  }

// kernel: kernel.7.cloned.1.call-start
scs
__scs_entry_jumppad:
0x0: {  	(pc) =	sbr.rel $0x88, $3  }
0x1: {  	(tag) =	ssettag $0x0;
	lr =	simm.s32 $0x1  }
0x2: {  	[smem:$0x3F93] =	sst lr;
	_ =	strace $0xD0000000  }
0x3: {  	_ = 	snop  }
0x4: {  	_ = 	snop  }
0x5: {  	_ = 	snop  }
0x6: {  	_ = 	snop  }
0x7: {  	_ = 	snop  }
__scs_overlays_trampoline_lowered:
0x8: {  	[smem:$0x3FA2] =	sst s0  }
0x9: {  	[smem:$0x3FA3] =	sst s1  }
0xa: {  	[smem:$0x3FA4] =	sst s2  }
0xb: {  	[smem:$0x3FA5] =	sst s3  }
0xc: {  	[smem:$0x3FA6] =	sst s4  }
0xd: {  	[smem:$0x3FA7] =	sst s5  }
0xe: {  	[smem:$0x3FA8] =	sst s6  }
0xf: {  	[smem:$0x3FA9] =	sst s7  }
0x10: {  	[smem:$0x3FAA] =	sst s8  }
0x11: {  	[smem:$0x3FAB] =	sst s9;
	s0 =	simm.s32 @!p0 $0x0  }
0x12: {  	s1 =	sld [smem:$0x3F91];
	s0 =	simm.s32 @p0 $0x1  }
0x13: {  	[smem:$0x3FAC] =	sst s0;
	s0 =	simm.s32 @!p1 $0x0  }
0x14: {  	s2 =	sld [smem:$0x3F90];
	s0 =	simm.s32 @p1 $0x1  }
0x15: {  	[smem:$0x3FAD] =	sst s0;
	s0 =	simm.s32 @!p2 $0x0  }
0x16: {  	s3 =	sld [smem:$0x3FDB];
	s0 =	simm.s32 @p2 $0x1  }
0x17: {  	s4 =	simm.s32 $0x1BF5;
	[smem:$0x3FAF] =	sst s0  }
0x18: {  	s0 =	sld [smem:$0x3F92];
	_ =	swait.ge [sflag:s4], $0x0  }
0x19: {  	s7 =	sld [smem:$0x3F93]  }
0x1a: {  	s8 =	sadd.s32 $0xFFFFE003, lr  }
0x1b: {  	s9 =	sadd.s32 $0xFFFFFEF7, lr;
	s5 =	simm.s32 $0xFFFFFFFF;
	p2 =	slt.u32 s8, $0xFFFFF086  }
0x1c: {  	p1 =	slt.u32 s9, $0xF7A;
	s5 =	simm.s32 @!p2 $0x0  }
0x1d: {  	s5 =	simm.s32 @p1 $0x1;
	p0 =	seq.s32 s7, s2  }
0x1e: {  	s7 =	smul.u32 @!p0 $0xF7A, s2;
	p2 =	seq.s32 @!p0 s5, $0x0  }
0x1f: {  	s9 =	smul.u32 $0xF7A, s1;
	s8 =	simm.s32 @!p0 $0x1BF5;
	p2 =	por !p2, p0  }
0x20: {  	[sflag:s8] =	ssyncset.s32 @!p0 $0xFFFFF086;
	s6 =	sadd.s32 @!p0 s3, s7;
	s7 =	simm.s32 @!p0 $0x108  }
0x21: {  	s3 =	sadd.s32 s3, s9;
	s6 =	sadd.s32 @!p0 $0x88, s6;
	s7 =	simm.s32 @p2 $0x1082  }
0x22: {  	[simem:s7], [sflag:s8] =	dma.local @!p0 [hbm:s6], $0xF7A  }
0x23: {  	s9 =	sor.u32 $0xD0000000, s2;
	s6 =	simm.s32 $0x108;
	_ =	swait.ge @!p0 [sflag:s8], $0x0  }
0x24: {  	s3 =	sadd.s32 $0x88, s3;
	s6 =	simm.s32 @!p1 $0x1082;
	[sflag:s4] =	ssyncset.s32 $0xFFFFF086  }
0x25: {  	[simem:s6], [sflag:s4] =	dma.local [hbm:s3], $0xF7A  }
0x26: {  	[smem:$0x3F93] =	sst s1;
	(tag) =	ssettag s2;
	_ =	strace s9  }
0x27: {  	s1 =	sld [smem:$0x3FA3]  }
0x28: {  	s2 =	sld [smem:$0x3FA4]  }
0x29: {  	s4 =	sld [smem:$0x3FA6]  }
0x2a: {  	p0 =	seq.s32 s5, $0x0;
	s5 =	sld [smem:$0x3FA7]  }
0x2b: {  	s6 =	sld [smem:$0x3FA8]  }
0x2c: {  	s7 =	sld [smem:$0x3FA9]  }
0x2d: {  	s3 =	simm.s32 $0x108;
	s8 =	sld [smem:$0x3FAA]  }
0x2e: {  	s3 =	simm.s32 @!p0 $0x1082;
	s9 =	sld [smem:$0x3FAB]  }
0x2f: {  	lr =	sadd.s32 s0, s3;
	s0 =	sld [smem:$0x3FA2]  }
0x30: {  	s3 =	sld [smem:$0x3FA5]  }
0x31: {  	[smem:$0x3FAE] =	sst s10  }
0x32: {  	s10 =	sld [smem:$0x3FAC];
	_ =	sdelay $0x3  }
0x33: {  	p0 =	seq.s32 s10, $0x1;
	s10 =	sld [smem:$0x3FAE];
	_ =	sdelay $0x3  }
0x34: {  	[smem:$0x3FAE] =	sst s10  }
0x35: {  	s10 =	sld [smem:$0x3FAD];
	_ =	sdelay $0x3  }
0x36: {  	p1 =	seq.s32 s10, $0x1;
	s10 =	sld [smem:$0x3FAE];
	_ =	sdelay $0x3  }
0x37: {  	[smem:$0x3FAE] =	sst s10  }
0x38: {  	s10 =	sld [smem:$0x3FAF]  }
0x39: {  	_ = 	snop;
	(pc) =	sbr.ind lr, $3  }
0x3a: {  	_ = 	snop  }
0x3b: {  	_ = 	snop  }
0x3c: {  	p2 =	seq.s32 s10, $0x1;
	s10 =	sld [smem:$0x3FAE]  }
0x3d: {  	_ =	shalt  }
0x3e: {  	_ =	shalt  }
0x3f: {  	_ =	shalt  }
0x40: {  	_ =	shalt  }
0x41: {  	_ =	shalt  }
0x42: {  	_ =	shalt  }
0x43: {  	_ =	shalt  }
0x44: {  	_ =	shalt  }
0x45: {  	_ =	shalt  }
0x46: {  	_ =	shalt  }
0x47: {  	_ =	shalt  }
0x48: {  	_ =	shalt  }
0x49: {  	_ =	shalt  }
0x4a: {  	_ =	shalt  }
0x4b: {  	_ =	shalt  }
0x4c: {  	_ =	shalt  }
0x4d: {  	_ =	shalt  }
0x4e: {  	_ =	shalt  }
0x4f: {  	_ =	shalt  }
0x50: {  	_ =	shalt  }
0x51: {  	_ =	shalt  }
0x52: {  	_ =	shalt  }
0x53: {  	_ =	shalt  }
0x54: {  	_ =	shalt  }
0x55: {  	_ =	shalt  }
0x56: {  	_ =	shalt  }
0x57: {  	_ =	shalt  }
0x58: {  	_ =	shalt  }
0x59: {  	_ =	shalt  }
0x5a: {  	_ =	shalt  }
0x5b: {  	_ =	shalt  }
0x5c: {  	_ =	shalt  }
0x5d: {  	_ =	shalt  }
0x5e: {  	_ =	shalt  }
0x5f: {  	_ =	shalt  }
0x60: {  	_ =	shalt  }
0x61: {  	_ =	shalt  }
0x62: {  	_ =	shalt  }
0x63: {  	_ =	shalt  }
0x64: {  	_ =	shalt  }
0x65: {  	_ =	shalt  }
0x66: {  	_ =	shalt  }
0x67: {  	_ =	shalt  }
0x68: {  	_ =	shalt  }
0x69: {  	_ =	shalt  }
0x6a: {  	_ =	shalt  }
0x6b: {  	_ =	shalt  }
0x6c: {  	_ =	shalt  }
0x6d: {  	_ =	shalt  }
0x6e: {  	_ =	shalt  }
0x6f: {  	_ =	shalt  }
0x70: {  	_ =	shalt  }
0x71: {  	_ =	shalt  }
0x72: {  	_ =	shalt  }
0x73: {  	_ =	shalt  }
0x74: {  	_ =	shalt  }
0x75: {  	_ =	shalt  }
0x76: {  	_ =	shalt  }
0x77: {  	_ =	shalt  }
0x78: {  	_ =	shalt  }
0x79: {  	_ =	shalt  }
0x7a: {  	_ =	shalt  }
0x7b: {  	_ =	shalt  }
0x7c: {  	_ =	shalt  }
0x7d: {  	_ =	shalt  }
0x7e: {  	_ =	shalt  }
0x7f: {  	_ =	shalt  }
0x80: {  	_ =	shalt  }
0x81: {  	_ =	shalt  }
0x82: {  	_ =	shalt  }
0x83: {  	_ =	shalt  }
0x84: {  	_ =	shalt  }
0x85: {  	_ =	shalt  }
0x86: {  	_ =	shalt  }
0x87: {  	_ =	shalt  }
.Lfunc_end0:
.L_simem_size_0:
called_computation_lowered:
.L_overlay_start_0:
0x88: {  	s2 =	sld [smem:$0x3FD9]  }
0x89: {  	s3 =	sld [smem:$0x3FFE];
	_ =	sdelay $0x1  }
0x8a: {  	s1 =	srdreg.scid  }
0x8b: {  	s0 =	sand.u32 $0x1, s1  }
0x8c: {  	s16 =	sshll.u32 s0, $0xA;
	s2 =	sadd.s32 s3, s2  }
0x8d: {  	s2 =	sadd.s32 s2, s16  }
0x8e: {  	[smem:$0x3FBA] =	sst s2  }
0x8f: {  	_ = 	snop  }
0x90: {  	(tm) =	ssettm $0x1  }
0x91: {  	s17 =	sld [smem:$0x3FFB];
	_ =	sdelay $0x3  }
0x92: {  	_ =	strace s17  }
0x93: {  	s2 =	sld [smem:$0x3FFC];
	_ =	sdelay $0x3  }
0x94: {  	_ =	strace s2  }
0x95: {  	s2 =	sld [smem:$0x3FFD];
	_ =	sdelay $0x3  }
0x96: {  	_ =	strace s2  }
0x97: {  	_ =	strace $0x8FFFFFFF  }
0x98: {  	s18 =	sld [smem:$0x3FDB];
	_ =	sdelay $0x1  }
0x99: {  	s19 =	simm.s32 $_scs_section_size  }
0x9a: {  	s4 =	simm.s32 $_size__tile_overlayer_lowered;
	s5 =	simm.s32 $_tile_overlayer_lowered  }
0x9b: {  	s22 =	simm.s32 $0x1BFF;
	s21 =	sshll.u32 s5, $0x1;
	s2 =	sadd.s32 s19, s18  }
0x9c: {  	s6 =	simm.s32 $0x0;
	s20 =	sshll.u32 s4, $0x1;
	s4 =	sadd.s32 s21, s2  }
0x9d: {  	[timem:s6], [sflag:s22] =	dma.local [hbm:s4], s20  }
0x9e: {  	_ =	swait.ge [sflag:s22], s20  }
0x9f: {  	s3 =	ssub.s32 $0x0, s20;
	[sflag:s22] =	ssyncset.done $0x0  }
0xa0: {  	[sflag:s22] =	ssyncadd.s32 s3;
	_ =	sdelay $0x1  }
0xa1: {  	s23 =	simm.s32 $0x1B8B  }
0xa2: {  	_ =	swait.ge [sflag:s23], $0x1  }
0xa3: {  	[sflag:s23] =	ssyncset.done $0x0  }
0xa4: {  	s25 =	simm.s32 $0x1B8E;
	s24 =	sld [smem:$0x3FFE];
	[sflag:s23] =	ssyncadd.s32 $0xFFFFFFFF  }
0xa5: {  	s26 =	simm.s32 $execute0_lowered;
	[smem:$0x3FD2] =	sst s25  }
0xa6: {  	s4 =	sshll.u32 s26, $0x1;
	_ =	strace $0x80000046;
	[dreg:$0x1] =	wrdreg $0xFFFFFFFF  }
0xa7: {  	s28 =	simm.s32 $_size_execute0_lowered;
	s2 =	sadd.s32 s2, s4;
	[dreg:$0x0] =	wrdreg $0x0  }
0xa8: {  	s4 =	sshll.u32 s28, $0x1;
	[dreg:$0x2] =	wrdreg s2  }
0xa9: {  	[dreg:$0x3] =	wrdreg s4  }
0xaa: {  	[dreg:$0x4] =	wrdreg $0xC0  }
0xab: {  	_ =	task [dreg:s6], $0x5FFFF  }
0xac: {  	[dreg:$0x1] =	wrdreg $0xFFFFFFFF  }
0xad: {  	[dreg:$0x0] =	wrdreg $0x60  }
0xae: {  	[dreg:$0x2] =	wrdreg s24  }
0xaf: {  	[dreg:$0x3] =	wrdreg $0x9  }
0xb0: {  	_ =	task.clear_ibuf [dreg:s6], $0x4FFFF;
	_ =	strace $0x90000046  }
0xb1: {  	s29 =	simm.s32 $0x9;
	_ =	strace $0x80000048  }
0xb2: {  	_ =	swait.ge [sflag:s29], $0x1  }
0xb3: {  	[sflag:s29] =	ssyncadd.s32 $0xFFFFFFFF  }
0xb4: {  	_ =	strace $0x90000048  }
0xb5: {  	_ =	sfence  }
0xb6: {  	s30 =	sld [smem:$0x0];
	_ =	sdelay $0x2  }
0xb7: {  	s31 =	sshll.u32 s1, $0xD;
	s1 =	sshrl.u32 s1, $0x2  }
0xb8: {  	s3 =	sand.u32 $0x4000, s31;
	s1 =	sadd.s32 s1, s30  }
0xb9: {  	s0 =	sor.u32 s3, s0;
	s1 =	sshll.u32 s1, $0x11  }
0xba: {  	s0 =	sor.u32 s1, s0  }
0xbb: {  	s0 =	sadd.s32 $0x8F2B, s0  }
0xbc: {  	[sflag:s0] =	ssyncadd.remote.s32 $0x1  }
0xbd: {  	_ =	sfence.sel $0xFFFF  }
0xbe: {  	[dreg:$0x0] =	wrdreg $0xFFFFFFFF;
	(pc) =	sbr.abs _section_cstart, $3  }
0xbf: {  	[dreg:$0x1] =	wrdreg $0xFFFFFFFF  }
0xc0: {  	_ =	task.clear_ibuf [dreg:s6], $0x2FFFF;
	_ =	strace $0x9FFFFFFF  }
0xc1: {  	(tm) =	ssettm $0x7FFFFFFF  }
tec
execute0_lowered:
.L_overlay_start_1:
0x0: {  	(tag) =	ssettag $0x1  }
0x1: {  	s7 =	rddreg [dreg:$0x0]  }
0x2: {  	s0 =	rddreg [dreg:$0x1];
	s1 =	simm.s32 $0x0;
	s8 =	srdreg.scid  }
0x3: {  	s14 =	simm.s32 $0x1;
	s15 =	simm.s32 $0x2000;
	s16 =	simm.s32 $0x4000  }
0x4: {  	s17 =	simm.s32 $0x6000;
	s18 =	simm.s32 $0x8000;
	s19 =	simm.s32 $0xA000  }
0x5: {  	s20 =	simm.s32 $0xC000;
	[smem:$0x7FF] =	sst s1;
	s2 =	sadd.s32 $0x3C00, s7  }
0x6: {  	s3 =	sadd.s32 $0x3800, s7;
	s4 =	sadd.s32 $0x3400, s7;
	s5 =	sadd.s32 $0x4800, s7  }
0x7: {  	s6 =	sadd.s32 $0x4400, s7;
	s11 =	sand.u32 $0x1, s8;
	s8 =	sadd.s32 $0x4000, s7  }
0x8: {  	s9 =	sadd.s32 $0x84C00, s7;
	s10 =	sadd.s32 $0x4C00, s7;
	s7 =	stileid.u32  }
0x9: {  	_ =	strace $0x80000047;
	s12 =	ssub.s32 $0x2, s11;
	s31 =	sshll.u32 s7, $0x9  }
.Ltmp0:
0xa: {  	v0 =	vlaneseq.u32;
	s11 =	sshll.u32 s11, $0x8;
	s13 =	sshrl.u32 s12, $0x1;
	(pc) =	sbr.rel .LBB2_1-.Ltmp0, $4  }
0xb: {  	v5 =	vmul.u32 $0xFFFFFFFF, v0;
	s11 =	sor.u32 s11, s31;
	s13 =	ssub.s32 s12, s13;
	s12 =	sand.u32 $0x1000, s31  }
0xc: {  	v1 =	vimm.f32 $0.0e+00;
	v24 =	vimm.f32 $3.000000010e+38;
	s13 =	smax.u32 s13, $0x1;
	s21 =	sor.u32 $0x6070, s12;
	s22 =	sor.u32 $0x8070, s12  }
0xd: {  	v2 =	vimm.s32 $0x0;
	v5 =	vadd.s32 $0xF, v5;
	s23 =	sor.u32 $0xA070, s12;
	s24 =	sor.u32 $0xC070, s12;
	v3 =	vmov s21;
	s21 =	simm.s32 $0xF000  }
0xe: {  	v4 =	vmov s22;
	s22 =	simm.s32 $0x10080;
	v6 =	vmov s23;
	s23 =	simm.s32 $0x11900;
	v7 =	vmov s24;
	s24 =	simm.s32 $0x0  }
.LBB2_19:
0xf: {  	s24 =	sadd.s32 $0x1, s24  }
0x10: {  	p0 =	sne.s32 s24, s13  }
.Ltmp1:
0x11: {  	_ = 	snop;
	(pc) =	sbr.rel @!p0 .LBB2_20-.Ltmp1, $1  }
0x12: {  	_ =	sdelay $0x3  }
.LBB2_1:
0x13: {  	[tilespmem:s1], [sflag:$0x1] =	stream.linear.gather [hbm4b:s2+s1], $0x2000, $0x38;
	[tilespmem:$0x19900] =	vst v63  }
0x14: {  	_ =	swait.ge [sflag:s14], $0x2000  }
0x15: {  	[sflag:s14] =	ssyncset.done $0x0  }
0x16: {  	[sflag:s14] =	ssyncadd.s32 $0xFFFFE000  }
0x17: {  	[tilespmem:s15], [sflag:$0x1] =	stream.linear.gather [hbm4b:s3+s1], $0x2000, $0x38;
	[tilespmem:$0x19900] =	vst v63  }
0x18: {  	_ =	swait.ge [sflag:s14], $0x2000  }
0x19: {  	[sflag:s14] =	ssyncset.done $0x0  }
0x1a: {  	[sflag:s14] =	ssyncadd.s32 $0xFFFFE000  }
0x1b: {  	[tilespmem:s16], [sflag:$0x1] =	stream.linear.gather [hbm4b:s4+s1], $0x2000, $0x38;
	[tilespmem:$0x19900] =	vst v63  }
0x1c: {  	_ =	swait.ge [sflag:s14], $0x2000  }
0x1d: {  	[sflag:s14] =	ssyncset.done $0x0  }
0x1e: {  	[sflag:s14] =	ssyncadd.s32 $0xFFFFE000  }
0x1f: {  	[tilespmem:s17], [sflag:$0x1] =	stream.linear.gather [hbm4b:s5+s1], $0x2000, $0x38;
	[tilespmem:$0x19900] =	vst v63  }
0x20: {  	_ =	swait.ge [sflag:s14], $0x2000  }
0x21: {  	[sflag:s14] =	ssyncset.done $0x0  }
0x22: {  	[sflag:s14] =	ssyncadd.s32 $0xFFFFE000  }
0x23: {  	[tilespmem:s18], [sflag:$0x1] =	stream.linear.gather [hbm4b:s6+s1], $0x2000, $0x38;
	[tilespmem:$0x19900] =	vst v63  }
0x24: {  	_ =	swait.ge [sflag:s14], $0x2000  }
0x25: {  	[sflag:s14] =	ssyncset.done $0x0  }
0x26: {  	[sflag:s14] =	ssyncadd.s32 $0xFFFFE000  }
0x27: {  	[tilespmem:s19], [sflag:$0x1] =	stream.linear.gather [hbm4b:s8+s1], $0x2000, $0x38;
	[tilespmem:$0x19900] =	vst v63  }
0x28: {  	_ =	swait.ge [sflag:s14], $0x2000  }
0x29: {  	[sflag:s14] =	ssyncset.done $0x0  }
0x2a: {  	s25 =	simm.s32 $0x0;
	[sflag:s14] =	ssyncadd.s32 $0xFFFFE000  }
0x2b: {  	v8 =	vld [tilespmem:s25+$0x0]  }
0x2c: {  	v9 =	vld [tilespmem:s25+$0x2000]  }
0x2d: {  	v10 =	vld [tilespmem:s25+$0x4000];
	_ =	sdelay $0x2  }
0x2e: {  	s26 =	simm.s32 $0x10  }
0x2f: {  	v11 =	vmul.f32 v8, v8;
	v9 =	vmul.f32 v9, v9;
	v8 =	vld [tilespmem:s26+$0x0]  }
0x30: {  	v12 =	vmul.f32 v10, v10;
	v10 =	vld [tilespmem:s26+$0x2000]  }
0x31: {  	v11 =	vadd.f32 v9, v11  }
0x32: {  	v9 =	vld [tilespmem:s26+$0x4000]  }
0x33: {  	s28 =	simm.s32 $0x80;
	v11 =	vadd.f32 v12, v11  }
.LBB2_2:
0x34: {  	s29 =	sshra.s32 s28, $0x2;
	p0 =	sne.s32 s28, $0x7FC0  }
.Ltmp2:
0x35: {  	s28 =	sadd.s32 $0x40, s28;
	v12 =	vmul.f32 v8, v8;
	v8 =	vld [tilespmem:s29+$0x0];
	v13 =	vmul.f32 v10, v10;
	[tilespmem:s25+$0xC000] =	vst v11;
	(pc) =	sbr.rel @p0 .LBB2_2-.Ltmp2, $4  }
0x36: {  	s25 =	smov.u32 s26;
	s26 =	smov.u32 s29;
	v10 =	vld [tilespmem:s29+$0x2000]  }
0x37: {  	v11 =	vadd.f32 v13, v12;
	v12 =	vmul.f32 v9, v9  }
0x38: {  	v9 =	vld [tilespmem:s26+$0x4000]  }
0x39: {  	v11 =	vadd.f32 v12, v11  }
0x3a: {  	_ = 	snop  }
0x3b: {  	v8 =	vmul.f32 v8, v8;
	v10 =	vmul.f32 v10, v10;
	_ =	sdelay $0x1  }
0x3c: {  	v8 =	vadd.f32 v10, v8;
	v9 =	vmul.f32 v9, v9;
	_ =	sdelay $0x1  }
0x3d: {  	v8 =	vadd.f32 v9, v8  }
0x3e: {  	[tilespmem:s25+$0xC000] =	vst v11  }
0x3f: {  	s28 =	simm.s32 $0x0;
	s25 =	simm.s32 $0x0;
	[tilespmem:s26+$0xC000] =	vst v8;
	s26 =	simm.s32 $0x40  }
.LBB2_4:
0x40: {  	p0 =	sne.s32 s26, $0x1FFC0;
	[tilespmem:s28+$0x11900] =	vst v1;
	s28 =	smov.u32 s26;
	s26 =	sadd.s32 $0x40, s26  }
.Ltmp3:
0x41: {  	(pc) =	sbr.rel @p0 .LBB2_4-.Ltmp3, $2  }
0x42: {  	_ =	sdelay $0x2  }
0x43: {  	s28 =	sshra.s32 s28, $0x2  }
.Ltmp4:
0x44: {  	(pc) =	sbr.rel .LBB2_6-.Ltmp4, $2  }
0x45: {  	_ =	sdelay $0x2  }
0x46: {  	[tilespmem:s28+$0x11900] =	vst v1  }
.LBB2_11:
0x47: {  	v12 =	vimm.s32 $0x0  }
.LBB2_18:
0x48: {  	s26 =	sand.u32 $0x3F, s25  }
0x49: {  	s28 =	sshll.u32 s26, $0x5  }
0x4a: {  	v13 =	vand.u32 $0x7, v0;
	[tilespmem:s28+$0x11100] =	vst v11  }
0x4b: {  	v14 =	vmul.u32 $0x10, v0;
	v13 =	vmul.u32 $0x10, v13;
	[tilespmem:s28+$0x11110] =	vst v12  }
0x4c: {  	s31 =	sshll.u32 s26, $0x9;
	v15 =	vld.idx.msk [tilespmem:v11+s1+$0x0], $0xffff  }
0x4d: {  	v16 =	vor.u32 s31, v14;
	v17 =	vor.u32 $0xFFFFFE80, v13  }
0x4e: {  	v16 =	vand.u32 v17, v16;
	_ =	sdelay $0x2  }
0x4f: {  	v15 =	vsub.f32 v10, v15;
	_ =	sdelay $0x1  }
0x50: {  	[tilespmem:v16+s23+$0x0] =	vst.idx.msk $0xffff, v15  }
0x51: {  	v15 =	vld.idx.msk [tilespmem:v11+s15+$0x0], $0xffff  }
0x52: {  	v55 =	vor.u32 $0x1, v14  }
0x53: {  	v56 =	vor.u32 s31, v55;
	_ =	sdelay $0x2  }
0x54: {  	v15 =	vsub.f32 v9, v15;
	_ =	sdelay $0x1  }
0x55: {  	[tilespmem:v56+s23+$0x0] =	vst.idx.msk $0xffff, v15  }
0x56: {  	v57 =	vld.idx.msk [tilespmem:v11+s16+$0x0], $0xffff  }
0x57: {  	v58 =	vor.u32 $0x2, v14  }
0x58: {  	v59 =	vor.u32 s31, v58;
	_ =	sdelay $0x2  }
0x59: {  	v11 =	vsub.f32 v8, v57;
	_ =	sdelay $0x1  }
0x5a: {  	[tilespmem:v59+s23+$0x0] =	vst.idx.msk $0xffff, v11  }
0x5b: {  	s28 =	sor.u32 $0x100, s31;
	v11 =	vld.idx.msk [tilespmem:v12+s1+$0x0], $0xffff  }
0x5c: {  	v14 =	vor.u32 s28, v14;
	v13 =	vor.u32 $0xFFFFFF80, v13  }
0x5d: {  	v13 =	vand.u32 v13, v14;
	_ =	sdelay $0x2  }
0x5e: {  	v60 =	vsub.f32 v10, v11;
	_ =	sdelay $0x1  }
0x5f: {  	[tilespmem:v13+s23+$0x0] =	vst.idx.msk $0xffff, v60  }
0x60: {  	v10 =	vld.idx.msk [tilespmem:v12+s15+$0x0], $0xffff;
	_ =	sdelay $0x1  }
0x61: {  	v61 =	vor.u32 s28, v55;
	_ =	sdelay $0x2  }
0x62: {  	v62 =	vsub.f32 v9, v10;
	_ =	sdelay $0x1  }
0x63: {  	[tilespmem:v61+s23+$0x0] =	vst.idx.msk $0xffff, v62  }
0x64: {  	v9 =	vld.idx.msk [tilespmem:v12+s16+$0x0], $0xffff;
	_ =	sdelay $0x1  }
0x65: {  	v63 =	vor.u32 s28, v58;
	_ =	sdelay $0x1  }
0x66: {  	p0 =	sne.s32 s26, $0x3F;
	s28 =	sand.u32 $0xC0, s25  }
0x67: {  	s26 =	sor.u32 @!p0 s11, s28;
	v8 =	vsub.f32 v8, v9  }
0x68: {  	s28 =	sshll.u32 @!p0 s26, $0x2  }
0x69: {  	s29 =	simm.s32 @!p0 $0x0;
	s30 =	simm.s32 @!p0 $0x11100;
	s28 =	sadd.s32 @!p0 s9, s28;
	[tilespmem:v63+s23+$0x0] =	vst.idx.msk $0xffff, v8  }
0x6a: {  	[hbm4b:s28+s29] =	stream.linear.scatter @!p0 [tilespmem:s30], [sflag:$0x2], $0x800, $0x38;
	[tilespmem:$0x19900] =	vst v63  }
0x6b: {  	s28 =	simm.s32 @!p0 $0x2  }
0x6c: {  	s25 =	sadd.s32 $0x1, s25;
	_ =	swait.ge @!p0 [sflag:s28], $0x800  }
0x6d: {  	p1 =	sne.s32 s25, $0x100;
	s26 =	sshll.u32 @!p0 s26, $0x6;
	[sflag:s28] =	ssyncset.done @!p0 $0x0  }
0x6e: {  	s26 =	sadd.s32 @!p0 s10, s26;
	[sflag:s28] =	ssyncadd.s32 @!p0 $0xFFFFF800;
	s28 =	simm.s32 @!p0 $0x11900  }
0x6f: {  	[hbm4b:s26+s29] =	stream.linear.scatter @!p0 [tilespmem:s28], [sflag:$0x1], $0x8000, $0x38;
	[tilespmem:$0x19900] =	vst v63  }
.Ltmp5:
0x70: {  	_ = 	snop;
	(pc) =	sbr.rel @!p1 .LBB2_19-.Ltmp5, $4  }
0x71: {  	s26 =	simm.s32 @!p0 $0x1  }
0x72: {  	_ =	swait.ge @!p0 [sflag:s26], $0x8000  }
0x73: {  	[sflag:s26] =	ssyncset.done @!p0 $0x0  }
0x74: {  	[sflag:s26] =	ssyncadd.s32 @!p0 $0xFFFF8000  }
.LBB2_6:
0x75: {  	s26 =	sor.u32 s11, s25  }
0x76: {  	v8 =	vmov s26;
	_ =	sdelay $0x1  }
0x77: {  	s26 =	simm.s32 $0x0  }
0x78: {  	v9 =	vld.idx.msk [tilespmem:v3+s26+$0xFFFFFF90 ss:$0x1], $0xffff  }
0x79: {  	v10 =	vld.idx.msk [tilespmem:v4+s26+$0xFFFFFF90 ss:$0x1], $0xffff  }
0x7a: {  	v11 =	vld.idx.msk [tilespmem:v8+s17+$0x0], $0xffff  }
0x7b: {  	v12 =	vld.idx.msk [tilespmem:v8+s18+$0x0], $0xffff  }
0x7c: {  	v15 =	vld.idx.msk [tilespmem:v6+s26+$0xFFFFFF90 ss:$0x1], $0xffff  }
0x7d: {  	v14 =	vld.idx.msk [tilespmem:v8+s19+$0x0], $0xffff;
	_ =	sdelay $0x2  }
0x7e: {  	v16 =	vld.idx.msk [tilespmem:v7+s26+$0xFFFFFF90 ss:$0x1], $0xffff;
	v9 =	vmul.f32 v9, v11;
	v10 =	vmul.f32 v10, v12  }
0x7f: {  	v13 =	vld.idx.msk [tilespmem:v8+s20+$0x0], $0xffff  }
0x80: {  	v9 =	vadd.f32 v10, v9;
	v10 =	vmul.f32 v15, v14;
	_ =	sdelay $0x1  }
0x81: {  	v9 =	vadd.f32 v10, v9;
	_ =	sdelay $0x1  }
0x82: {  	v15 =	vadd.f32 v16, v13;
	v9 =	vadd.f32 v9, v9;
	_ =	sdelay $0x1  }
0x83: {  	s28 =	simm.s32 $0x0;
	v15 =	vsub.f32 v15, v9  }
0x84: {  	v10 =	vld.idx.msk [tilespmem:v8+s28+$0x0], $0xffff  }
0x85: {  	v9 =	vld.idx.msk [tilespmem:v8+s15+$0x0], $0xffff;
	v15 =	vmax.f32 v15, $0.0e+00  }
0x86: {  	v8 =	vld.idx.msk [tilespmem:v8+s16+$0x0], $0xffff;
	[tilespmem:s26+$0xE000] =	vst v15  }
0x87: {  	v16 =	vld.idx.msk [tilespmem:v3+s26+$0xFFFFFFA0 ss:$0x1], $0xffff  }
0x88: {  	v17 =	vld.idx.msk [tilespmem:v4+s26+$0xFFFFFFA0 ss:$0x1], $0xffff;
	_ =	sdelay $0x1  }
0x89: {  	v18 =	vld.idx.msk [tilespmem:v6+s26+$0xFFFFFFA0 ss:$0x1], $0xffff;
	_ =	sdelay $0x2  }
0x8a: {  	v16 =	vmul.f32 v16, v11;
	v17 =	vmul.f32 v17, v12  }
0x8b: {  	v19 =	vld.idx.msk [tilespmem:v7+s26+$0xFFFFFFA0 ss:$0x1], $0xffff  }
0x8c: {  	v16 =	vadd.f32 v17, v16;
	v17 =	vmul.f32 v18, v14;
	_ =	sdelay $0x1  }
0x8d: {  	v16 =	vadd.f32 v17, v16;
	_ =	sdelay $0x1  }
0x8e: {  	v17 =	vadd.f32 v19, v13;
	v16 =	vadd.f32 v16, v16;
	_ =	sdelay $0x1  }
0x8f: {  	v16 =	vsub.f32 v17, v16;
	_ =	sdelay $0x1  }
0x90: {  	v16 =	vmax.f32 v16, $0.0e+00  }
0x91: {  	[tilespmem:s26+$0xE010] =	vst v16  }
0x92: {  	v17 =	vld.idx.msk [tilespmem:v3+s26+$0xFFFFFFB0 ss:$0x1], $0xffff  }
0x93: {  	v18 =	vld.idx.msk [tilespmem:v4+s26+$0xFFFFFFB0 ss:$0x1], $0xffff;
	_ =	sdelay $0x1  }
0x94: {  	v19 =	vld.idx.msk [tilespmem:v6+s26+$0xFFFFFFB0 ss:$0x1], $0xffff;
	_ =	sdelay $0x2  }
0x95: {  	v17 =	vmul.f32 v17, v11;
	v18 =	vmul.f32 v18, v12  }
0x96: {  	v20 =	vld.idx.msk [tilespmem:v7+s26+$0xFFFFFFB0 ss:$0x1], $0xffff  }
0x97: {  	v17 =	vadd.f32 v18, v17;
	v18 =	vmul.f32 v19, v14;
	_ =	sdelay $0x1  }
0x98: {  	v17 =	vadd.f32 v18, v17;
	_ =	sdelay $0x1  }
0x99: {  	v18 =	vadd.f32 v20, v13;
	v17 =	vadd.f32 v17, v17;
	_ =	sdelay $0x1  }
0x9a: {  	v17 =	vsub.f32 v18, v17;
	_ =	sdelay $0x1  }
0x9b: {  	v17 =	vmax.f32 v17, $0.0e+00  }
0x9c: {  	[tilespmem:s26+$0xE020] =	vst v17  }
0x9d: {  	v18 =	vld.idx.msk [tilespmem:v3+s26+$0xFFFFFFC0 ss:$0x1], $0xffff  }
0x9e: {  	v19 =	vld.idx.msk [tilespmem:v4+s26+$0xFFFFFFC0 ss:$0x1], $0xffff;
	_ =	sdelay $0x1  }
0x9f: {  	v20 =	vld.idx.msk [tilespmem:v6+s26+$0xFFFFFFC0 ss:$0x1], $0xffff;
	_ =	sdelay $0x2  }
0xa0: {  	v18 =	vmul.f32 v18, v11;
	v19 =	vmul.f32 v19, v12  }
0xa1: {  	v21 =	vld.idx.msk [tilespmem:v7+s26+$0xFFFFFFC0 ss:$0x1], $0xffff  }
0xa2: {  	v18 =	vadd.f32 v19, v18;
	v19 =	vmul.f32 v20, v14;
	_ =	sdelay $0x1  }
0xa3: {  	v18 =	vadd.f32 v19, v18;
	_ =	sdelay $0x1  }
0xa4: {  	v19 =	vadd.f32 v21, v13;
	v18 =	vadd.f32 v18, v18;
	_ =	sdelay $0x1  }
0xa5: {  	v18 =	vsub.f32 v19, v18;
	_ =	sdelay $0x1  }
0xa6: {  	v18 =	vmax.f32 v18, $0.0e+00  }
0xa7: {  	[tilespmem:s26+$0xE030] =	vst v18  }
0xa8: {  	v19 =	vld.idx.msk [tilespmem:v3+s26+$0xFFFFFFD0 ss:$0x1], $0xffff  }
0xa9: {  	v20 =	vld.idx.msk [tilespmem:v4+s26+$0xFFFFFFD0 ss:$0x1], $0xffff;
	_ =	sdelay $0x1  }
0xaa: {  	v21 =	vld.idx.msk [tilespmem:v6+s26+$0xFFFFFFD0 ss:$0x1], $0xffff;
	_ =	sdelay $0x2  }
0xab: {  	v19 =	vmul.f32 v19, v11;
	v20 =	vmul.f32 v20, v12  }
0xac: {  	v22 =	vld.idx.msk [tilespmem:v7+s26+$0xFFFFFFD0 ss:$0x1], $0xffff  }
0xad: {  	v19 =	vadd.f32 v20, v19;
	v20 =	vmul.f32 v21, v14;
	_ =	sdelay $0x1  }
0xae: {  	v19 =	vadd.f32 v20, v19;
	_ =	sdelay $0x1  }
0xaf: {  	v20 =	vadd.f32 v22, v13;
	v19 =	vadd.f32 v19, v19;
	_ =	sdelay $0x1  }
0xb0: {  	v19 =	vsub.f32 v20, v19;
	_ =	sdelay $0x1  }
0xb1: {  	v19 =	vmax.f32 v19, $0.0e+00  }
0xb2: {  	[tilespmem:s26+$0xE040] =	vst v19  }
0xb3: {  	v20 =	vld.idx.msk [tilespmem:v3+s26+$0xFFFFFFE0 ss:$0x1], $0xffff  }
0xb4: {  	v21 =	vld.idx.msk [tilespmem:v4+s26+$0xFFFFFFE0 ss:$0x1], $0xffff;
	_ =	sdelay $0x1  }
0xb5: {  	v22 =	vld.idx.msk [tilespmem:v6+s26+$0xFFFFFFE0 ss:$0x1], $0xffff;
	_ =	sdelay $0x2  }
0xb6: {  	v20 =	vmul.f32 v20, v11;
	v21 =	vmul.f32 v21, v12  }
0xb7: {  	v23 =	vld.idx.msk [tilespmem:v7+s26+$0xFFFFFFE0 ss:$0x1], $0xffff  }
0xb8: {  	v20 =	vadd.f32 v21, v20;
	v21 =	vmul.f32 v22, v14;
	_ =	sdelay $0x1  }
0xb9: {  	v20 =	vadd.f32 v21, v20;
	_ =	sdelay $0x1  }
0xba: {  	v21 =	vadd.f32 v23, v13;
	v20 =	vadd.f32 v20, v20;
	_ =	sdelay $0x1  }
0xbb: {  	v20 =	vsub.f32 v21, v20;
	_ =	sdelay $0x1  }
0xbc: {  	v20 =	vmax.f32 v20, $0.0e+00  }
0xbd: {  	[tilespmem:s26+$0xE050] =	vst v20  }
0xbe: {  	v21 =	vld.idx.msk [tilespmem:v3+s26+$0xFFFFFFF0 ss:$0x1], $0xffff  }
0xbf: {  	v22 =	vld.idx.msk [tilespmem:v4+s26+$0xFFFFFFF0 ss:$0x1], $0xffff;
	_ =	sdelay $0x1  }
0xc0: {  	v23 =	vld.idx.msk [tilespmem:v6+s26+$0xFFFFFFF0 ss:$0x1], $0xffff;
	_ =	sdelay $0x2  }
0xc1: {  	v21 =	vmul.f32 v21, v11;
	v22 =	vmul.f32 v22, v12;
	_ =	sdelay $0x1  }
0xc2: {  	v23 =	vmul.f32 v23, v14;
	v21 =	vadd.f32 v22, v21;
	v22 =	vld.idx.msk [tilespmem:v7+s26+$0xFFFFFFF0 ss:$0x1], $0xffff  }
0xc3: {  	vm0 =	vlt.f32 v15, v24;
	v15 =	vmin.f32 v24, v15  }
0xc4: {  	v21 =	vadd.f32 v23, v21;
	v23 =	vsel vm0, v24, v15  }
0xc5: {  	vm10 =	vlt.f32 v16, v15;
	v23 =	vmin.f32 v23, v16;
	v16 =	vmin.f32 v15, v16  }
0xc6: {  	v15 =	vsel vm10, v15, v23;
	vm11 =	vlt.f32 v17, v16  }
0xc7: {  	v21 =	vadd.f32 v21, v21;
	v15 =	vmin.f32 v15, v17;
	v22 =	vadd.f32 v22, v13  }
0xc8: {  	v15 =	vsel vm11, v16, v15;
	v16 =	vmin.f32 v16, v17  }
0xc9: {  	vm12 =	vlt.f32 v18, v16;
	v15 =	vmin.f32 v15, v18;
	v17 =	vsub.f32 v22, v21  }
0xca: {  	v15 =	vsel vm12, v16, v15;
	v16 =	vmin.f32 v16, v18  }
0xcb: {  	vm13 =	vlt.f32 v19, v16;
	v18 =	vmin.f32 v15, v19;
	v15 =	vmax.f32 v17, $0.0e+00  }
0xcc: {  	v17 =	vsel vm13, v16, v18;
	v16 =	vmin.f32 v16, v19;
	[tilespmem:s26+$0xE060] =	vst v15  }
0xcd: {  	vm14 =	vlt.f32 v20, v16;
	v17 =	vmin.f32 v17, v20;
	v19 =	vld.idx.msk [tilespmem:v3+s26+$0x0 ss:$0x1], $0xffff  }
0xce: {  	v21 =	vld.idx.msk [tilespmem:v6+s26+$0x0 ss:$0x1], $0xffff;
	v17 =	vsel vm14, v16, v17;
	v16 =	vmin.f32 v16, v20  }
0xcf: {  	v20 =	vld.idx.msk [tilespmem:v4+s26+$0x0 ss:$0x1], $0xffff;
	vm15 =	vlt.f32 v15, v16;
	v17 =	vmin.f32 v17, v15  }
0xd0: {  	s28 =	simm.s32 $0x200;
	v18 =	vld.idx.msk [tilespmem:v7+s26+$0x0 ss:$0x1], $0xffff;
	v17 =	vsel vm15, v16, v17  }
.LBB2_7:
0xd1: {  	p0 =	sne.s32 s28, $0x3E00;
	s29 =	smov.u32 s28;
	s28 =	sadd.s32 $0x200, s28  }
0xd2: {  	_ = 	snop  }
0xd3: {  	v19 =	vmul.f32 v19, v11  }
0xd4: {  	v20 =	vmul.f32 v20, v12  }
0xd5: {  	v21 =	vmul.f32 v21, v14  }
0xd6: {  	v19 =	vadd.f32 v20, v19;
	_ =	sdelay $0x1  }
0xd7: {  	s29 =	sshra.s32 s29, $0x2;
	v19 =	vadd.f32 v21, v19  }
0xd8: {  	v18 =	vadd.f32 v18, v13  }
0xd9: {  	v19 =	vadd.f32 v19, v19;
	_ =	sdelay $0x1  }
0xda: {  	v18 =	vsub.f32 v18, v19  }
0xdb: {  	v15 =	vmin.f32 v16, v15  }
0xdc: {  	v16 =	vmax.f32 v18, $0.0e+00  }
0xdd: {  	vm0 =	vlt.f32 v16, v15;
	v17 =	vmin.f32 v17, v16;
	[tilespmem:s26+$0xE070] =	vst v16;
	v16 =	vmin.f32 v15, v16;
	s26 =	smov.u32 s29  }
0xde: {  	v15 =	vsel vm0, v15, v17;
	v18 =	vld.idx.msk [tilespmem:v3+s26+$0xFFFFFF90 ss:$0x1], $0xffff  }
0xdf: {  	v17 =	vld.idx.msk [tilespmem:v4+s26+$0xFFFFFF90 ss:$0x1], $0xffff;
	_ =	sdelay $0x1  }
0xe0: {  	v19 =	vld.idx.msk [tilespmem:v6+s26+$0xFFFFFF90 ss:$0x1], $0xffff;
	_ =	sdelay $0x2  }
0xe1: {  	v18 =	vmul.f32 v18, v11  }
0xe2: {  	v17 =	vmul.f32 v17, v12;
	v20 =	vld.idx.msk [tilespmem:v7+s26+$0xFFFFFF90 ss:$0x1], $0xffff;
	_ =	sdelay $0x1  }
0xe3: {  	v17 =	vadd.f32 v17, v18;
	v18 =	vmul.f32 v19, v14;
	_ =	sdelay $0x1  }
0xe4: {  	v17 =	vadd.f32 v18, v17;
	_ =	sdelay $0x1  }
0xe5: {  	v18 =	vadd.f32 v20, v13;
	v17 =	vadd.f32 v17, v17;
	_ =	sdelay $0x1  }
0xe6: {  	v17 =	vsub.f32 v18, v17;
	_ =	sdelay $0x1  }
0xe7: {  	v17 =	vmax.f32 v17, $0.0e+00  }
0xe8: {  	vm0 =	vlt.f32 v17, v16;
	v15 =	vmin.f32 v15, v17;
	[tilespmem:s26+$0xE000] =	vst v17  }
0xe9: {  	v15 =	vsel vm0, v16, v15;
	v18 =	vld.idx.msk [tilespmem:v3+s26+$0xFFFFFFA0 ss:$0x1], $0xffff  }
0xea: {  	v19 =	vld.idx.msk [tilespmem:v4+s26+$0xFFFFFFA0 ss:$0x1], $0xffff;
	_ =	sdelay $0x1  }
0xeb: {  	v20 =	vld.idx.msk [tilespmem:v6+s26+$0xFFFFFFA0 ss:$0x1], $0xffff;
	_ =	sdelay $0x3  }
0xec: {  	v18 =	vmul.f32 v18, v11;
	v19 =	vmul.f32 v19, v12;
	v21 =	vld.idx.msk [tilespmem:v7+s26+$0xFFFFFFA0 ss:$0x1], $0xffff;
	_ =	sdelay $0x1  }
0xed: {  	v18 =	vadd.f32 v19, v18;
	v19 =	vmul.f32 v20, v14;
	_ =	sdelay $0x1  }
0xee: {  	v18 =	vadd.f32 v19, v18;
	_ =	sdelay $0x1  }
0xef: {  	v19 =	vadd.f32 v21, v13;
	v18 =	vadd.f32 v18, v18;
	_ =	sdelay $0x1  }
0xf0: {  	v18 =	vsub.f32 v19, v18;
	_ =	sdelay $0x1  }
0xf1: {  	v16 =	vmin.f32 v16, v17;
	v17 =	vmax.f32 v18, $0.0e+00  }
0xf2: {  	vm0 =	vlt.f32 v17, v16;
	v15 =	vmin.f32 v15, v17;
	[tilespmem:s26+$0xE010] =	vst v17;
	v17 =	vmin.f32 v16, v17  }
0xf3: {  	v15 =	vsel vm0, v16, v15;
	v16 =	vld.idx.msk [tilespmem:v3+s26+$0xFFFFFFB0 ss:$0x1], $0xffff  }
0xf4: {  	v18 =	vld.idx.msk [tilespmem:v4+s26+$0xFFFFFFB0 ss:$0x1], $0xffff;
	_ =	sdelay $0x1  }
0xf5: {  	v19 =	vld.idx.msk [tilespmem:v6+s26+$0xFFFFFFB0 ss:$0x1], $0xffff;
	_ =	sdelay $0x2  }
0xf6: {  	v16 =	vmul.f32 v16, v11  }
0xf7: {  	v18 =	vmul.f32 v18, v12;
	v20 =	vld.idx.msk [tilespmem:v7+s26+$0xFFFFFFB0 ss:$0x1], $0xffff;
	_ =	sdelay $0x1  }
0xf8: {  	v16 =	vadd.f32 v18, v16;
	v18 =	vmul.f32 v19, v14;
	_ =	sdelay $0x1  }
0xf9: {  	v16 =	vadd.f32 v18, v16;
	_ =	sdelay $0x1  }
0xfa: {  	v18 =	vadd.f32 v20, v13;
	v16 =	vadd.f32 v16, v16;
	_ =	sdelay $0x1  }
0xfb: {  	v16 =	vsub.f32 v18, v16;
	_ =	sdelay $0x1  }
0xfc: {  	v16 =	vmax.f32 v16, $0.0e+00  }
0xfd: {  	vm0 =	vlt.f32 v16, v17;
	v15 =	vmin.f32 v15, v16;
	[tilespmem:s26+$0xE020] =	vst v16  }
0xfe: {  	v15 =	vsel vm0, v17, v15;
	v18 =	vld.idx.msk [tilespmem:v3+s26+$0xFFFFFFC0 ss:$0x1], $0xffff  }
0xff: {  	v19 =	vld.idx.msk [tilespmem:v4+s26+$0xFFFFFFC0 ss:$0x1], $0xffff  }
0x100: {  	v20 =	vld.idx.msk [tilespmem:v6+s26+$0xFFFFFFC0 ss:$0x1], $0xffff;
	_ =	sdelay $0x3  }
0x101: {  	v18 =	vmul.f32 v18, v11  }
0x102: {  	v19 =	vmul.f32 v19, v12;
	v21 =	vld.idx.msk [tilespmem:v7+s26+$0xFFFFFFC0 ss:$0x1], $0xffff;
	_ =	sdelay $0x1  }
0x103: {  	v18 =	vadd.f32 v19, v18;
	v19 =	vmul.f32 v20, v14;
	_ =	sdelay $0x1  }
0x104: {  	v18 =	vadd.f32 v19, v18;
	_ =	sdelay $0x1  }
0x105: {  	v19 =	vadd.f32 v21, v13;
	v18 =	vadd.f32 v18, v18;
	_ =	sdelay $0x1  }
0x106: {  	v18 =	vsub.f32 v19, v18;
	_ =	sdelay $0x1  }
0x107: {  	v16 =	vmin.f32 v17, v16;
	v17 =	vmax.f32 v18, $0.0e+00  }
0x108: {  	vm0 =	vlt.f32 v17, v16;
	v15 =	vmin.f32 v15, v17;
	[tilespmem:s26+$0xE030] =	vst v17  }
0x109: {  	v18 =	vld.idx.msk [tilespmem:v3+s26+$0xFFFFFFD0 ss:$0x1], $0xffff  }
0x10a: {  	v19 =	vld.idx.msk [tilespmem:v4+s26+$0xFFFFFFD0 ss:$0x1], $0xffff  }
0x10b: {  	v20 =	vld.idx.msk [tilespmem:v6+s26+$0xFFFFFFD0 ss:$0x1], $0xffff  }
0x10c: {  	v21 =	vld.idx.msk [tilespmem:v7+s26+$0xFFFFFFD0 ss:$0x1], $0xffff;
	_ =	sdelay $0x2  }
0x10d: {  	v18 =	vmul.f32 v18, v11  }
0x10e: {  	v19 =	vmul.f32 v19, v12;
	_ =	sdelay $0x1  }
0x10f: {  	v18 =	vadd.f32 v19, v18;
	v19 =	vmul.f32 v20, v14;
	_ =	sdelay $0x1  }
0x110: {  	v18 =	vadd.f32 v19, v18;
	_ =	sdelay $0x1  }
0x111: {  	v19 =	vadd.f32 v21, v13;
	v18 =	vadd.f32 v18, v18;
	_ =	sdelay $0x1  }
0x112: {  	v18 =	vsub.f32 v19, v18;
	_ =	sdelay $0x1  }
0x113: {  	v15 =	vsel vm0, v16, v15;
	v16 =	vmin.f32 v16, v17;
	v17 =	vmax.f32 v18, $0.0e+00  }
0x114: {  	vm0 =	vlt.f32 v17, v16;
	v15 =	vmin.f32 v15, v17;
	[tilespmem:s26+$0xE040] =	vst v17  }
0x115: {  	v15 =	vsel vm0, v16, v15;
	v18 =	vld.idx.msk [tilespmem:v3+s26+$0xFFFFFFE0 ss:$0x1], $0xffff  }
0x116: {  	v19 =	vld.idx.msk [tilespmem:v4+s26+$0xFFFFFFE0 ss:$0x1], $0xffff  }
0x117: {  	v20 =	vld.idx.msk [tilespmem:v6+s26+$0xFFFFFFE0 ss:$0x1], $0xffff  }
0x118: {  	v21 =	vld.idx.msk [tilespmem:v7+s26+$0xFFFFFFE0 ss:$0x1], $0xffff;
	_ =	sdelay $0x3  }
0x119: {  	v18 =	vmul.f32 v18, v11;
	v19 =	vmul.f32 v19, v12;
	_ =	sdelay $0x1  }
0x11a: {  	v18 =	vadd.f32 v19, v18;
	v19 =	vmul.f32 v20, v14;
	_ =	sdelay $0x1  }
0x11b: {  	v18 =	vadd.f32 v19, v18;
	_ =	sdelay $0x1  }
0x11c: {  	v19 =	vadd.f32 v21, v13;
	v18 =	vadd.f32 v18, v18;
	_ =	sdelay $0x1  }
0x11d: {  	v18 =	vsub.f32 v19, v18;
	_ =	sdelay $0x1  }
0x11e: {  	v18 =	vmax.f32 v18, $0.0e+00  }
0x11f: {  	[tilespmem:s26+$0xE050] =	vst v18  }
0x120: {  	v19 =	vld.idx.msk [tilespmem:v3+s26+$0xFFFFFFF0 ss:$0x1], $0xffff  }
0x121: {  	v20 =	vld.idx.msk [tilespmem:v4+s26+$0xFFFFFFF0 ss:$0x1], $0xffff  }
0x122: {  	v21 =	vld.idx.msk [tilespmem:v6+s26+$0xFFFFFFF0 ss:$0x1], $0xffff  }
0x123: {  	v22 =	vld.idx.msk [tilespmem:v7+s26+$0xFFFFFFF0 ss:$0x1], $0xffff;
	_ =	sdelay $0x3  }
0x124: {  	v19 =	vmul.f32 v19, v11;
	v20 =	vmul.f32 v20, v12;
	_ =	sdelay $0x1  }
0x125: {  	v19 =	vadd.f32 v20, v19;
	v20 =	vmul.f32 v21, v14;
	_ =	sdelay $0x1  }
0x126: {  	v19 =	vadd.f32 v20, v19;
	_ =	sdelay $0x1  }
0x127: {  	v20 =	vadd.f32 v22, v13;
	v19 =	vadd.f32 v19, v19;
	_ =	sdelay $0x1  }
0x128: {  	v16 =	vmin.f32 v16, v17;
	v17 =	vsub.f32 v20, v19  }
0x129: {  	vm0 =	vlt.f32 v18, v16;
	v15 =	vmin.f32 v15, v18  }
0x12a: {  	v19 =	vsel vm0, v16, v15;
	v16 =	vmin.f32 v16, v18;
	v15 =	vmax.f32 v17, $0.0e+00  }
.Ltmp6:
0x12b: {  	vm0 =	vlt.f32 v15, v16;
	v17 =	vmin.f32 v19, v15;
	[tilespmem:s26+$0xE060] =	vst v15;
	(pc) =	sbr.rel @p0 .LBB2_7-.Ltmp6, $4  }
0x12c: {  	v17 =	vsel vm0, v16, v17;
	v19 =	vld.idx.msk [tilespmem:v3+s26+$0x0 ss:$0x1], $0xffff  }
0x12d: {  	v20 =	vld.idx.msk [tilespmem:v4+s26+$0x0 ss:$0x1], $0xffff  }
0x12e: {  	v21 =	vld.idx.msk [tilespmem:v6+s26+$0x0 ss:$0x1], $0xffff  }
0x12f: {  	v18 =	vld.idx.msk [tilespmem:v7+s26+$0x0 ss:$0x1], $0xffff  }
0x130: {  	_ =	sdelay $0x1  }
0x131: {  	v11 =	vmul.f32 v19, v11;
	v12 =	vmul.f32 v20, v12;
	_ =	sdelay $0x1  }
0x132: {  	v14 =	vmul.f32 v21, v14;
	v11 =	vadd.f32 v12, v11;
	_ =	sdelay $0x1  }
0x133: {  	v11 =	vadd.f32 v14, v11;
	_ =	sdelay $0x1  }
0x134: {  	v12 =	vadd.f32 v18, v13;
	v11 =	vadd.f32 v11, v11;
	_ =	sdelay $0x1  }
0x135: {  	v11 =	vsub.f32 v12, v11;
	_ =	sdelay $0x1  }
0x136: {  	v12 =	vmin.f32 v16, v15;
	v11 =	vmax.f32 v11, $0.0e+00  }
0x137: {  	vm0 =	vlt.f32 v11, v12;
	v13 =	vmin.f32 v17, v11  }
0x138: {  	v12 =	vsel vm0, v12, v13  }
0x139: {  	(xrf0) =	vmax.scan.msk.f32 $0xffff, v12;
	_ =	sdelay $0x5  }
0x13a: {  	v12, _, _ =	vpop (xrf0)  }
0x13b: {  	s28 =	simm.s32 $0xE020;
	[tilespmem:s26+$0xE070] =	vst v11;
	s26 =	simm.s32 $0x0;
	v11 =	vbroadcast v12, $0xF;
	v12 =	vimm.s32 $0x0  }
.LBB2_9:
0x13c: {  	v13 =	vld [tilespmem:s28+$0xFFFFFFE0];
	_ =	sdelay $0x4  }
0x13d: {  	vm0 =	vle.f32 v13, v11  }
0x13e: {  	v14 =	vsel vm0, $0x1, v2  }
0x13f: {  	(xrf0) =	vadd.scan.msk.s32 $0xffff, v14;
	_ =	sdelay $0x5  }
0x140: {  	v14, _, _ =	vpop (xrf0)  }
0x141: {  	v14 =	vadd.s32 v14, v12  }
0x142: {  	v14 =	vadd.s32 $0xFFFFFFFF, v14;
	_ =	sdelay $0x3  }
0x143: {  	s29 =	sadd.s32 s26, s12  }
0x144: {  	[tilespmem:v14+s21+$0x0] =	vst.idx.msk vm0, v13;
	v13 =	vor.u32 s29, v0  }
0x145: {  	[tilespmem:v14+s22+$0x0] =	vst.idx.msk vm0, v13  }
0x146: {  	v13 =	vld [tilespmem:s28+$0xFFFFFFF0];
	_ =	sdelay $0x4  }
0x147: {  	vm1 =	vle.f32 v13, v11  }
0x148: {  	v14 =	vsel vm1, $0x1, v2  }
0x149: {  	(xrf0) =	vadd.scan.msk.s32 $0xffff, v14;
	_ =	sdelay $0x1  }
0x14a: {  	v14 =	vmpcnt.ones.xlane vm0;
	_ =	sdelay $0x3  }
0x14b: {  	v12 =	vadd.s32 v12, v14;
	v14, _, _ =	vpop (xrf0)  }
0x14c: {  	v14 =	vadd.s32 v14, v12  }
0x14d: {  	v14 =	vadd.s32 $0xFFFFFFFF, v14;
	_ =	sdelay $0x3  }
0x14e: {  	s30 =	sadd.s32 $0x10, s29  }
0x14f: {  	[tilespmem:v14+s21+$0x0] =	vst.idx.msk vm1, v13;
	v13 =	vor.u32 s30, v0  }
0x150: {  	[tilespmem:v14+s22+$0x0] =	vst.idx.msk vm1, v13  }
0x151: {  	v13 =	vld [tilespmem:s28+$0x0];
	_ =	sdelay $0x4  }
0x152: {  	vm14 =	vle.f32 v13, v11  }
0x153: {  	v14 =	vsel vm14, $0x1, v2  }
0x154: {  	(xrf0) =	vadd.scan.msk.s32 $0xffff, v14;
	_ =	sdelay $0x1  }
0x155: {  	v14 =	vmpcnt.ones.xlane vm1;
	_ =	sdelay $0x3  }
0x156: {  	v12 =	vadd.s32 v12, v14;
	v14, _, _ =	vpop (xrf0)  }
0x157: {  	v14 =	vadd.s32 v14, v12  }
0x158: {  	v14 =	vadd.s32 $0xFFFFFFFF, v14;
	_ =	sdelay $0x3  }
0x159: {  	s31 =	sadd.s32 $0x20, s29  }
0x15a: {  	[tilespmem:v14+s21+$0x0] =	vst.idx.msk vm14, v13;
	v13 =	vor.u32 s31, v0  }
0x15b: {  	[tilespmem:v14+s22+$0x0] =	vst.idx.msk vm14, v13  }
0x15c: {  	v13 =	vld [tilespmem:s28+$0x10];
	_ =	sdelay $0x4  }
0x15d: {  	vm15 =	vle.f32 v13, v11  }
0x15e: {  	v14 =	vsel vm15, $0x1, v2  }
0x15f: {  	(xrf0) =	vadd.scan.msk.s32 $0xffff, v14;
	_ =	sdelay $0x1  }
0x160: {  	v14 =	vmpcnt.ones.xlane vm14;
	_ =	sdelay $0x3  }
0x161: {  	v12 =	vadd.s32 v12, v14;
	v14, _, _ =	vpop (xrf0)  }
0x162: {  	v14 =	vadd.s32 v14, v12  }
0x163: {  	v14 =	vadd.s32 $0xFFFFFFFF, v14  }
0x164: {  	p0 =	sne.s32 s26, $0xFC0  }
.Ltmp7:
0x165: {  	_ = 	snop;
	(pc) =	sbr.rel @p0 .LBB2_9-.Ltmp7, $4  }
0x166: {  	_ = 	snop  }
0x167: {  	s29 =	sadd.s32 $0x30, s29;
	v15 =	vmpcnt.ones.xlane vm15  }
0x168: {  	[tilespmem:v14+s21+$0x0] =	vst.idx.msk vm15, v13;
	v13 =	vor.u32 s29, v0  }
0x169: {  	s26 =	sadd.s32 $0x40, s26;
	s28 =	sadd.s32 $0x40, s28;
	v12 =	vadd.s32 v12, v15;
	[tilespmem:v14+s22+$0x0] =	vst.idx.msk vm15, v13  }
0x16a: {  	(v2sf) =	vpush v12, $0x0;
	_ =	sdelay $0xe  }
0x16b: {  	s28 =	spop (v2sf)  }
0x16c: {  	s26 =	sadd.s32 $0xF, s28  }
0x16d: {  	s29 =	sand.u32 $0xF, s26  }
0x16e: {  	s31 =	sshra.s32 s26, $0x1F;
	p1 =	slt.s32 s26, $0x1;
	p0 =	sne.s32 s29, $0x0  }
0x16f: {  	s29 =	sshrl.u32 s31, $0x1C;
	p0 =	por !p1, !p0  }
0x170: {  	s26 =	sadd.s32 s29, s26;
	s29 =	simm.s32 $0x1;
	p0 =	por !p0, !p0  }
0x171: {  	s26 =	sshra.s32 s26, $0x4;
	s29 =	simm.s32 @!p0 $0x0  }
0x172: {  	s26 =	ssub.s32 s26, s29  }
0x173: {  	p0 =	slt.s32 s26, $0x1  }
.Ltmp8:
0x174: {  	_ = 	snop;
	(pc) =	sbr.rel @p0 .LBB2_11-.Ltmp8, $3  }
0x175: {  	_ =	sdelay $0x1  }
0x176: {  	v12 =	vimm.f32 $3.000000010e+38  }
0x177: {  	v11 =	vimm.s32 $0x0;
	[tilespmem:s28+$0xF000] =	vst v12  }
0x178: {  	s28 =	simm.s32 $0xF000  }
0x179: {  	s29 =	simm.s32 $0x10080;
	v13 =	vld [tilespmem:s28+$0x0]  }
0x17a: {  	p1 =	sne.s32 s26, $0x1;
	v14 =	vld [tilespmem:s29+$0x0]  }
.Ltmp9:
0x17b: {  	_ = 	snop;
	(pc) =	sbr.rel @!p1 .LBB2_13-.Ltmp9, $2  }
0x17c: {  	_ =	sdelay $0x2  }
0x17d: {  	p0 =	por $0x0, $0x0;
	s29 =	sadd.s32 $0xFFFFFFFF, s26;
	(xrf1) =	vsort.ascd.msk.f32 $0xffff, v13, v14  }
0x17e: {  	_ =	sdelay $0xc  }
0x17f: {  	v13, v14, _ =	vpop (xrf1)  }
0x180: {  	s26 =	simm.s32 $0xF010;
	v13 =	vperm.xlane v13, v5  }
0x181: {  	s28 =	simm.s32 $0x10090;
	v15 =	vld [tilespmem:s26+$0x0];
	v14 =	vperm.xlane v14, v5  }
0x182: {  	p1 =	sne.s32 s29, $0x1;
	v16 =	vld [tilespmem:s28+$0x0];
	vm0 =	vle.f32 v12, v13  }
.Ltmp10:
0x183: {  	v13 =	vsel vm0, v12, v13;
	v14 =	vsel vm0, v11, v14;
	(pc) =	sbr.rel @!p1 .LBB2_15-.Ltmp10, $2  }
0x184: {  	(xrf1) =	vsort.ascd.msk.f32 $0xffff, v13, v14;
	_ =	sdelay $0x2  }
0x185: {  	s29 =	sadd.s32 $0xFFFFFFFF, s29;
	p0 =	por $0x1, $0x1;
	v14 =	vimm.f32 $3.000000010e+38;
	v13 =	vimm.s32 $0x0;
	(xrf1) =	vsort.ascd.msk.f32 $0xffff, v15, v16  }
.LBB2_16:
0x186: {  	_ = 	snop  }
0x187: {  	p1 =	sne.s32 s29, $0x1;
	s29 =	sadd.s32 $0xFFFFFFFF, s29;
	_ =	sdelay $0x8  }
0x188: {  	v15, v16, _ =	vpop (xrf1)  }
0x189: {  	v15 =	vperm.xlane v15, v5  }
0x18a: {  	v16 =	vperm.xlane v16, v5  }
0x18b: {  	v17, v18, _ =	vpop (xrf1);
	vm0 =	vle.f32 v14, v15  }
0x18c: {  	v17 =	vperm.xlane v17, v5;
	v19 =	vsel vm0, v15, v14;
	v20 =	vsel vm0, v16, v13  }
0x18d: {  	v14 =	vsel vm0, v14, v15;
	v13 =	vsel vm0, v13, v16;
	(xrf1) =	vsort.ascd.msk.f32 $0xffff, v19, v20  }
0x18e: {  	(xrf1) =	vsort.ascd.msk.f32 $0xffff, v14, v13;
	_ =	sdelay $0xb  }
0x18f: {  	s26 =	sadd.s32 $0x10, s26  }
0x190: {  	s28 =	sadd.s32 $0x10, s28;
	v16 =	vperm.xlane v18, v5;
	v15 =	vld [tilespmem:s26+$0x0];
	v18, v19, _ =	vpop (xrf1)  }
0x191: {  	v20 =	vld [tilespmem:s28+$0x0];
	vm0 =	vle.f32 v18, v17;
	v14, v13, _ =	vpop (xrf1)  }
.Ltmp11:
0x192: {  	v17 =	vsel vm0, v18, v17;
	v16 =	vsel vm0, v19, v16;
	(pc) =	sbr.rel @p1 .LBB2_16-.Ltmp11, $2  }
0x193: {  	(xrf1) =	vsort.ascd.msk.f32 $0xffff, v17, v16;
	_ =	sdelay $0x2  }
0x194: {  	(xrf1) =	vsort.ascd.msk.f32 $0xffff, v15, v20  }
.LBB2_17:
0x195: {  	_ =	sdelay $0x9  }
0x196: {  	v15, v16, _ =	vpop @p0 (xrf1)  }
0x197: {  	v15 =	vperm.xlane @p0 v15, v5  }
0x198: {  	v16 =	vperm.xlane @p0 v16, v5  }
0x199: {  	vm0 =	vle.f32 @p0 v14, v15  }
0x19a: {  	v17 =	vsel @p0 vm0, v15, v14;
	v18 =	vsel @p0 vm0, v16, v13  }
0x19b: {  	(xrf1) =	vsort.ascd.msk.f32 @p0 $0xffff, v17, v18;
	_ =	sdelay $0xc  }
0x19c: {  	v17, v18, _ =	vpop (xrf1)  }
0x19d: {  	v17 =	vperm.xlane v17, v5;
	v19, v20, _ =	vpop @p0 (xrf1)  }
0x19e: {  	v14 =	vsel @p0 vm0, v14, v15;
	v15 =	vperm.xlane v18, v5;
	v62 =	vpsel p0, v19, v12  }
0x19f: {  	v13 =	vsel @p0 vm0, v13, v16;
	v63 =	vpsel p0, v20, v11;
	vm14 =	vle.f32 v62, v17  }
0x1a0: {  	(xrf1) =	vsort.ascd.msk.f32 @p0 $0xffff, v14, v13;
	v13 =	vsel vm14, v62, v17;
	v14 =	vsel vm14, v63, v15  }
0x1a1: {  	(xrf1) =	vsort.ascd.msk.f32 $0xffff, v13, v14;
	_ =	sdelay $0xc  }
0x1a2: {  	v13, v14, _ =	vpop @p0 (xrf1)  }
0x1a3: {  	v15, v16, _ =	vpop (xrf1)  }
0x1a4: {  	v15 =	vperm.xlane v15, v5  }
0x1a5: {  	v12 =	vpsel p0, v13, v12;
	v13 =	vperm.xlane v16, v5  }
0x1a6: {  	v11 =	vpsel p0, v14, v11;
	vm15 =	vle.f32 v12, v15  }
0x1a7: {  	v14 =	vsel vm15, v15, v12;
	v16 =	vsel vm15, v13, v11  }
0x1a8: {  	(xrf1) =	vsort.ascd.msk.f32 $0xffff, v14, v16  }
0x1a9: {  	v12 =	vsel vm15, v12, v15;
	v11 =	vsel vm15, v11, v13  }
0x1aa: {  	(xrf1) =	vsort.ascd.msk.f32 $0xffff, v12, v11;
	_ =	sdelay $0x9  }
.Ltmp12:
0x1ab: {  	_ = 	snop;
	(pc) =	sbr.rel .LBB2_18-.Ltmp12, $3  }
0x1ac: {  	_ = 	snop  }
0x1ad: {  	v11, v12, _ =	vpop (xrf1);
	_ =	sdelay $0x1  }
0x1ae: {  	v13, v11, _ =	vpop (xrf1)  }
.LBB2_13:
.Ltmp13:
0x1af: {  	(pc) =	sbr.rel .LBB2_17-.Ltmp13, $2  }
0x1b0: {  	_ =	sdelay $0x2  }
0x1b1: {  	v14 =	vimm.f32 $3.000000010e+38;
	v13 =	vimm.s32 $0x0  }
.LBB2_15:
.Ltmp14:
0x1b2: {  	(pc) =	sbr.rel .LBB2_17-.Ltmp14, $2  }
0x1b3: {  	_ =	sdelay $0x2  }
0x1b4: {  	v14 =	vimm.f32 $3.000000010e+38;
	v13 =	vimm.s32 $0x0  }
.LBB2_20:
0x1b5: {  	_ =	sfence.sel $0x180000  }
0x1b6: {  	[bflag:$0x0] =	sbarrier.arrive $0xFFFF  }
0x1b7: {  	p0 =	sne.s32 s7, $0x0;
	_ =	strace $0x90000047  }
0x1b8: {  	s0 =	sadd.s32 @!p0 $0x100000, s0;
	[bflag:$0x2] =	sbarrier.arrive $0xFFFF  }
0x1b9: {  	[sflag:s0] =	ssyncadd.tile.s32 @!p0 $0x1;
	_ =	shalt  }
.Lfunc_end2:
_tile_overlayer_lowered:
.L_overlay_start_2:
0x1ba: {  	(tag) =	ssettag $0x2  }
0x1bb: {  	s0 =	rddreg [dreg:$0x0];
	s2 =	stileid.u32  }
0x1bc: {  	s1 =	rddreg [dreg:$0x1];
	p0 =	sne.s32 s2, $0x0  }
0x1bd: {  	s3 =	rddreg [dreg:$0x2];
	[bflag:$0x3] =	sbarrier.arrive $0xFFFF;
	s2 =	simm.s32 @!p0 $0x1C01  }
0x1be: {  	[timem:s3], [sflag:s2] =	dma.local @!p0 [hbm:s0], s1  }
0x1bf: {  	s0 =	simm.s32 @!p0 $0x1  }
0x1c0: {  	_ =	swait.ge @!p0 [sflag:s0], s1  }
0x1c1: {  	s1 =	ssub.s32 @!p0 $0x0, s1;
	[sflag:s0] =	ssyncset.done @!p0 $0x0  }
0x1c2: {  	[sflag:s0] =	ssyncadd.s32 @!p0 s1  }
0x1c3: {  	[bflag:$0x3] =	sbarrier.arrive $0xFFFF  }
0x1c4: {  	_ =	shalt  }

</sc_bundles>
